<compile_context>
chip_gen: v7x
topology: tpu7x:2x2x1
jax: 0.10.2.dev20260603
libtpu: 0.0.44.dev20260713+nightly
codegen_flags: <defaults>
</compile_context>

<pallas_src>
import functools

import numpy as np
import jax
import jax.numpy as jnp
from jax import lax
from jax.experimental import pallas as pl
from jax.experimental.pallas import tpu as pltpu
from jax.experimental.pallas import tpu_sc as plsc

_N_LEVELS = 16
_MIN_RES = 16
_MAX_RES = 512
_N_ENC = 524288
_B = 262144
_P1 = 2654435761
_P2 = 805459861

_NC = 2
_NS = 16
_LANES = 16


def _level_config():
    g = np.exp((np.log(np.float32(_MAX_RES)) - np.log(np.float32(_MIN_RES)))
               / np.float32(_N_LEVELS - 1))
    res = [int(np.floor(np.float32(_MIN_RES) * g ** l)) for l in range(_N_LEVELS)]
    sizes = [min(r ** 3, _N_ENC) for r in res]
    directs = [r ** 3 < _N_ENC for r in res]
    return res, sizes, directs


_RES, _SIZES, _DIRECT = _level_config()
_N_DIRECT = sum(_DIRECT)
_ROW_OFF = np.cumsum([0] + [s + 1 for s in _SIZES]).astype(np.int32)

_HH_C = np.array([r * 0.5 for r in _RES], np.float32)
_R1_C = np.array([r - 1 for r in _RES], np.int32)
_R2_C = np.array([r * r for r in _RES], np.int32)
_RR_C = np.array(_RES, np.int32)
_OFF_C = _ROW_OFF[:_N_LEVELS]


def _make_encoder(batch, chunk):
    nw = _NC * _NS
    pw = batch // nw
    n_chunks = pw // chunk
    nv = chunk // _LANES
    n_rows = 8 * chunk // 128
    assert batch % nw == 0 and pw % chunk == 0 and chunk % _LANES == 0
    assert (8 * chunk) % 128 == 0

    mesh = plsc.VectorSubcoreMesh(core_axis_name="c", subcore_axis_name="s",
                                  num_cores=_NC, num_subcores=_NS)

    @functools.partial(
        pl.kernel,
        out_type=jax.ShapeDtypeStruct((batch, _N_LEVELS, 2), jnp.float32),
        mesh=mesh,
        compiler_params=pltpu.CompilerParams(needs_layout_passes=False,
                                             use_tc_tiling_on_sc=False),
        scratch_types=[
            pltpu.VMEM((3 * chunk,), jnp.float32),
            pltpu.VMEM((2 * n_rows * 128,), jnp.int32),
            pltpu.VMEM((2 * n_rows * 128,), jnp.float32),
            pltpu.VMEM((2 * 8 * chunk, 8), jnp.float32),
            pltpu.VMEM((chunk, _N_LEVELS, 2), jnp.float32),
            pltpu.VMEM((_N_LEVELS * _LANES,), jnp.float32),
            pltpu.VMEM((4 * _N_LEVELS * _LANES,), jnp.int32),
            pltpu.SemaphoreType.DMA((2,)),
        ],
    )
    def encode(x_t, emb_all, const_f, const_i, out, xch, idx2, w2, rows,
               outv, cfv, civ, sems):
        wid = lax.axis_index("s") * _NC + lax.axis_index("c")
        wbase = wid * pw

        iota = lax.iota(jnp.int32, _LANES)
        zero16 = jnp.zeros((_LANES,), jnp.int32)
        one16 = jnp.ones((_LANES,), jnp.int32)
        p1 = jnp.uint32(_P1)
        p2 = jnp.uint32(_P2)

        pltpu.sync_copy(const_f, cfv)
        pltpu.sync_copy(const_i, civ)
        nl16 = _N_LEVELS * _LANES

        def compute_fire(lvl, parity):
            pb = parity * n_rows
            rb = parity * 8 * chunk
            lvlv = jnp.full((_LANES,), lvl, jnp.int32)
            hh = cfv[pl.ds(lvl * _LANES, _LANES)]
            r1 = civ[pl.ds(lvl * _LANES, _LANES)]
            r2 = civ[pl.ds(nl16 + lvl * _LANES, _LANES)]
            rr = civ[pl.ds(2 * nl16 + lvl * _LANES, _LANES)]
            off = civ[pl.ds(3 * nl16 + lvl * _LANES, _LANES)]
            is_dir = lvlv < _N_DIRECT

            def vec_one(v):
                qb = (pb + v) * 128

                def floor_frac(xv):
                    xg = (xv + 1.0) * hh - 0.5
                    t = xg.astype(jnp.int32)
                    tf = t.astype(jnp.float32)
                    fli = jnp.where(tf > xg, t - 1, t)
                    frac = xg - fli.astype(jnp.float32)
                    return fli, frac

                f0i, f0 = floor_frac(xch[pl.ds(v * _LANES, _LANES)])
                f1i, f1 = floor_frac(xch[pl.ds(chunk + v * _LANES, _LANES)])
                f2i, f2 = floor_frac(xch[pl.ds(2 * chunk + v * _LANES, _LANES)])
                lo0, hi0 = f0i >= 0, f0i < r1
                lo1, hi1 = f1i >= 0, f1i < r1
                okz = (f2i >= 0, f2i < r1)
                wf0 = (1.0 - f0, f0)
                wf1 = (1.0 - f1, f1)
                wf2 = (1.0 - f2, f2)
                mm = {}
                ww = {}
                sd = {}
                gg = {}
                d0a = f0i * r2
                d1a = f1i * rr
                dir0 = (d0a, d0a + r2)
                dir1 = (d1a, d1a + rr)
                dir2 = (f2i, f2i + 1)
                u0 = f0i.astype(jnp.uint32)
                u1 = f1i.astype(jnp.uint32)
                u2 = f2i.astype(jnp.uint32)
                h0 = (u0, u0 + jnp.uint32(1))
                h1a = u1 * p1
                h1 = (h1a, h1a + p1)
                h2a = u2 * p2
                h2 = (h2a, h2a + p2)
                ok0 = (lo0, hi0)
                ok1 = (lo1, hi1)
                for a in range(2):
                    for b in range(2):
                        mm[a, b] = ok0[a] & ok1[b]
                        ww[a, b] = wf0[a] * wf1[b]
                        sd[a, b] = dir0[a] + dir1[b]
                        gg[a, b] = h0[a] ^ h1[b]
                for j in range(8):
                    o0, o1, o2 = (j >> 2) & 1, (j >> 1) & 1, j & 1
                    m = mm[o0, o1] & okz[o2]
                    id_dir = sd[o0, o1] + dir2[o2]
                    hsh = gg[o0, o1] ^ h2[o2]
                    id_hsh = (hsh & jnp.uint32(_N_ENC - 1)).astype(jnp.int32)
                    ids = jnp.where(is_dir, id_dir, id_hsh)
                    w = ww[o0, o1] * wf2[o2]
                    ids = jnp.where(m, ids, 0) + off
                    w = jnp.where(m, w, 0.0)
                    idx2[pl.ds(qb + j * _LANES, _LANES)] = ids
                    w2[pl.ds(qb + j * _LANES, _LANES)] = w

            def vec_body(v2, _):
                for u in range(2):
                    vec_one(v2 * 2 + u)
                return 0

            lax.fori_loop(0, nv // 2, vec_body, 0)

            def k_body(k, _):
                pltpu.async_copy(emb_all.at[idx2.at[pl.ds((pb + k) * 128, 128)]],
                                 rows.at[pl.ds(rb + k * 128, 128)],
                                 sems.at[parity])
                return 0

            lax.fori_loop(0, n_rows, k_body, 0)

        def drain_reduce(lvl, parity):
            pb = parity * n_rows
            rb = parity * 8 * chunk
            pltpu.make_async_copy(emb_all.at[pl.ds(0, 8 * chunk)],
                                  rows.at[pl.ds(rb, 8 * chunk)],
                                  sems.at[parity]).wait()
            lvl16 = jnp.full((_LANES,), lvl, jnp.int32)

            def vec_one(v):
                pidx = v * _LANES + iota
                acc0 = jnp.zeros((_LANES,), jnp.float32)
                acc1 = jnp.zeros((_LANES,), jnp.float32)
                for j in range(8):
                    ridx = rb + v * 128 + j * _LANES + iota
                    ev0 = plsc.load_gather(rows, [ridx, zero16])
                    ev1 = plsc.load_gather(rows, [ridx, one16])
                    wv = w2[pl.ds((pb + v) * 128 + j * _LANES, _LANES)]
                    acc0 = acc0 + ev0 * wv
                    acc1 = acc1 + ev1 * wv
                plsc.store_scatter(outv, [pidx, lvl16, zero16], acc0)
                plsc.store_scatter(outv, [pidx, lvl16, one16], acc1)

            def vec_body(v2, _):
                for u in range(2):
                    vec_one(v2 * 2 + u)
                return 0

            lax.fori_loop(0, nv // 2, vec_body, 0)

        def chunk_body(ci, _):
            gb = wbase + ci * chunk
            for d in range(3):
                pltpu.sync_copy(x_t.at[d, pl.ds(gb, chunk)],
                                xch.at[pl.ds(d * chunk, chunk)])

            compute_fire(0, 0)

            def level_body(l, _):
                compute_fire(l, lax.rem(l, 2))
                drain_reduce(l - 1, lax.rem(l - 1, 2))
                return 0

            lax.fori_loop(1, _N_LEVELS, level_body, 0)
            drain_reduce(_N_LEVELS - 1, (_N_LEVELS - 1) % 2)
            pltpu.sync_copy(outv, out.at[pl.ds(gb, chunk)])
            return 0

        lax.fori_loop(0, n_chunks, chunk_body, 0)

    return encode


_ENCODER = None


def _get_encoder():
    global _ENCODER
    if _ENCODER is None:
        _ENCODER = _make_encoder(_B, 256)
    return _ENCODER


def kernel(x, emb0, emb1, emb2, emb3, emb4, emb5, emb6, emb7, emb8, emb9,
           emb10, emb11, emb12, emb13, emb14, emb15):
    x_t = x.T
    emb_all = jnp.concatenate(
        [emb0, emb1, emb2, emb3, emb4, emb5, emb6, emb7, emb8, emb9, emb10,
         emb11, emb12, emb13, emb14, emb15], axis=0)
    emb_all = jnp.pad(emb_all, ((0, 0), (0, 6)))
    const_f = jnp.asarray(np.repeat(_HH_C, _LANES))
    const_i = jnp.asarray(np.concatenate(
        [np.repeat(c, _LANES) for c in (_R1_C, _R2_C, _RR_C, _OFF_C)]))
    return _get_encoder()(x_t, emb_all, const_f, const_i)

# --- scband reference (transcript-rebuilt; emitter-appended) ---
"""Pipeline reference for scband-multi-level-sparse-hash-encoding-18872086298817 (READ-ONLY COPY).

The authoritative reference and input builder live on the scoring server;
editing this copy changes nothing except your own understanding.
"""

import jax, jax.numpy as jnp
import numpy as np
import itertools

N_LEVELS = 16
MIN_RES = 16
MAX_RES = 512
N_ENC = 524288
N_DIM = 3
N_EMB = 2
B = 262144
PRIMES = np.array([1, 2654435761, 805459861], dtype=np.uint32)
OFFSETS = np.array(list(itertools.product([0, 1], repeat=N_DIM)), dtype=np.int32)

def compute_resolutions():
    g = np.exp((np.log(np.float32(MAX_RES)) - np.log(np.float32(MIN_RES))) / np.float32(N_LEVELS - 1))
    return [int(np.floor(np.float32(MIN_RES) * g ** l)) for l in range(N_LEVELS)]

def level_config():
    res = compute_resolutions()
    sizes = [min(r ** N_DIM, N_ENC) for r in res]
    directs = [r ** N_DIM < N_ENC for r in res]
    return res, sizes, directs

def linear_interpolate_info(xg, R):
    fl = jnp.floor(xg)
    frac = xg - fl
    fli = fl.astype(jnp.int32)
    offs = jnp.asarray(OFFSETS)
    c = fli[:, None, :] + offs[None, :, :]
    w = jnp.prod(jnp.where(offs[None, :, :] == 1, frac[:, None, :], 1.0 - frac[:, None, :]), axis=-1)
    m = jnp.all((c >= 0) & (c < R), axis=-1)
    return c, w, m

def ravel_index(c, R):
    ids = c[..., 0]
    for i in range(1, N_DIM):
        ids = ids * R + c[..., i]
    return ids

def xor_index_hashing(c, n_enc):
    cu = c.astype(jnp.uint32)
    h = cu[..., 0] * jnp.asarray(PRIMES[0])
    for i in range(1, N_DIM):
        h = h ^ (cu[..., i] * jnp.asarray(PRIMES[i]))
    return (h % jnp.uint32(n_enc)).astype(jnp.int32)

def find_embeddings(x, R, direct, n_enc):
    xg = (x + 1.0) * R * 0.5 - 0.5
    c, w, m = linear_interpolate_info(xg, R)
    if direct:
        ids = ravel_index(c, R)
    else:
        ids = xor_index_hashing(c, n_enc)
    ids = jnp.where(m, ids, n_enc)
    ids = jnp.clip(ids, 0, n_enc)
    return ids, w, m

def setup_inputs(seed: int = 0):
    key = jax.random.key(seed)
    kx, key = jax.random.split(key)
    x = jax.random.uniform(kx, (B, N_DIM), dtype=jnp.float32, minval=-1.0, maxval=1.0)
    _, sizes, _ = level_config()
    inputs = {'x': x}
    for lvl, n in enumerate(sizes):
        key, kl = jax.random.split(key)
        emb = jax.random.uniform(kl, (n + 1, N_EMB), dtype=jnp.float32, minval=-1e-4, maxval=1e-4)
        emb = emb.at[-1, :].set(0.0)
        inputs['emb' + str(lvl)] = emb
    return inputs

def reference(x, emb0, emb1, emb2, emb3, emb4, emb5, emb6, emb7, emb8, emb9, emb10, emb11, emb12, emb13, emb14, emb15):
    embs = [emb0, emb1, emb2, emb3, emb4, emb5, emb6, emb7, emb8, emb9, emb10, emb11, emb12, emb13, emb14, emb15]
    res, sizes, directs = level_config()
    feats = []
    for lvl in range(N_LEVELS):
        ids, w, m = find_embeddings(x, res[lvl], directs[lvl], sizes[lvl])
        ids = jax.lax.stop_gradient(ids)
        w = jax.lax.stop_gradient(w)
        f = (embs[lvl][ids] * w[..., None]).sum(1)
        feats.append(f)
    return jnp.stack(feats, 1)

if __name__ == "__main__":
    import jax
    _d = setup_inputs()
    print(jax.jit(kernel)(*tuple(_d.values())))

</pallas_src>

<mosaic_0001>
#map = affine_map<(d0, d1) -> (0, 0)>
#map1 = affine_map<(d0, d1) -> (0)>
#map2 = affine_map<(d0, d1) -> (0, 0, 0)>
module attributes {stable_mosaic.version = 14 : i64} {
  func.func @encode(%arg0: i32, %arg1: i32, %arg2: memref<3x262144xf32, #tpu.memory_space<hbm>>, %arg3: memref<5217953x8xf32, #tpu.memory_space<hbm>>, %arg4: memref<256xf32, #tpu.memory_space<hbm>>, %arg5: memref<1024xi32, #tpu.memory_space<hbm>>, %arg6: memref<262144x16x2xf32, #tpu.memory_space<hbm>>, %arg7: memref<768xf32, #tpu.memory_space<vmem>>, %arg8: memref<4096xi32, #tpu.memory_space<vmem>>, %arg9: memref<4096xf32, #tpu.memory_space<vmem>>, %arg10: memref<4096x8xf32, #tpu.memory_space<vmem>>, %arg11: memref<256x16x2xf32, #tpu.memory_space<vmem>>, %arg12: memref<256xf32, #tpu.memory_space<vmem>>, %arg13: memref<1024xi32, #tpu.memory_space<vmem>>, %arg14: memref<2x!tpu.dma_semaphore, #tpu.memory_space<semaphore_mem>>) attributes {dimension_semantics = [#tpu.dimension_semantics<core_parallel>, #tpu.dimension_semantics<subcore_parallel>], iteration_bounds = array<i64: 2, 16>, scalar_prefetch = 0 : i64, scratch_operands = 8 : i64, tpu.core_type = #tpu.core_type<sc_vector_subcore>, window_params = [{transform_indices = #map}, {transform_indices = #map}, {transform_indices = #map1}, {transform_indices = #map1}, {transform_indices = #map2}]} {
    %mul3A = arith.constant 2 : i32
    %mul3A_0 = arith.muli %arg1, %mul3A : i32
    %add3A = arith.addi %mul3A_0, %arg0 : i32
    %mul3A_1 = arith.constant 8192 : i32
    %mul3A_2 = arith.muli %add3A, %mul3A_1 : i32
    %iota3A = tpu.iota {dimensions = array<i32: 0>} : vector<16xi32>
    %broadcast_in_dim3A = arith.constant 0 : i32
    %broadcast_in_dim3A_3 = vector.broadcast %broadcast_in_dim3A : i32 to vector<16xi32>
    %broadcast_in_dim3A_4 = arith.constant 1 : i32
    %broadcast_in_dim3A_5 = vector.broadcast %broadcast_in_dim3A_4 : i32 to vector<16xi32>
    "tpu.region"() ({
      %run_scoped3A = tpu.sem_alloc : memref<!tpu.dma_semaphore, #tpu.memory_space<semaphore_mem>>
      tpu.enqueue_dma source(%arg4 : memref<256xf32, #tpu.memory_space<hbm>>) target(%arg12 : memref<256xf32, #tpu.memory_space<vmem>>) target_semaphore(%run_scoped3A : memref<!tpu.dma_semaphore, #tpu.memory_space<semaphore_mem>>)
      tpu.wait_dma2 semaphore(%run_scoped3A : memref<!tpu.dma_semaphore, #tpu.memory_space<semaphore_mem>>) src(%arg4 : memref<256xf32, #tpu.memory_space<hbm>>) dst(%arg12 : memref<256xf32, #tpu.memory_space<vmem>>)
      tpu.yield
    }) : () -> ()
    "tpu.region"() ({
      %run_scoped3A = tpu.sem_alloc : memref<!tpu.dma_semaphore, #tpu.memory_space<semaphore_mem>>
      tpu.enqueue_dma source(%arg5 : memref<1024xi32, #tpu.memory_space<hbm>>) target(%arg13 : memref<1024xi32, #tpu.memory_space<vmem>>) target_semaphore(%run_scoped3A : memref<!tpu.dma_semaphore, #tpu.memory_space<semaphore_mem>>)
      tpu.wait_dma2 semaphore(%run_scoped3A : memref<!tpu.dma_semaphore, #tpu.memory_space<semaphore_mem>>) src(%arg5 : memref<1024xi32, #tpu.memory_space<hbm>>) dst(%arg13 : memref<1024xi32, #tpu.memory_space<vmem>>)
      tpu.yield
    }) : () -> ()
    %scan3A = arith.constant -1640531535 : i32
    %scan3A_6 = arith.constant 805459861 : i32
    %scan3A_7 = arith.constant 0 : i32
    %scan3A_8 = arith.constant 0 : i32
    %scan3A_9 = arith.constant 32 : i32
    %scan3A_10 = arith.addi %scan3A_8, %scan3A_9 : i32
    %scan3A_11 = arith.constant 1 : i32
    %scan3A_12 = scf.for %scan3A_14 = %scan3A_8 to %scan3A_10 step %scan3A_11 iter_args(%scan3A_15 = %scan3A_7) -> (i32)  : i32 {
      %mul3A_16 = arith.constant 256 : i32
      %mul3A_17 = arith.muli %scan3A_14, %mul3A_16 : i32
      %add3A_18 = arith.addi %mul3A_2, %mul3A_17 : i32
      %run_scoped3A = arith.constant 0 : i32
      "tpu.region"() ({
        %run_scoped3A_79 = tpu.sem_alloc : memref<!tpu.dma_semaphore, #tpu.memory_space<semaphore_mem>>
        %dma_start3A = arith.constant 0 : i32
        %dma_start3A_80 = tpu.memref_slice %arg7[%dma_start3A] : memref<768xf32, #tpu.memory_space<vmem>> -> memref<256xf32, #tpu.memory_space<vmem>>
        %dma_start3A_81 = tpu.memref_slice %arg2[%run_scoped3A, %add3A_18] : memref<3x262144xf32, #tpu.memory_space<hbm>> -> memref<1x256xf32, #tpu.memory_space<hbm>>
        %dma_start3A_82 = tpu.memref_squeeze %dma_start3A_81 : memref<1x256xf32, #tpu.memory_space<hbm>> -> memref<256xf32, #tpu.memory_space<hbm>>
        %dma_start3A_83 = arith.constant 0 : i32
        %dma_start3A_84 = tpu.memref_slice %arg7[%dma_start3A_83] : memref<768xf32, #tpu.memory_space<vmem>> -> memref<256xf32, #tpu.memory_space<vmem>>
        %dma_start3A_85 = tpu.memref_slice %arg2[%run_scoped3A, %add3A_18] : memref<3x262144xf32, #tpu.memory_space<hbm>> -> memref<1x256xf32, #tpu.memory_space<hbm>>
        %dma_start3A_86 = tpu.memref_squeeze %dma_start3A_85 : memref<1x256xf32, #tpu.memory_space<hbm>> -> memref<256xf32, #tpu.memory_space<hbm>>
        tpu.enqueue_dma source(%dma_start3A_86 : memref<256xf32, #tpu.memory_space<hbm>>) target(%dma_start3A_84 : memref<256xf32, #tpu.memory_space<vmem>>) target_semaphore(%run_scoped3A_79 : memref<!tpu.dma_semaphore, #tpu.memory_space<semaphore_mem>>)
        %dma_wait3A_87 = arith.constant 0 : i32
        %dma_wait3A_88 = tpu.memref_slice %arg7[%dma_wait3A_87] : memref<768xf32, #tpu.memory_space<vmem>> -> memref<256xf32, #tpu.memory_space<vmem>>
        %dma_wait3A_89 = tpu.memref_slice %arg2[%run_scoped3A, %add3A_18] : memref<3x262144xf32, #tpu.memory_space<hbm>> -> memref<1x256xf32, #tpu.memory_space<hbm>>
        %dma_wait3A_90 = tpu.memref_squeeze %dma_wait3A_89 : memref<1x256xf32, #tpu.memory_space<hbm>> -> memref<256xf32, #tpu.memory_space<hbm>>
        %dma_wait3A_91 = arith.constant 0 : i32
        %dma_wait3A_92 = tpu.memref_slice %arg7[%dma_wait3A_91] : memref<768xf32, #tpu.memory_space<vmem>> -> memref<256xf32, #tpu.memory_space<vmem>>
        %dma_wait3A_93 = tpu.memref_slice %arg2[%run_scoped3A, %add3A_18] : memref<3x262144xf32, #tpu.memory_space<hbm>> -> memref<1x256xf32, #tpu.memory_space<hbm>>
        %dma_wait3A_94 = tpu.memref_squeeze %dma_wait3A_93 : memref<1x256xf32, #tpu.memory_space<hbm>> -> memref<256xf32, #tpu.memory_space<hbm>>
        tpu.wait_dma2 semaphore(%run_scoped3A_79 : memref<!tpu.dma_semaphore, #tpu.memory_space<semaphore_mem>>) src(%dma_wait3A_94 : memref<256xf32, #tpu.memory_space<hbm>>) dst(%dma_wait3A_92 : memref<256xf32, #tpu.memory_space<vmem>>)
        tpu.yield
      }) : () -> ()
      %run_scoped3A_19 = arith.constant 1 : i32
      "tpu.region"() ({
        %run_scoped3A_79 = tpu.sem_alloc : memref<!tpu.dma_semaphore, #tpu.memory_space<semaphore_mem>>
        %dma_start3A = arith.constant 256 : i32
        %dma_start3A_80 = tpu.memref_slice %arg7[%dma_start3A] : memref<768xf32, #tpu.memory_space<vmem>> -> memref<256xf32, #tpu.memory_space<vmem>>
        %dma_start3A_81 = tpu.memref_slice %arg2[%run_scoped3A_19, %add3A_18] : memref<3x262144xf32, #tpu.memory_space<hbm>> -> memref<1x256xf32, #tpu.memory_space<hbm>>
        %dma_start3A_82 = tpu.memref_squeeze %dma_start3A_81 : memref<1x256xf32, #tpu.memory_space<hbm>> -> memref<256xf32, #tpu.memory_space<hbm>>
        %dma_start3A_83 = arith.constant 256 : i32
        %dma_start3A_84 = tpu.memref_slice %arg7[%dma_start3A_83] : memref<768xf32, #tpu.memory_space<vmem>> -> memref<256xf32, #tpu.memory_space<vmem>>
        %dma_start3A_85 = tpu.memref_slice %arg2[%run_scoped3A_19, %add3A_18] : memref<3x262144xf32, #tpu.memory_space<hbm>> -> memref<1x256xf32, #tpu.memory_space<hbm>>
        %dma_start3A_86 = tpu.memref_squeeze %dma_start3A_85 : memref<1x256xf32, #tpu.memory_space<hbm>> -> memref<256xf32, #tpu.memory_space<hbm>>
        tpu.enqueue_dma source(%dma_start3A_86 : memref<256xf32, #tpu.memory_space<hbm>>) target(%dma_start3A_84 : memref<256xf32, #tpu.memory_space<vmem>>) target_semaphore(%run_scoped3A_79 : memref<!tpu.dma_semaphore, #tpu.memory_space<semaphore_mem>>)
        %dma_wait3A_87 = arith.constant 256 : i32
        %dma_wait3A_88 = tpu.memref_slice %arg7[%dma_wait3A_87] : memref<768xf32, #tpu.memory_space<vmem>> -> memref<256xf32, #tpu.memory_space<vmem>>
        %dma_wait3A_89 = tpu.memref_slice %arg2[%run_scoped3A_19, %add3A_18] : memref<3x262144xf32, #tpu.memory_space<hbm>> -> memref<1x256xf32, #tpu.memory_space<hbm>>
        %dma_wait3A_90 = tpu.memref_squeeze %dma_wait3A_89 : memref<1x256xf32, #tpu.memory_space<hbm>> -> memref<256xf32, #tpu.memory_space<hbm>>
        %dma_wait3A_91 = arith.constant 256 : i32
        %dma_wait3A_92 = tpu.memref_slice %arg7[%dma_wait3A_91] : memref<768xf32, #tpu.memory_space<vmem>> -> memref<256xf32, #tpu.memory_space<vmem>>
        %dma_wait3A_93 = tpu.memref_slice %arg2[%run_scoped3A_19, %add3A_18] : memref<3x262144xf32, #tpu.memory_space<hbm>> -> memref<1x256xf32, #tpu.memory_space<hbm>>
        %dma_wait3A_94 = tpu.memref_squeeze %dma_wait3A_93 : memref<1x256xf32, #tpu.memory_space<hbm>> -> memref<256xf32, #tpu.memory_space<hbm>>
        tpu.wait_dma2 semaphore(%run_scoped3A_79 : memref<!tpu.dma_semaphore, #tpu.memory_space<semaphore_mem>>) src(%dma_wait3A_94 : memref<256xf32, #tpu.memory_space<hbm>>) dst(%dma_wait3A_92 : memref<256xf32, #tpu.memory_space<vmem>>)
        tpu.yield
      }) : () -> ()
      %run_scoped3A_20 = arith.constant 2 : i32
      "tpu.region"() ({
        %run_scoped3A_79 = tpu.sem_alloc : memref<!tpu.dma_semaphore, #tpu.memory_space<semaphore_mem>>
        %dma_start3A = arith.constant 512 : i32
        %dma_start3A_80 = tpu.memref_slice %arg7[%dma_start3A] : memref<768xf32, #tpu.memory_space<vmem>> -> memref<256xf32, #tpu.memory_space<vmem>>
        %dma_start3A_81 = tpu.memref_slice %arg2[%run_scoped3A_20, %add3A_18] : memref<3x262144xf32, #tpu.memory_space<hbm>> -> memref<1x256xf32, #tpu.memory_space<hbm>>
        %dma_start3A_82 = tpu.memref_squeeze %dma_start3A_81 : memref<1x256xf32, #tpu.memory_space<hbm>> -> memref<256xf32, #tpu.memory_space<hbm>>
        %dma_start3A_83 = arith.constant 512 : i32
        %dma_start3A_84 = tpu.memref_slice %arg7[%dma_start3A_83] : memref<768xf32, #tpu.memory_space<vmem>> -> memref<256xf32, #tpu.memory_space<vmem>>
        %dma_start3A_85 = tpu.memref_slice %arg2[%run_scoped3A_20, %add3A_18] : memref<3x262144xf32, #tpu.memory_space<hbm>> -> memref<1x256xf32, #tpu.memory_space<hbm>>
        %dma_start3A_86 = tpu.memref_squeeze %dma_start3A_85 : memref<1x256xf32, #tpu.memory_space<hbm>> -> memref<256xf32, #tpu.memory_space<hbm>>
        tpu.enqueue_dma source(%dma_start3A_86 : memref<256xf32, #tpu.memory_space<hbm>>) target(%dma_start3A_84 : memref<256xf32, #tpu.memory_space<vmem>>) target_semaphore(%run_scoped3A_79 : memref<!tpu.dma_semaphore, #tpu.memory_space<semaphore_mem>>)
        %dma_wait3A_87 = arith.constant 512 : i32
        %dma_wait3A_88 = tpu.memref_slice %arg7[%dma_wait3A_87] : memref<768xf32, #tpu.memory_space<vmem>> -> memref<256xf32, #tpu.memory_space<vmem>>
        %dma_wait3A_89 = tpu.memref_slice %arg2[%run_scoped3A_20, %add3A_18] : memref<3x262144xf32, #tpu.memory_space<hbm>> -> memref<1x256xf32, #tpu.memory_space<hbm>>
        %dma_wait3A_90 = tpu.memref_squeeze %dma_wait3A_89 : memref<1x256xf32, #tpu.memory_space<hbm>> -> memref<256xf32, #tpu.memory_space<hbm>>
        %dma_wait3A_91 = arith.constant 512 : i32
        %dma_wait3A_92 = tpu.memref_slice %arg7[%dma_wait3A_91] : memref<768xf32, #tpu.memory_space<vmem>> -> memref<256xf32, #tpu.memory_space<vmem>>
        %dma_wait3A_93 = tpu.memref_slice %arg2[%run_scoped3A_20, %add3A_18] : memref<3x262144xf32, #tpu.memory_space<hbm>> -> memref<1x256xf32, #tpu.memory_space<hbm>>
        %dma_wait3A_94 = tpu.memref_squeeze %dma_wait3A_93 : memref<1x256xf32, #tpu.memory_space<hbm>> -> memref<256xf32, #tpu.memory_space<hbm>>
        tpu.wait_dma2 semaphore(%run_scoped3A_79 : memref<!tpu.dma_semaphore, #tpu.memory_space<semaphore_mem>>) src(%dma_wait3A_94 : memref<256xf32, #tpu.memory_space<hbm>>) dst(%dma_wait3A_92 : memref<256xf32, #tpu.memory_space<vmem>>)
        tpu.yield
      }) : () -> ()
      %broadcast_in_dim3A_21 = arith.constant 0 : i32
      %broadcast_in_dim3A_22 = vector.broadcast %broadcast_in_dim3A_21 : i32 to vector<16xi32>
      %get3A = arith.constant 0 : index
      %get3A_23 = tpu.vector_load %arg12[%get3A] {strides = array<i32>} : memref<256xf32, #tpu.memory_space<vmem>>, vector<16xf32>,
      %get3A_24 = arith.constant 0 : index
      %get3A_25 = tpu.vector_load %arg13[%get3A_24] {strides = array<i32>} : memref<1024xi32, #tpu.memory_space<vmem>>, vector<16xi32>,
      %get3A_26 = arith.constant 256 : index
      %get3A_27 = tpu.vector_load %arg13[%get3A_26] {strides = array<i32>} : memref<1024xi32, #tpu.memory_space<vmem>>, vector<16xi32>,
      %get3A_28 = arith.constant 512 : index
      %get3A_29 = tpu.vector_load %arg13[%get3A_28] {strides = array<i32>} : memref<1024xi32, #tpu.memory_space<vmem>>, vector<16xi32>,
      %get3A_30 = arith.constant 768 : index
      %get3A_31 = tpu.vector_load %arg13[%get3A_30] {strides = array<i32>} : memref<1024xi32, #tpu.memory_space<vmem>>, vector<16xi32>,
      %lt3A = arith.constant 8 : i32
      %lt3A_32 = vector.broadcast %lt3A : i32 to vector<16xi32>
      %lt3A_33 = arith.cmpi slt, %broadcast_in_dim3A_22, %lt3A_32 : vector<16xi32>
      %scan3A_34 = arith.constant 0 : i32
      %scan3A_35 = arith.constant 0 : i32
      %scan3A_36 = arith.constant 8 : i32
      %scan3A_37 = arith.addi %scan3A_35, %scan3A_36 : i32
      %scan3A_38 = arith.constant 1 : i32
      %scan3A_39 = scf.for %scan3A_79 = %scan3A_35 to %scan3A_37 step %scan3A_38 iter_args(%scan3A_80 = %scan3A_34) -> (i32)  : i32 {
        %mul3A_81 = arith.constant 2 : i32
        %mul3A_82 = arith.muli %scan3A_79, %mul3A_81 : i32
        %add3A_83 = arith.constant 0 : i32
        %add3A_84 = arith.addi %mul3A_82, %add3A_83 : i32
        %add3A_85 = arith.constant 0 : i32
        %add3A_86 = arith.addi %add3A_85, %add3A_84 : i32
        %mul3A_87 = arith.constant 128 : i32
        %mul3A_88 = arith.muli %add3A_86, %mul3A_87 : i32
        %mul3A_89 = arith.constant 16 : i32
        %mul3A_90 = arith.muli %add3A_84, %mul3A_89 : i32
        %get3A_91 = arith.index_cast %mul3A_90 : i32 to index
        %get3A_92 = tpu.vector_load %arg7[%get3A_91] {strides = array<i32>} : memref<768xf32, #tpu.memory_space<vmem>>, vector<16xf32>,
        %add3A_93 = arith.constant 1.000000e+00 : f32
        %add3A_94 = vector.broadcast %add3A_93 : f32 to vector<16xf32>
        %add3A_95 = arith.addf %get3A_92, %add3A_94 : vector<16xf32>
        %mul3A_96 = arith.mulf %add3A_95, %get3A_23 : vector<16xf32>
        %sub3A = arith.constant 5.000000e-01 : f32
        %sub3A_97 = vector.broadcast %sub3A : f32 to vector<16xf32>
        %sub3A_98 = arith.subf %mul3A_96, %sub3A_97 : vector<16xf32>
        %convert_element_type3A = arith.fptosi %sub3A_98 : vector<16xf32> to vector<16xi32>
        %convert_element_type3A_99 = arith.sitofp %convert_element_type3A : vector<16xi32> to vector<16xf32>
        %gt3A = arith.cmpf ogt, %convert_element_type3A_99, %sub3A_98 : vector<16xf32>
        %sub3A_100 = arith.constant 1 : i32
        %sub3A_101 = vector.broadcast %sub3A_100 : i32 to vector<16xi32>
        %sub3A_102 = arith.subi %convert_element_type3A, %sub3A_101 : vector<16xi32>
        %select_n3A = arith.select %gt3A, %sub3A_102, %convert_element_type3A : vector<16xi1>, vector<16xi32>
        %convert_element_type3A_103 = arith.sitofp %select_n3A : vector<16xi32> to vector<16xf32>
        %sub3A_104 = arith.subf %sub3A_98, %convert_element_type3A_103 : vector<16xf32>
        %mul3A_105 = arith.constant 16 : i32
        %mul3A_106 = arith.muli %add3A_84, %mul3A_105 : i32
        %add3A_107 = arith.constant 256 : i32
        %add3A_108 = arith.addi %add3A_107, %mul3A_106 : i32
        %get3A_109 = arith.index_cast %add3A_108 : i32 to index
        %get3A_110 = tpu.vector_load %arg7[%get3A_109] {strides = array<i32>} : memref<768xf32, #tpu.memory_space<vmem>>, vector<16xf32>,
        %add3A_111 = arith.constant 1.000000e+00 : f32
        %add3A_112 = vector.broadcast %add3A_111 : f32 to vector<16xf32>
        %add3A_113 = arith.addf %get3A_110, %add3A_112 : vector<16xf32>
        %mul3A_114 = arith.mulf %add3A_113, %get3A_23 : vector<16xf32>
        %sub3A_115 = arith.constant 5.000000e-01 : f32
        %sub3A_116 = vector.broadcast %sub3A_115 : f32 to vector<16xf32>
        %sub3A_117 = arith.subf %mul3A_114, %sub3A_116 : vector<16xf32>
        %convert_element_type3A_118 = arith.fptosi %sub3A_117 : vector<16xf32> to vector<16xi32>
        %convert_element_type3A_119 = arith.sitofp %convert_element_type3A_118 : vector<16xi32> to vector<16xf32>
        %gt3A_120 = arith.cmpf ogt, %convert_element_type3A_119, %sub3A_117 : vector<16xf32>
        %sub3A_121 = arith.constant 1 : i32
        %sub3A_122 = vector.broadcast %sub3A_121 : i32 to vector<16xi32>
        %sub3A_123 = arith.subi %convert_element_type3A_118, %sub3A_122 : vector<16xi32>
        %select_n3A_124 = arith.select %gt3A_120, %sub3A_123, %convert_element_type3A_118 : vector<16xi1>, vector<16xi32>
        %convert_element_type3A_125 = arith.sitofp %select_n3A_124 : vector<16xi32> to vector<16xf32>
        %sub3A_126 = arith.subf %sub3A_117, %convert_element_type3A_125 : vector<16xf32>
        %mul3A_127 = arith.constant 16 : i32
        %mul3A_128 = arith.muli %add3A_84, %mul3A_127 : i32
        %add3A_129 = arith.constant 512 : i32
        %add3A_130 = arith.addi %add3A_129, %mul3A_128 : i32
        %get3A_131 = arith.index_cast %add3A_130 : i32 to index
        %get3A_132 = tpu.vector_load %arg7[%get3A_131] {strides = array<i32>} : memref<768xf32, #tpu.memory_space<vmem>>, vector<16xf32>,
        %add3A_133 = arith.constant 1.000000e+00 : f32
        %add3A_134 = vector.broadcast %add3A_133 : f32 to vector<16xf32>
        %add3A_135 = arith.addf %get3A_132, %add3A_134 : vector<16xf32>
        %mul3A_136 = arith.mulf %add3A_135, %get3A_23 : vector<16xf32>
        %sub3A_137 = arith.constant 5.000000e-01 : f32
        %sub3A_138 = vector.broadcast %sub3A_137 : f32 to vector<16xf32>
        %sub3A_139 = arith.subf %mul3A_136, %sub3A_138 : vector<16xf32>
        %convert_element_type3A_140 = arith.fptosi %sub3A_139 : vector<16xf32> to vector<16xi32>
        %convert_element_type3A_141 = arith.sitofp %convert_element_type3A_140 : vector<16xi32> to vector<16xf32>
        %gt3A_142 = arith.cmpf ogt, %convert_element_type3A_141, %sub3A_139 : vector<16xf32>
        %sub3A_143 = arith.constant 1 : i32
        %sub3A_144 = vector.broadcast %sub3A_143 : i32 to vector<16xi32>
        %sub3A_145 = arith.subi %convert_element_type3A_140, %sub3A_144 : vector<16xi32>
        %select_n3A_146 = arith.select %gt3A_142, %sub3A_145, %convert_element_type3A_140 : vector<16xi1>, vector<16xi32>
        %convert_element_type3A_147 = arith.sitofp %select_n3A_146 : vector<16xi32> to vector<16xf32>
        %sub3A_148 = arith.subf %sub3A_139, %convert_element_type3A_147 : vector<16xf32>
        %ge3A = arith.constant 0 : i32
        %ge3A_149 = vector.broadcast %ge3A : i32 to vector<16xi32>
        %ge3A_150 = arith.cmpi sge, %select_n3A, %ge3A_149 : vector<16xi32>
        %lt3A_151 = arith.cmpi slt, %select_n3A, %get3A_25 : vector<16xi32>
        %ge3A_152 = arith.constant 0 : i32
        %ge3A_153 = vector.broadcast %ge3A_152 : i32 to vector<16xi32>
        %ge3A_154 = arith.cmpi sge, %select_n3A_124, %ge3A_153 : vector<16xi32>
        %lt3A_155 = arith.cmpi slt, %select_n3A_124, %get3A_25 : vector<16xi32>
        %ge3A_156 = arith.constant 0 : i32
        %ge3A_157 = vector.broadcast %ge3A_156 : i32 to vector<16xi32>
        %ge3A_158 = arith.cmpi sge, %select_n3A_146, %ge3A_157 : vector<16xi32>
        %lt3A_159 = arith.cmpi slt, %select_n3A_146, %get3A_25 : vector<16xi32>
        %sub3A_160 = arith.constant 1.000000e+00 : f32
        %sub3A_161 = vector.broadcast %sub3A_160 : f32 to vector<16xf32>
        %sub3A_162 = arith.subf %sub3A_161, %sub3A_104 : vector<16xf32>
        %sub3A_163 = arith.constant 1.000000e+00 : f32
        %sub3A_164 = vector.broadcast %sub3A_163 : f32 to vector<16xf32>
        %sub3A_165 = arith.subf %sub3A_164, %sub3A_126 : vector<16xf32>
        %sub3A_166 = arith.constant 1.000000e+00 : f32
        %sub3A_167 = vector.broadcast %sub3A_166 : f32 to vector<16xf32>
        %sub3A_168 = arith.subf %sub3A_167, %sub3A_148 : vector<16xf32>
        %mul3A_169 = arith.muli %select_n3A, %get3A_27 : vector<16xi32>
        %mul3A_170 = arith.muli %select_n3A_124, %get3A_29 : vector<16xi32>
        %add3A_171 = arith.addi %mul3A_169, %get3A_27 : vector<16xi32>
        %add3A_172 = arith.addi %mul3A_170, %get3A_29 : vector<16xi32>
        %add3A_173 = arith.constant 1 : i32
        %add3A_174 = vector.broadcast %add3A_173 : i32 to vector<16xi32>
        %add3A_175 = arith.addi %select_n3A_146, %add3A_174 : vector<16xi32>
        %add3A_176 = arith.constant 1 : i32
        %add3A_177 = vector.broadcast %add3A_176 : i32 to vector<16xi32>
        %add3A_178 = arith.addi %select_n3A, %add3A_177 : vector<16xi32>
        %mul3A_179 = vector.broadcast %scan3A : i32 to vector<16xi32>
        %mul3A_180 = arith.muli %select_n3A_124, %mul3A_179 : vector<16xi32>
        %add3A_181 = vector.broadcast %scan3A : i32 to vector<16xi32>
        %add3A_182 = arith.addi %mul3A_180, %add3A_181 : vector<16xi32>
        %mul3A_183 = vector.broadcast %scan3A_6 : i32 to vector<16xi32>
        %mul3A_184 = arith.muli %select_n3A_146, %mul3A_183 : vector<16xi32>
        %add3A_185 = vector.broadcast %scan3A_6 : i32 to vector<16xi32>
        %add3A_186 = arith.addi %mul3A_184, %add3A_185 : vector<16xi32>
        %and3A = arith.andi %ge3A_150, %ge3A_154 : vector<16xi1>
        %mul3A_187 = arith.mulf %sub3A_162, %sub3A_165 : vector<16xf32>
        %add3A_188 = arith.addi %mul3A_169, %mul3A_170 : vector<16xi32>
        %xor3A = arith.xori %select_n3A, %mul3A_180 : vector<16xi32>
        %and3A_189 = arith.andi %ge3A_150, %lt3A_155 : vector<16xi1>
        %mul3A_190 = arith.mulf %sub3A_162, %sub3A_126 : vector<16xf32>
        %add3A_191 = arith.addi %mul3A_169, %add3A_172 : vector<16xi32>
        %xor3A_192 = arith.xori %select_n3A, %add3A_182 : vector<16xi32>
        %and3A_193 = arith.andi %lt3A_151, %ge3A_154 : vector<16xi1>
        %mul3A_194 = arith.mulf %sub3A_104, %sub3A_165 : vector<16xf32>
        %add3A_195 = arith.addi %add3A_171, %mul3A_170 : vector<16xi32>
        %xor3A_196 = arith.xori %add3A_178, %mul3A_180 : vector<16xi32>
        %and3A_197 = arith.andi %lt3A_151, %lt3A_155 : vector<16xi1>
        %mul3A_198 = arith.mulf %sub3A_104, %sub3A_126 : vector<16xf32>
        %add3A_199 = arith.addi %add3A_171, %add3A_172 : vector<16xi32>
        %xor3A_200 = arith.xori %add3A_178, %add3A_182 : vector<16xi32>
        %and3A_201 = arith.andi %and3A, %ge3A_158 : vector<16xi1>
        %add3A_202 = arith.addi %add3A_188, %select_n3A_146 : vector<16xi32>
        %xor3A_203 = arith.xori %xor3A, %mul3A_184 : vector<16xi32>
        %and3A_204 = arith.constant 524287 : i32
        %and3A_205 = vector.broadcast %and3A_204 : i32 to vector<16xi32>
        %and3A_206 = arith.andi %xor3A_203, %and3A_205 : vector<16xi32>
        %select_n3A_207 = arith.select %lt3A_33, %add3A_202, %and3A_206 : vector<16xi1>, vector<16xi32>
        %mul3A_208 = arith.mulf %mul3A_187, %sub3A_168 : vector<16xf32>
        %jit3A = arith.constant 0 : i32
        %broadcast_in_dim3A_209 = vector.broadcast %jit3A : i32 to vector<16xi32>
        %select_n3A_210 = arith.select %and3A_201, %select_n3A_207, %broadcast_in_dim3A_209 : vector<16xi1>, vector<16xi32>
        %add3A_211 = arith.addi %select_n3A_210, %get3A_31 : vector<16xi32>
        %jit3A_212 = arith.constant 0.000000e+00 : f32
        %broadcast_in_dim3A_213 = vector.broadcast %jit3A_212 : f32 to vector<16xf32>
        %select_n3A_214 = arith.select %and3A_201, %mul3A_208, %broadcast_in_dim3A_213 : vector<16xi1>, vector<16xf32>
        %add3A_215 = arith.constant 0 : i32
        %add3A_216 = arith.addi %mul3A_88, %add3A_215 : i32
        %swap3A = arith.index_cast %add3A_216 : i32 to index
        %swap3A_217 = tpu.vector_load %arg8[%swap3A] {strides = array<i32>} : memref<4096xi32, #tpu.memory_space<vmem>>, vector<16xi32>,
        tpu.vector_store %arg8[%swap3A], %add3A_211 {strides = array<i32>} : memref<4096xi32, #tpu.memory_space<vmem>>, vector<16xi32>,
        %add3A_218 = arith.constant 0 : i32
        %add3A_219 = arith.addi %mul3A_88, %add3A_218 : i32
        %swap3A_220 = arith.index_cast %add3A_219 : i32 to index
        %swap3A_221 = tpu.vector_load %arg9[%swap3A_220] {strides = array<i32>} : memref<4096xf32, #tpu.memory_space<vmem>>, vector<16xf32>,
        tpu.vector_store %arg9[%swap3A_220], %select_n3A_214 {strides = array<i32>} : memref<4096xf32, #tpu.memory_space<vmem>>, vector<16xf32>,
        %and3A_222 = arith.andi %and3A, %lt3A_159 : vector<16xi1>
        %add3A_223 = arith.addi %add3A_188, %add3A_175 : vector<16xi32>
        %xor3A_224 = arith.xori %xor3A, %add3A_186 : vector<16xi32>
        %and3A_225 = arith.constant 524287 : i32
        %and3A_226 = vector.broadcast %and3A_225 : i32 to vector<16xi32>
        %and3A_227 = arith.andi %xor3A_224, %and3A_226 : vector<16xi32>
        %select_n3A_228 = arith.select %lt3A_33, %add3A_223, %and3A_227 : vector<16xi1>, vector<16xi32>
        %mul3A_229 = arith.mulf %mul3A_187, %sub3A_148 : vector<16xf32>
        %jit3A_230 = arith.constant 0 : i32
        %broadcast_in_dim3A_231 = vector.broadcast %jit3A_230 : i32 to vector<16xi32>
        %select_n3A_232 = arith.select %and3A_222, %select_n3A_228, %broadcast_in_dim3A_231 : vector<16xi1>, vector<16xi32>
        %add3A_233 = arith.addi %select_n3A_232, %get3A_31 : vector<16xi32>
        %jit3A_234 = arith.constant 0.000000e+00 : f32
        %broadcast_in_dim3A_235 = vector.broadcast %jit3A_234 : f32 to vector<16xf32>
        %select_n3A_236 = arith.select %and3A_222, %mul3A_229, %broadcast_in_dim3A_235 : vector<16xi1>, vector<16xf32>
        %add3A_237 = arith.constant 16 : i32
        %add3A_238 = arith.addi %mul3A_88, %add3A_237 : i32
        %swap3A_239 = arith.index_cast %add3A_238 : i32 to index
        %swap3A_240 = tpu.vector_load %arg8[%swap3A_239] {strides = array<i32>} : memref<4096xi32, #tpu.memory_space<vmem>>, vector<16xi32>,
        tpu.vector_store %arg8[%swap3A_239], %add3A_233 {strides = array<i32>} : memref<4096xi32, #tpu.memory_space<vmem>>, vector<16xi32>,
        %add3A_241 = arith.constant 16 : i32
        %add3A_242 = arith.addi %mul3A_88, %add3A_241 : i32
        %swap3A_243 = arith.index_cast %add3A_242 : i32 to index
        %swap3A_244 = tpu.vector_load %arg9[%swap3A_243] {strides = array<i32>} : memref<4096xf32, #tpu.memory_space<vmem>>, vector<16xf32>,
        tpu.vector_store %arg9[%swap3A_243], %select_n3A_236 {strides = array<i32>} : memref<4096xf32, #tpu.memory_space<vmem>>, vector<16xf32>,
        %and3A_245 = arith.andi %and3A_189, %ge3A_158 : vector<16xi1>
        %add3A_246 = arith.addi %add3A_191, %select_n3A_146 : vector<16xi32>
        %xor3A_247 = arith.xori %xor3A_192, %mul3A_184 : vector<16xi32>
        %and3A_248 = arith.constant 524287 : i32
        %and3A_249 = vector.broadcast %and3A_248 : i32 to vector<16xi32>
        %and3A_250 = arith.andi %xor3A_247, %and3A_249 : vector<16xi32>
        %select_n3A_251 = arith.select %lt3A_33, %add3A_246, %and3A_250 : vector<16xi1>, vector<16xi32>
        %mul3A_252 = arith.mulf %mul3A_190, %sub3A_168 : vector<16xf32>
        %jit3A_253 = arith.constant 0 : i32
        %broadcast_in_dim3A_254 = vector.broadcast %jit3A_253 : i32 to vector<16xi32>
        %select_n3A_255 = arith.select %and3A_245, %select_n3A_251, %broadcast_in_dim3A_254 : vector<16xi1>, vector<16xi32>
        %add3A_256 = arith.addi %select_n3A_255, %get3A_31 : vector<16xi32>
        %jit3A_257 = arith.constant 0.000000e+00 : f32
        %broadcast_in_dim3A_258 = vector.broadcast %jit3A_257 : f32 to vector<16xf32>
        %select_n3A_259 = arith.select %and3A_245, %mul3A_252, %broadcast_in_dim3A_258 : vector<16xi1>, vector<16xf32>
        %add3A_260 = arith.constant 32 : i32
        %add3A_261 = arith.addi %mul3A_88, %add3A_260 : i32
        %swap3A_262 = arith.index_cast %add3A_261 : i32 to index
        %swap3A_263 = tpu.vector_load %arg8[%swap3A_262] {strides = array<i32>} : memref<4096xi32, #tpu.memory_space<vmem>>, vector<16xi32>,
        tpu.vector_store %arg8[%swap3A_262], %add3A_256 {strides = array<i32>} : memref<4096xi32, #tpu.memory_space<vmem>>, vector<16xi32>,
        %add3A_264 = arith.constant 32 : i32
        %add3A_265 = arith.addi %mul3A_88, %add3A_264 : i32
        %swap3A_266 = arith.index_cast %add3A_265 : i32 to index
        %swap3A_267 = tpu.vector_load %arg9[%swap3A_266] {strides = array<i32>} : memref<4096xf32, #tpu.memory_space<vmem>>, vector<16xf32>,
        tpu.vector_store %arg9[%swap3A_266], %select_n3A_259 {strides = array<i32>} : memref<4096xf32, #tpu.memory_space<vmem>>, vector<16xf32>,
        %and3A_268 = arith.andi %and3A_189, %lt3A_159 : vector<16xi1>
        %add3A_269 = arith.addi %add3A_191, %add3A_175 : vector<16xi32>
        %xor3A_270 = arith.xori %xor3A_192, %add3A_186 : vector<16xi32>
        %and3A_271 = arith.constant 524287 : i32
        %and3A_272 = vector.broadcast %and3A_271 : i32 to vector<16xi32>
        %and3A_273 = arith.andi %xor3A_270, %and3A_272 : vector<16xi32>
        %select_n3A_274 = arith.select %lt3A_33, %add3A_269, %and3A_273 : vector<16xi1>, vector<16xi32>
        %mul3A_275 = arith.mulf %mul3A_190, %sub3A_148 : vector<16xf32>
        %jit3A_276 = arith.constant 0 : i32
        %broadcast_in_dim3A_277 = vector.broadcast %jit3A_276 : i32 to vector<16xi32>
        %select_n3A_278 = arith.select %and3A_268, %select_n3A_274, %broadcast_in_dim3A_277 : vector<16xi1>, vector<16xi32>
        %add3A_279 = arith.addi %select_n3A_278, %get3A_31 : vector<16xi32>
        %jit3A_280 = arith.constant 0.000000e+00 : f32
        %broadcast_in_dim3A_281 = vector.broadcast %jit3A_280 : f32 to vector<16xf32>
        %select_n3A_282 = arith.select %and3A_268, %mul3A_275, %broadcast_in_dim3A_281 : vector<16xi1>, vector<16xf32>
        %add3A_283 = arith.constant 48 : i32
        %add3A_284 = arith.addi %mul3A_88, %add3A_283 : i32
        %swap3A_285 = arith.index_cast %add3A_284 : i32 to index
        %swap3A_286 = tpu.vector_load %arg8[%swap3A_285] {strides = array<i32>} : memref<4096xi32, #tpu.memory_space<vmem>>, vector<16xi32>,
        tpu.vector_store %arg8[%swap3A_285], %add3A_279 {strides = array<i32>} : memref<4096xi32, #tpu.memory_space<vmem>>, vector<16xi32>,
        %add3A_287 = arith.constant 48 : i32
        %add3A_288 = arith.addi %mul3A_88, %add3A_287 : i32
        %swap3A_289 = arith.index_cast %add3A_288 : i32 to index
        %swap3A_290 = tpu.vector_load %arg9[%swap3A_289] {strides = array<i32>} : memref<4096xf32, #tpu.memory_space<vmem>>, vector<16xf32>,
        tpu.vector_store %arg9[%swap3A_289], %select_n3A_282 {strides = array<i32>} : memref<4096xf32, #tpu.memory_space<vmem>>, vector<16xf32>,
        %and3A_291 = arith.andi %and3A_193, %ge3A_158 : vector<16xi1>
        %add3A_292 = arith.addi %add3A_195, %select_n3A_146 : vector<16xi32>
        %xor3A_293 = arith.xori %xor3A_196, %mul3A_184 : vector<16xi32>
        %and3A_294 = arith.constant 524287 : i32
        %and3A_295 = vector.broadcast %and3A_294 : i32 to vector<16xi32>
        %and3A_296 = arith.andi %xor3A_293, %and3A_295 : vector<16xi32>
        %select_n3A_297 = arith.select %lt3A_33, %add3A_292, %and3A_296 : vector<16xi1>, vector<16xi32>
        %mul3A_298 = arith.mulf %mul3A_194, %sub3A_168 : vector<16xf32>
        %jit3A_299 = arith.constant 0 : i32
        %broadcast_in_dim3A_300 = vector.broadcast %jit3A_299 : i32 to vector<16xi32>
        %select_n3A_301 = arith.select %and3A_291, %select_n3A_297, %broadcast_in_dim3A_300 : vector<16xi1>, vector<16xi32>
        %add3A_302 = arith.addi %select_n3A_301, %get3A_31 : vector<16xi32>
        %jit3A_303 = arith.constant 0.000000e+00 : f32
        %broadcast_in_dim3A_304 = vector.broadcast %jit3A_303 : f32 to vector<16xf32>
        %select_n3A_305 = arith.select %and3A_291, %mul3A_298, %broadcast_in_dim3A_304 : vector<16xi1>, vector<16xf32>
        %add3A_306 = arith.constant 64 : i32
        %add3A_307 = arith.addi %mul3A_88, %add3A_306 : i32
        %swap3A_308 = arith.index_cast %add3A_307 : i32 to index
        %swap3A_309 = tpu.vector_load %arg8[%swap3A_308] {strides = array<i32>} : memref<4096xi32, #tpu.memory_space<vmem>>, vector<16xi32>,
        tpu.vector_store %arg8[%swap3A_308], %add3A_302 {strides = array<i32>} : memref<4096xi32, #tpu.memory_space<vmem>>, vector<16xi32>,
        %add3A_310 = arith.constant 64 : i32
        %add3A_311 = arith.addi %mul3A_88, %add3A_310 : i32
        %swap3A_312 = arith.index_cast %add3A_311 : i32 to index
        %swap3A_313 = tpu.vector_load %arg9[%swap3A_312] {strides = array<i32>} : memref<4096xf32, #tpu.memory_space<vmem>>, vector<16xf32>,
        tpu.vector_store %arg9[%swap3A_312], %select_n3A_305 {strides = array<i32>} : memref<4096xf32, #tpu.memory_space<vmem>>, vector<16xf32>,
        %and3A_314 = arith.andi %and3A_193, %lt3A_159 : vector<16xi1>
        %add3A_315 = arith.addi %add3A_195, %add3A_175 : vector<16xi32>
        %xor3A_316 = arith.xori %xor3A_196, %add3A_186 : vector<16xi32>
        %and3A_317 = arith.constant 524287 : i32
        %and3A_318 = vector.broadcast %and3A_317 : i32 to vector<16xi32>
        %and3A_319 = arith.andi %xor3A_316, %and3A_318 : vector<16xi32>
        %select_n3A_320 = arith.select %lt3A_33, %add3A_315, %and3A_319 : vector<16xi1>, vector<16xi32>
        %mul3A_321 = arith.mulf %mul3A_194, %sub3A_148 : vector<16xf32>
        %jit3A_322 = arith.constant 0 : i32
        %broadcast_in_dim3A_323 = vector.broadcast %jit3A_322 : i32 to vector<16xi32>
        %select_n3A_324 = arith.select %and3A_314, %select_n3A_320, %broadcast_in_dim3A_323 : vector<16xi1>, vector<16xi32>
        %add3A_325 = arith.addi %select_n3A_324, %get3A_31 : vector<16xi32>
        %jit3A_326 = arith.constant 0.000000e+00 : f32
        %broadcast_in_dim3A_327 = vector.broadcast %jit3A_326 : f32 to vector<16xf32>
        %select_n3A_328 = arith.select %and3A_314, %mul3A_321, %broadcast_in_dim3A_327 : vector<16xi1>, vector<16xf32>
        %add3A_329 = arith.constant 80 : i32
        %add3A_330 = arith.addi %mul3A_88, %add3A_329 : i32
        %swap3A_331 = arith.index_cast %add3A_330 : i32 to index
        %swap3A_332 = tpu.vector_load %arg8[%swap3A_331] {strides = array<i32>} : memref<4096xi32, #tpu.memory_space<vmem>>, vector<16xi32>,
        tpu.vector_store %arg8[%swap3A_331], %add3A_325 {strides = array<i32>} : memref<4096xi32, #tpu.memory_space<vmem>>, vector<16xi32>,
        %add3A_333 = arith.constant 80 : i32
        %add3A_334 = arith.addi %mul3A_88, %add3A_333 : i32
        %swap3A_335 = arith.index_cast %add3A_334 : i32 to index
        %swap3A_336 = tpu.vector_load %arg9[%swap3A_335] {strides = array<i32>} : memref<4096xf32, #tpu.memory_space<vmem>>, vector<16xf32>,
        tpu.vector_store %arg9[%swap3A_335], %select_n3A_328 {strides = array<i32>} : memref<4096xf32, #tpu.memory_space<vmem>>, vector<16xf32>,
        %and3A_337 = arith.andi %and3A_197, %ge3A_158 : vector<16xi1>
        %add3A_338 = arith.addi %add3A_199, %select_n3A_146 : vector<16xi32>
        %xor3A_339 = arith.xori %xor3A_200, %mul3A_184 : vector<16xi32>
        %and3A_340 = arith.constant 524287 : i32
        %and3A_341 = vector.broadcast %and3A_340 : i32 to vector<16xi32>
        %and3A_342 = arith.andi %xor3A_339, %and3A_341 : vector<16xi32>
        %select_n3A_343 = arith.select %lt3A_33, %add3A_338, %and3A_342 : vector<16xi1>, vector<16xi32>
        %mul3A_344 = arith.mulf %mul3A_198, %sub3A_168 : vector<16xf32>
        %jit3A_345 = arith.constant 0 : i32
        %broadcast_in_dim3A_346 = vector.broadcast %jit3A_345 : i32 to vector<16xi32>
        %select_n3A_347 = arith.select %and3A_337, %select_n3A_343, %broadcast_in_dim3A_346 : vector<16xi1>, vector<16xi32>
        %add3A_348 = arith.addi %select_n3A_347, %get3A_31 : vector<16xi32>
        %jit3A_349 = arith.constant 0.000000e+00 : f32
        %broadcast_in_dim3A_350 = vector.broadcast %jit3A_349 : f32 to vector<16xf32>
        %select_n3A_351 = arith.select %and3A_337, %mul3A_344, %broadcast_in_dim3A_350 : vector<16xi1>, vector<16xf32>
        %add3A_352 = arith.constant 96 : i32
        %add3A_353 = arith.addi %mul3A_88, %add3A_352 : i32
        %swap3A_354 = arith.index_cast %add3A_353 : i32 to index
        %swap3A_355 = tpu.vector_load %arg8[%swap3A_354] {strides = array<i32>} : memref<4096xi32, #tpu.memory_space<vmem>>, vector<16xi32>,
        tpu.vector_store %arg8[%swap3A_354], %add3A_348 {strides = array<i32>} : memref<4096xi32, #tpu.memory_space<vmem>>, vector<16xi32>,
        %add3A_356 = arith.constant 96 : i32
        %add3A_357 = arith.addi %mul3A_88, %add3A_356 : i32
        %swap3A_358 = arith.index_cast %add3A_357 : i32 to index
        %swap3A_359 = tpu.vector_load %arg9[%swap3A_358] {strides = array<i32>} : memref<4096xf32, #tpu.memory_space<vmem>>, vector<16xf32>,
        tpu.vector_store %arg9[%swap3A_358], %select_n3A_351 {strides = array<i32>} : memref<4096xf32, #tpu.memory_space<vmem>>, vector<16xf32>,
        %and3A_360 = arith.andi %and3A_197, %lt3A_159 : vector<16xi1>
        %add3A_361 = arith.addi %add3A_199, %add3A_175 : vector<16xi32>
        %xor3A_362 = arith.xori %xor3A_200, %add3A_186 : vector<16xi32>
        %and3A_363 = arith.constant 524287 : i32
        %and3A_364 = vector.broadcast %and3A_363 : i32 to vector<16xi32>
        %and3A_365 = arith.andi %xor3A_362, %and3A_364 : vector<16xi32>
        %select_n3A_366 = arith.select %lt3A_33, %add3A_361, %and3A_365 : vector<16xi1>, vector<16xi32>
        %mul3A_367 = arith.mulf %mul3A_198, %sub3A_148 : vector<16xf32>
        %jit3A_368 = arith.constant 0 : i32
        %broadcast_in_dim3A_369 = vector.broadcast %jit3A_368 : i32 to vector<16xi32>
        %select_n3A_370 = arith.select %and3A_360, %select_n3A_366, %broadcast_in_dim3A_369 : vector<16xi1>, vector<16xi32>
        %add3A_371 = arith.addi %select_n3A_370, %get3A_31 : vector<16xi32>
        %jit3A_372 = arith.constant 0.000000e+00 : f32
        %broadcast_in_dim3A_373 = vector.broadcast %jit3A_372 : f32 to vector<16xf32>
        %select_n3A_374 = arith.select %and3A_360, %mul3A_367, %broadcast_in_dim3A_373 : vector<16xi1>, vector<16xf32>
        %add3A_375 = arith.constant 112 : i32
        %add3A_376 = arith.addi %mul3A_88, %add3A_375 : i32
        %swap3A_377 = arith.index_cast %add3A_376 : i32 to index
        %swap3A_378 = tpu.vector_load %arg8[%swap3A_377] {strides = array<i32>} : memref<4096xi32, #tpu.memory_space<vmem>>, vector<16xi32>,
        tpu.vector_store %arg8[%swap3A_377], %add3A_371 {strides = array<i32>} : memref<4096xi32, #tpu.memory_space<vmem>>, vector<16xi32>,
        %add3A_379 = arith.constant 112 : i32
        %add3A_380 = arith.addi %mul3A_88, %add3A_379 : i32
        %swap3A_381 = arith.index_cast %add3A_380 : i32 to index
        %swap3A_382 = tpu.vector_load %arg9[%swap3A_381] {strides = array<i32>} : memref<4096xf32, #tpu.memory_space<vmem>>, vector<16xf32>,
        tpu.vector_store %arg9[%swap3A_381], %select_n3A_374 {strides = array<i32>} : memref<4096xf32, #tpu.memory_space<vmem>>, vector<16xf32>,
        %mul3A_383 = arith.constant 2 : i32
        %mul3A_384 = arith.muli %scan3A_79, %mul3A_383 : i32
        %add3A_385 = arith.constant 1 : i32
        %add3A_386 = arith.addi %mul3A_384, %add3A_385 : i32
        %add3A_387 = arith.constant 0 : i32
        %add3A_388 = arith.addi %add3A_387, %add3A_386 : i32
        %mul3A_389 = arith.constant 128 : i32
        %mul3A_390 = arith.muli %add3A_388, %mul3A_389 : i32
        %mul3A_391 = arith.constant 16 : i32
        %mul3A_392 = arith.muli %add3A_386, %mul3A_391 : i32
        %get3A_393 = arith.index_cast %mul3A_392 : i32 to index
        %get3A_394 = tpu.vector_load %arg7[%get3A_393] {strides = array<i32>} : memref<768xf32, #tpu.memory_space<vmem>>, vector<16xf32>,
        %add3A_395 = arith.constant 1.000000e+00 : f32
        %add3A_396 = vector.broadcast %add3A_395 : f32 to vector<16xf32>
        %add3A_397 = arith.addf %get3A_394, %add3A_396 : vector<16xf32>
        %mul3A_398 = arith.mulf %add3A_397, %get3A_23 : vector<16xf32>
        %sub3A_399 = arith.constant 5.000000e-01 : f32
        %sub3A_400 = vector.broadcast %sub3A_399 : f32 to vector<16xf32>
        %sub3A_401 = arith.subf %mul3A_398, %sub3A_400 : vector<16xf32>
        %convert_element_type3A_402 = arith.fptosi %sub3A_401 : vector<16xf32> to vector<16xi32>
        %convert_element_type3A_403 = arith.sitofp %convert_element_type3A_402 : vector<16xi32> to vector<16xf32>
        %gt3A_404 = arith.cmpf ogt, %convert_element_type3A_403, %sub3A_401 : vector<16xf32>
        %sub3A_405 = arith.constant 1 : i32
        %sub3A_406 = vector.broadcast %sub3A_405 : i32 to vector<16xi32>
        %sub3A_407 = arith.subi %convert_element_type3A_402, %sub3A_406 : vector<16xi32>
        %select_n3A_408 = arith.select %gt3A_404, %sub3A_407, %convert_element_type3A_402 : vector<16xi1>, vector<16xi32>
        %convert_element_type3A_409 = arith.sitofp %select_n3A_408 : vector<16xi32> to vector<16xf32>
        %sub3A_410 = arith.subf %sub3A_401, %convert_element_type3A_409 : vector<16xf32>
        %mul3A_411 = arith.constant 16 : i32
        %mul3A_412 = arith.muli %add3A_386, %mul3A_411 : i32
        %add3A_413 = arith.constant 256 : i32
        %add3A_414 = arith.addi %add3A_413, %mul3A_412 : i32
        %get3A_415 = arith.index_cast %add3A_414 : i32 to index
        %get3A_416 = tpu.vector_load %arg7[%get3A_415] {strides = array<i32>} : memref<768xf32, #tpu.memory_space<vmem>>, vector<16xf32>,
        %add3A_417 = arith.constant 1.000000e+00 : f32
        %add3A_418 = vector.broadcast %add3A_417 : f32 to vector<16xf32>
        %add3A_419 = arith.addf %get3A_416, %add3A_418 : vector<16xf32>
        %mul3A_420 = arith.mulf %add3A_419, %get3A_23 : vector<16xf32>
        %sub3A_421 = arith.constant 5.000000e-01 : f32
        %sub3A_422 = vector.broadcast %sub3A_421 : f32 to vector<16xf32>
        %sub3A_423 = arith.subf %mul3A_420, %sub3A_422 : vector<16xf32>
        %convert_element_type3A_424 = arith.fptosi %sub3A_423 : vector<16xf32> to vector<16xi32>
        %convert_element_type3A_425 = arith.sitofp %convert_element_type3A_424 : vector<16xi32> to vector<16xf32>
        %gt3A_426 = arith.cmpf ogt, %convert_element_type3A_425, %sub3A_423 : vector<16xf32>
        %sub3A_427 = arith.constant 1 : i32
        %sub3A_428 = vector.broadcast %sub3A_427 : i32 to vector<16xi32>
        %sub3A_429 = arith.subi %convert_element_type3A_424, %sub3A_428 : vector<16xi32>
        %select_n3A_430 = arith.select %gt3A_426, %sub3A_429, %convert_element_type3A_424 : vector<16xi1>, vector<16xi32>
        %convert_element_type3A_431 = arith.sitofp %select_n3A_430 : vector<16xi32> to vector<16xf32>
        %sub3A_432 = arith.subf %sub3A_423, %convert_element_type3A_431 : vector<16xf32>
        %mul3A_433 = arith.constant 16 : i32
        %mul3A_434 = arith.muli %add3A_386, %mul3A_433 : i32
        %add3A_435 = arith.constant 512 : i32
        %add3A_436 = arith.addi %add3A_435, %mul3A_434 : i32
        %get3A_437 = arith.index_cast %add3A_436 : i32 to index
        %get3A_438 = tpu.vector_load %arg7[%get3A_437] {strides = array<i32>} : memref<768xf32, #tpu.memory_space<vmem>>, vector<16xf32>,
        %add3A_439 = arith.constant 1.000000e+00 : f32
        %add3A_440 = vector.broadcast %add3A_439 : f32 to vector<16xf32>
        %add3A_441 = arith.addf %get3A_438, %add3A_440 : vector<16xf32>
        %mul3A_442 = arith.mulf %add3A_441, %get3A_23 : vector<16xf32>
        %sub3A_443 = arith.constant 5.000000e-01 : f32
        %sub3A_444 = vector.broadcast %sub3A_443 : f32 to vector<16xf32>
        %sub3A_445 = arith.subf %mul3A_442, %sub3A_444 : vector<16xf32>
        %convert_element_type3A_446 = arith.fptosi %sub3A_445 : vector<16xf32> to vector<16xi32>
        %convert_element_type3A_447 = arith.sitofp %convert_element_type3A_446 : vector<16xi32> to vector<16xf32>
        %gt3A_448 = arith.cmpf ogt, %convert_element_type3A_447, %sub3A_445 : vector<16xf32>
        %sub3A_449 = arith.constant 1 : i32
        %sub3A_450 = vector.broadcast %sub3A_449 : i32 to vector<16xi32>
        %sub3A_451 = arith.subi %convert_element_type3A_446, %sub3A_450 : vector<16xi32>
        %select_n3A_452 = arith.select %gt3A_448, %sub3A_451, %convert_element_type3A_446 : vector<16xi1>, vector<16xi32>
        %convert_element_type3A_453 = arith.sitofp %select_n3A_452 : vector<16xi32> to vector<16xf32>
        %sub3A_454 = arith.subf %sub3A_445, %convert_element_type3A_453 : vector<16xf32>
        %ge3A_455 = arith.constant 0 : i32
        %ge3A_456 = vector.broadcast %ge3A_455 : i32 to vector<16xi32>
        %ge3A_457 = arith.cmpi sge, %select_n3A_408, %ge3A_456 : vector<16xi32>
        %lt3A_458 = arith.cmpi slt, %select_n3A_408, %get3A_25 : vector<16xi32>
        %ge3A_459 = arith.constant 0 : i32
        %ge3A_460 = vector.broadcast %ge3A_459 : i32 to vector<16xi32>
        %ge3A_461 = arith.cmpi sge, %select_n3A_430, %ge3A_460 : vector<16xi32>
        %lt3A_462 = arith.cmpi slt, %select_n3A_430, %get3A_25 : vector<16xi32>
        %ge3A_463 = arith.constant 0 : i32
        %ge3A_464 = vector.broadcast %ge3A_463 : i32 to vector<16xi32>
        %ge3A_465 = arith.cmpi sge, %select_n3A_452, %ge3A_464 : vector<16xi32>
        %lt3A_466 = arith.cmpi slt, %select_n3A_452, %get3A_25 : vector<16xi32>
        %sub3A_467 = arith.constant 1.000000e+00 : f32
        %sub3A_468 = vector.broadcast %sub3A_467 : f32 to vector<16xf32>
        %sub3A_469 = arith.subf %sub3A_468, %sub3A_410 : vector<16xf32>
        %sub3A_470 = arith.constant 1.000000e+00 : f32
        %sub3A_471 = vector.broadcast %sub3A_470 : f32 to vector<16xf32>
        %sub3A_472 = arith.subf %sub3A_471, %sub3A_432 : vector<16xf32>
        %sub3A_473 = arith.constant 1.000000e+00 : f32
        %sub3A_474 = vector.broadcast %sub3A_473 : f32 to vector<16xf32>
        %sub3A_475 = arith.subf %sub3A_474, %sub3A_454 : vector<16xf32>
        %mul3A_476 = arith.muli %select_n3A_408, %get3A_27 : vector<16xi32>
        %mul3A_477 = arith.muli %select_n3A_430, %get3A_29 : vector<16xi32>
        %add3A_478 = arith.addi %mul3A_476, %get3A_27 : vector<16xi32>
        %add3A_479 = arith.addi %mul3A_477, %get3A_29 : vector<16xi32>
        %add3A_480 = arith.constant 1 : i32
        %add3A_481 = vector.broadcast %add3A_480 : i32 to vector<16xi32>
        %add3A_482 = arith.addi %select_n3A_452, %add3A_481 : vector<16xi32>
        %add3A_483 = arith.constant 1 : i32
        %add3A_484 = vector.broadcast %add3A_483 : i32 to vector<16xi32>
        %add3A_485 = arith.addi %select_n3A_408, %add3A_484 : vector<16xi32>
        %mul3A_486 = vector.broadcast %scan3A : i32 to vector<16xi32>
        %mul3A_487 = arith.muli %select_n3A_430, %mul3A_486 : vector<16xi32>
        %add3A_488 = vector.broadcast %scan3A : i32 to vector<16xi32>
        %add3A_489 = arith.addi %mul3A_487, %add3A_488 : vector<16xi32>
        %mul3A_490 = vector.broadcast %scan3A_6 : i32 to vector<16xi32>
        %mul3A_491 = arith.muli %select_n3A_452, %mul3A_490 : vector<16xi32>
        %add3A_492 = vector.broadcast %scan3A_6 : i32 to vector<16xi32>
        %add3A_493 = arith.addi %mul3A_491, %add3A_492 : vector<16xi32>
        %and3A_494 = arith.andi %ge3A_457, %ge3A_461 : vector<16xi1>
        %mul3A_495 = arith.mulf %sub3A_469, %sub3A_472 : vector<16xf32>
        %add3A_496 = arith.addi %mul3A_476, %mul3A_477 : vector<16xi32>
        %xor3A_497 = arith.xori %select_n3A_408, %mul3A_487 : vector<16xi32>
        %and3A_498 = arith.andi %ge3A_457, %lt3A_462 : vector<16xi1>
        %mul3A_499 = arith.mulf %sub3A_469, %sub3A_432 : vector<16xf32>
        %add3A_500 = arith.addi %mul3A_476, %add3A_479 : vector<16xi32>
        %xor3A_501 = arith.xori %select_n3A_408, %add3A_489 : vector<16xi32>
        %and3A_502 = arith.andi %lt3A_458, %ge3A_461 : vector<16xi1>
        %mul3A_503 = arith.mulf %sub3A_410, %sub3A_472 : vector<16xf32>
        %add3A_504 = arith.addi %add3A_478, %mul3A_477 : vector<16xi32>
        %xor3A_505 = arith.xori %add3A_485, %mul3A_487 : vector<16xi32>
        %and3A_506 = arith.andi %lt3A_458, %lt3A_462 : vector<16xi1>
        %mul3A_507 = arith.mulf %sub3A_410, %sub3A_432 : vector<16xf32>
        %add3A_508 = arith.addi %add3A_478, %add3A_479 : vector<16xi32>
        %xor3A_509 = arith.xori %add3A_485, %add3A_489 : vector<16xi32>
        %and3A_510 = arith.andi %and3A_494, %ge3A_465 : vector<16xi1>
        %add3A_511 = arith.addi %add3A_496, %select_n3A_452 : vector<16xi32>
        %xor3A_512 = arith.xori %xor3A_497, %mul3A_491 : vector<16xi32>
        %and3A_513 = arith.constant 524287 : i32
        %and3A_514 = vector.broadcast %and3A_513 : i32 to vector<16xi32>
        %and3A_515 = arith.andi %xor3A_512, %and3A_514 : vector<16xi32>
        %select_n3A_516 = arith.select %lt3A_33, %add3A_511, %and3A_515 : vector<16xi1>, vector<16xi32>
        %mul3A_517 = arith.mulf %mul3A_495, %sub3A_475 : vector<16xf32>
        %jit3A_518 = arith.constant 0 : i32
        %broadcast_in_dim3A_519 = vector.broadcast %jit3A_518 : i32 to vector<16xi32>
        %select_n3A_520 = arith.select %and3A_510, %select_n3A_516, %broadcast_in_dim3A_519 : vector<16xi1>, vector<16xi32>
        %add3A_521 = arith.addi %select_n3A_520, %get3A_31 : vector<16xi32>
        %jit3A_522 = arith.constant 0.000000e+00 : f32
        %broadcast_in_dim3A_523 = vector.broadcast %jit3A_522 : f32 to vector<16xf32>
        %select_n3A_524 = arith.select %and3A_510, %mul3A_517, %broadcast_in_dim3A_523 : vector<16xi1>, vector<16xf32>
        %add3A_525 = arith.constant 0 : i32
        %add3A_526 = arith.addi %mul3A_390, %add3A_525 : i32
        %swap3A_527 = arith.index_cast %add3A_526 : i32 to index
        %swap3A_528 = tpu.vector_load %arg8[%swap3A_527] {strides = array<i32>} : memref<4096xi32, #tpu.memory_space<vmem>>, vector<16xi32>,
        tpu.vector_store %arg8[%swap3A_527], %add3A_521 {strides = array<i32>} : memref<4096xi32, #tpu.memory_space<vmem>>, vector<16xi32>,
        %add3A_529 = arith.constant 0 : i32
        %add3A_530 = arith.addi %mul3A_390, %add3A_529 : i32
        %swap3A_531 = arith.index_cast %add3A_530 : i32 to index
        %swap3A_532 = tpu.vector_load %arg9[%swap3A_531] {strides = array<i32>} : memref<4096xf32, #tpu.memory_space<vmem>>, vector<16xf32>,
        tpu.vector_store %arg9[%swap3A_531], %select_n3A_524 {strides = array<i32>} : memref<4096xf32, #tpu.memory_space<vmem>>, vector<16xf32>,
        %and3A_533 = arith.andi %and3A_494, %lt3A_466 : vector<16xi1>
        %add3A_534 = arith.addi %add3A_496, %add3A_482 : vector<16xi32>
        %xor3A_535 = arith.xori %xor3A_497, %add3A_493 : vector<16xi32>
        %and3A_536 = arith.constant 524287 : i32
        %and3A_537 = vector.broadcast %and3A_536 : i32 to vector<16xi32>
        %and3A_538 = arith.andi %xor3A_535, %and3A_537 : vector<16xi32>
        %select_n3A_539 = arith.select %lt3A_33, %add3A_534, %and3A_538 : vector<16xi1>, vector<16xi32>
        %mul3A_540 = arith.mulf %mul3A_495, %sub3A_454 : vector<16xf32>
        %jit3A_541 = arith.constant 0 : i32
        %broadcast_in_dim3A_542 = vector.broadcast %jit3A_541 : i32 to vector<16xi32>
        %select_n3A_543 = arith.select %and3A_533, %select_n3A_539, %broadcast_in_dim3A_542 : vector<16xi1>, vector<16xi32>
        %add3A_544 = arith.addi %select_n3A_543, %get3A_31 : vector<16xi32>
        %jit3A_545 = arith.constant 0.000000e+00 : f32
        %broadcast_in_dim3A_546 = vector.broadcast %jit3A_545 : f32 to vector<16xf32>
        %select_n3A_547 = arith.select %and3A_533, %mul3A_540, %broadcast_in_dim3A_546 : vector<16xi1>, vector<16xf32>
        %add3A_548 = arith.constant 16 : i32
        %add3A_549 = arith.addi %mul3A_390, %add3A_548 : i32
        %swap3A_550 = arith.index_cast %add3A_549 : i32 to index
        %swap3A_551 = tpu.vector_load %arg8[%swap3A_550] {strides = array<i32>} : memref<4096xi32, #tpu.memory_space<vmem>>, vector<16xi32>,
        tpu.vector_store %arg8[%swap3A_550], %add3A_544 {strides = array<i32>} : memref<4096xi32, #tpu.memory_space<vmem>>, vector<16xi32>,
        %add3A_552 = arith.constant 16 : i32
        %add3A_553 = arith.addi %mul3A_390, %add3A_552 : i32
        %swap3A_554 = arith.index_cast %add3A_553 : i32 to index
        %swap3A_555 = tpu.vector_load %arg9[%swap3A_554] {strides = array<i32>} : memref<4096xf32, #tpu.memory_space<vmem>>, vector<16xf32>,
        tpu.vector_store %arg9[%swap3A_554], %select_n3A_547 {strides = array<i32>} : memref<4096xf32, #tpu.memory_space<vmem>>, vector<16xf32>,
        %and3A_556 = arith.andi %and3A_498, %ge3A_465 : vector<16xi1>
        %add3A_557 = arith.addi %add3A_500, %select_n3A_452 : vector<16xi32>
        %xor3A_558 = arith.xori %xor3A_501, %mul3A_491 : vector<16xi32>
        %and3A_559 = arith.constant 524287 : i32
        %and3A_560 = vector.broadcast %and3A_559 : i32 to vector<16xi32>
        %and3A_561 = arith.andi %xor3A_558, %and3A_560 : vector<16xi32>
        %select_n3A_562 = arith.select %lt3A_33, %add3A_557, %and3A_561 : vector<16xi1>, vector<16xi32>
        %mul3A_563 = arith.mulf %mul3A_499, %sub3A_475 : vector<16xf32>
        %jit3A_564 = arith.constant 0 : i32
        %broadcast_in_dim3A_565 = vector.broadcast %jit3A_564 : i32 to vector<16xi32>
        %select_n3A_566 = arith.select %and3A_556, %select_n3A_562, %broadcast_in_dim3A_565 : vector<16xi1>, vector<16xi32>
        %add3A_567 = arith.addi %select_n3A_566, %get3A_31 : vector<16xi32>
        %jit3A_568 = arith.constant 0.000000e+00 : f32
        %broadcast_in_dim3A_569 = vector.broadcast %jit3A_568 : f32 to vector<16xf32>
        %select_n3A_570 = arith.select %and3A_556, %mul3A_563, %broadcast_in_dim3A_569 : vector<16xi1>, vector<16xf32>
        %add3A_571 = arith.constant 32 : i32
        %add3A_572 = arith.addi %mul3A_390, %add3A_571 : i32
        %swap3A_573 = arith.index_cast %add3A_572 : i32 to index
        %swap3A_574 = tpu.vector_load %arg8[%swap3A_573] {strides = array<i32>} : memref<4096xi32, #tpu.memory_space<vmem>>, vector<16xi32>,
        tpu.vector_store %arg8[%swap3A_573], %add3A_567 {strides = array<i32>} : memref<4096xi32, #tpu.memory_space<vmem>>, vector<16xi32>,
        %add3A_575 = arith.constant 32 : i32
        %add3A_576 = arith.addi %mul3A_390, %add3A_575 : i32
        %swap3A_577 = arith.index_cast %add3A_576 : i32 to index
        %swap3A_578 = tpu.vector_load %arg9[%swap3A_577] {strides = array<i32>} : memref<4096xf32, #tpu.memory_space<vmem>>, vector<16xf32>,
        tpu.vector_store %arg9[%swap3A_577], %select_n3A_570 {strides = array<i32>} : memref<4096xf32, #tpu.memory_space<vmem>>, vector<16xf32>,
        %and3A_579 = arith.andi %and3A_498, %lt3A_466 : vector<16xi1>
        %add3A_580 = arith.addi %add3A_500, %add3A_482 : vector<16xi32>
        %xor3A_581 = arith.xori %xor3A_501, %add3A_493 : vector<16xi32>
        %and3A_582 = arith.constant 524287 : i32
        %and3A_583 = vector.broadcast %and3A_582 : i32 to vector<16xi32>
        %and3A_584 = arith.andi %xor3A_581, %and3A_583 : vector<16xi32>
        %select_n3A_585 = arith.select %lt3A_33, %add3A_580, %and3A_584 : vector<16xi1>, vector<16xi32>
        %mul3A_586 = arith.mulf %mul3A_499, %sub3A_454 : vector<16xf32>
        %jit3A_587 = arith.constant 0 : i32
        %broadcast_in_dim3A_588 = vector.broadcast %jit3A_587 : i32 to vector<16xi32>
        %select_n3A_589 = arith.select %and3A_579, %select_n3A_585, %broadcast_in_dim3A_588 : vector<16xi1>, vector<16xi32>
        %add3A_590 = arith.addi %select_n3A_589, %get3A_31 : vector<16xi32>
        %jit3A_591 = arith.constant 0.000000e+00 : f32
        %broadcast_in_dim3A_592 = vector.broadcast %jit3A_591 : f32 to vector<16xf32>
        %select_n3A_593 = arith.select %and3A_579, %mul3A_586, %broadcast_in_dim3A_592 : vector<16xi1>, vector<16xf32>
        %add3A_594 = arith.constant 48 : i32
        %add3A_595 = arith.addi %mul3A_390, %add3A_594 : i32
        %swap3A_596 = arith.index_cast %add3A_595 : i32 to index
        %swap3A_597 = tpu.vector_load %arg8[%swap3A_596] {strides = array<i32>} : memref<4096xi32, #tpu.memory_space<vmem>>, vector<16xi32>,
        tpu.vector_store %arg8[%swap3A_596], %add3A_590 {strides = array<i32>} : memref<4096xi32, #tpu.memory_space<vmem>>, vector<16xi32>,
        %add3A_598 = arith.constant 48 : i32
        %add3A_599 = arith.addi %mul3A_390, %add3A_598 : i32
        %swap3A_600 = arith.index_cast %add3A_599 : i32 to index
        %swap3A_601 = tpu.vector_load %arg9[%swap3A_600] {strides = array<i32>} : memref<4096xf32, #tpu.memory_space<vmem>>, vector<16xf32>,
        tpu.vector_store %arg9[%swap3A_600], %select_n3A_593 {strides = array<i32>} : memref<4096xf32, #tpu.memory_space<vmem>>, vector<16xf32>,
        %and3A_602 = arith.andi %and3A_502, %ge3A_465 : vector<16xi1>
        %add3A_603 = arith.addi %add3A_504, %select_n3A_452 : vector<16xi32>
        %xor3A_604 = arith.xori %xor3A_505, %mul3A_491 : vector<16xi32>
        %and3A_605 = arith.constant 524287 : i32
        %and3A_606 = vector.broadcast %and3A_605 : i32 to vector<16xi32>
        %and3A_607 = arith.andi %xor3A_604, %and3A_606 : vector<16xi32>
        %select_n3A_608 = arith.select %lt3A_33, %add3A_603, %and3A_607 : vector<16xi1>, vector<16xi32>
        %mul3A_609 = arith.mulf %mul3A_503, %sub3A_475 : vector<16xf32>
        %jit3A_610 = arith.constant 0 : i32
        %broadcast_in_dim3A_611 = vector.broadcast %jit3A_610 : i32 to vector<16xi32>
        %select_n3A_612 = arith.select %and3A_602, %select_n3A_608, %broadcast_in_dim3A_611 : vector<16xi1>, vector<16xi32>
        %add3A_613 = arith.addi %select_n3A_612, %get3A_31 : vector<16xi32>
        %jit3A_614 = arith.constant 0.000000e+00 : f32
        %broadcast_in_dim3A_615 = vector.broadcast %jit3A_614 : f32 to vector<16xf32>
        %select_n3A_616 = arith.select %and3A_602, %mul3A_609, %broadcast_in_dim3A_615 : vector<16xi1>, vector<16xf32>
        %add3A_617 = arith.constant 64 : i32
        %add3A_618 = arith.addi %mul3A_390, %add3A_617 : i32
        %swap3A_619 = arith.index_cast %add3A_618 : i32 to index
        %swap3A_620 = tpu.vector_load %arg8[%swap3A_619] {strides = array<i32>} : memref<4096xi32, #tpu.memory_space<vmem>>, vector<16xi32>,
        tpu.vector_store %arg8[%swap3A_619], %add3A_613 {strides = array<i32>} : memref<4096xi32, #tpu.memory_space<vmem>>, vector<16xi32>,
        %add3A_621 = arith.constant 64 : i32
        %add3A_622 = arith.addi %mul3A_390, %add3A_621 : i32
        %swap3A_623 = arith.index_cast %add3A_622 : i32 to index
        %swap3A_624 = tpu.vector_load %arg9[%swap3A_623] {strides = array<i32>} : memref<4096xf32, #tpu.memory_space<vmem>>, vector<16xf32>,
        tpu.vector_store %arg9[%swap3A_623], %select_n3A_616 {strides = array<i32>} : memref<4096xf32, #tpu.memory_space<vmem>>, vector<16xf32>,
        %and3A_625 = arith.andi %and3A_502, %lt3A_466 : vector<16xi1>
        %add3A_626 = arith.addi %add3A_504, %add3A_482 : vector<16xi32>
        %xor3A_627 = arith.xori %xor3A_505, %add3A_493 : vector<16xi32>
        %and3A_628 = arith.constant 524287 : i32
        %and3A_629 = vector.broadcast %and3A_628 : i32 to vector<16xi32>
        %and3A_630 = arith.andi %xor3A_627, %and3A_629 : vector<16xi32>
        %select_n3A_631 = arith.select %lt3A_33, %add3A_626, %and3A_630 : vector<16xi1>, vector<16xi32>
        %mul3A_632 = arith.mulf %mul3A_503, %sub3A_454 : vector<16xf32>
        %jit3A_633 = arith.constant 0 : i32
        %broadcast_in_dim3A_634 = vector.broadcast %jit3A_633 : i32 to vector<16xi32>
        %select_n3A_635 = arith.select %and3A_625, %select_n3A_631, %broadcast_in_dim3A_634 : vector<16xi1>, vector<16xi32>
        %add3A_636 = arith.addi %select_n3A_635, %get3A_31 : vector<16xi32>
        %jit3A_637 = arith.constant 0.000000e+00 : f32
        %broadcast_in_dim3A_638 = vector.broadcast %jit3A_637 : f32 to vector<16xf32>
        %select_n3A_639 = arith.select %and3A_625, %mul3A_632, %broadcast_in_dim3A_638 : vector<16xi1>, vector<16xf32>
        %add3A_640 = arith.constant 80 : i32
        %add3A_641 = arith.addi %mul3A_390, %add3A_640 : i32
        %swap3A_642 = arith.index_cast %add3A_641 : i32 to index
        %swap3A_643 = tpu.vector_load %arg8[%swap3A_642] {strides = array<i32>} : memref<4096xi32, #tpu.memory_space<vmem>>, vector<16xi32>,
        tpu.vector_store %arg8[%swap3A_642], %add3A_636 {strides = array<i32>} : memref<4096xi32, #tpu.memory_space<vmem>>, vector<16xi32>,
        %add3A_644 = arith.constant 80 : i32
        %add3A_645 = arith.addi %mul3A_390, %add3A_644 : i32
        %swap3A_646 = arith.index_cast %add3A_645 : i32 to index
        %swap3A_647 = tpu.vector_load %arg9[%swap3A_646] {strides = array<i32>} : memref<4096xf32, #tpu.memory_space<vmem>>, vector<16xf32>,
        tpu.vector_store %arg9[%swap3A_646], %select_n3A_639 {strides = array<i32>} : memref<4096xf32, #tpu.memory_space<vmem>>, vector<16xf32>,
        %and3A_648 = arith.andi %and3A_506, %ge3A_465 : vector<16xi1>
        %add3A_649 = arith.addi %add3A_508, %select_n3A_452 : vector<16xi32>
        %xor3A_650 = arith.xori %xor3A_509, %mul3A_491 : vector<16xi32>
        %and3A_651 = arith.constant 524287 : i32
        %and3A_652 = vector.broadcast %and3A_651 : i32 to vector<16xi32>
        %and3A_653 = arith.andi %xor3A_650, %and3A_652 : vector<16xi32>
        %select_n3A_654 = arith.select %lt3A_33, %add3A_649, %and3A_653 : vector<16xi1>, vector<16xi32>
        %mul3A_655 = arith.mulf %mul3A_507, %sub3A_475 : vector<16xf32>
        %jit3A_656 = arith.constant 0 : i32
        %broadcast_in_dim3A_657 = vector.broadcast %jit3A_656 : i32 to vector<16xi32>
        %select_n3A_658 = arith.select %and3A_648, %select_n3A_654, %broadcast_in_dim3A_657 : vector<16xi1>, vector<16xi32>
        %add3A_659 = arith.addi %select_n3A_658, %get3A_31 : vector<16xi32>
        %jit3A_660 = arith.constant 0.000000e+00 : f32
        %broadcast_in_dim3A_661 = vector.broadcast %jit3A_660 : f32 to vector<16xf32>
        %select_n3A_662 = arith.select %and3A_648, %mul3A_655, %broadcast_in_dim3A_661 : vector<16xi1>, vector<16xf32>
        %add3A_663 = arith.constant 96 : i32
        %add3A_664 = arith.addi %mul3A_390, %add3A_663 : i32
        %swap3A_665 = arith.index_cast %add3A_664 : i32 to index
        %swap3A_666 = tpu.vector_load %arg8[%swap3A_665] {strides = array<i32>} : memref<4096xi32, #tpu.memory_space<vmem>>, vector<16xi32>,
        tpu.vector_store %arg8[%swap3A_665], %add3A_659 {strides = array<i32>} : memref<4096xi32, #tpu.memory_space<vmem>>, vector<16xi32>,
        %add3A_667 = arith.constant 96 : i32
        %add3A_668 = arith.addi %mul3A_390, %add3A_667 : i32
        %swap3A_669 = arith.index_cast %add3A_668 : i32 to index
        %swap3A_670 = tpu.vector_load %arg9[%swap3A_669] {strides = array<i32>} : memref<4096xf32, #tpu.memory_space<vmem>>, vector<16xf32>,
        tpu.vector_store %arg9[%swap3A_669], %select_n3A_662 {strides = array<i32>} : memref<4096xf32, #tpu.memory_space<vmem>>, vector<16xf32>,
        %and3A_671 = arith.andi %and3A_506, %lt3A_466 : vector<16xi1>
        %add3A_672 = arith.addi %add3A_508, %add3A_482 : vector<16xi32>
        %xor3A_673 = arith.xori %xor3A_509, %add3A_493 : vector<16xi32>
        %and3A_674 = arith.constant 524287 : i32
        %and3A_675 = vector.broadcast %and3A_674 : i32 to vector<16xi32>
        %and3A_676 = arith.andi %xor3A_673, %and3A_675 : vector<16xi32>
        %select_n3A_677 = arith.select %lt3A_33, %add3A_672, %and3A_676 : vector<16xi1>, vector<16xi32>
        %mul3A_678 = arith.mulf %mul3A_507, %sub3A_454 : vector<16xf32>
        %jit3A_679 = arith.constant 0 : i32
        %broadcast_in_dim3A_680 = vector.broadcast %jit3A_679 : i32 to vector<16xi32>
        %select_n3A_681 = arith.select %and3A_671, %select_n3A_677, %broadcast_in_dim3A_680 : vector<16xi1>, vector<16xi32>
        %add3A_682 = arith.addi %select_n3A_681, %get3A_31 : vector<16xi32>
        %jit3A_683 = arith.constant 0.000000e+00 : f32
        %broadcast_in_dim3A_684 = vector.broadcast %jit3A_683 : f32 to vector<16xf32>
        %select_n3A_685 = arith.select %and3A_671, %mul3A_678, %broadcast_in_dim3A_684 : vector<16xi1>, vector<16xf32>
        %add3A_686 = arith.constant 112 : i32
        %add3A_687 = arith.addi %mul3A_390, %add3A_686 : i32
        %swap3A_688 = arith.index_cast %add3A_687 : i32 to index
        %swap3A_689 = tpu.vector_load %arg8[%swap3A_688] {strides = array<i32>} : memref<4096xi32, #tpu.memory_space<vmem>>, vector<16xi32>,
        tpu.vector_store %arg8[%swap3A_688], %add3A_682 {strides = array<i32>} : memref<4096xi32, #tpu.memory_space<vmem>>, vector<16xi32>,
        %add3A_690 = arith.constant 112 : i32
        %add3A_691 = arith.addi %mul3A_390, %add3A_690 : i32
        %swap3A_692 = arith.index_cast %add3A_691 : i32 to index
        %swap3A_693 = tpu.vector_load %arg9[%swap3A_692] {strides = array<i32>} : memref<4096xf32, #tpu.memory_space<vmem>>, vector<16xf32>,
        tpu.vector_store %arg9[%swap3A_692], %select_n3A_685 {strides = array<i32>} : memref<4096xf32, #tpu.memory_space<vmem>>, vector<16xf32>,
        %scan3A_694 = arith.constant 0 : i32
        scf.yield %scan3A_694 : i32
      }
      %scan3A_40 = arith.constant 8 : i32
      %scan3A_41 = arith.constant 0 : i32
      %scan3A_42 = arith.constant 0 : i32
      %scan3A_43 = arith.constant 16 : i32
      %scan3A_44 = arith.addi %scan3A_42, %scan3A_43 : i32
      %scan3A_45 = arith.constant 1 : i32
      %scan3A_46 = scf.for %scan3A_79 = %scan3A_42 to %scan3A_44 step %scan3A_45 iter_args(%scan3A_80 = %scan3A_41) -> (i32)  : i32 {
        %add3A_81 = arith.constant 0 : i32
        %add3A_82 = arith.addi %add3A_81, %scan3A_79 : i32
        %mul3A_83 = arith.constant 128 : i32
        %mul3A_84 = arith.muli %add3A_82, %mul3A_83 : i32
        %mul3A_85 = arith.constant 128 : i32
        %mul3A_86 = arith.muli %scan3A_79, %mul3A_85 : i32
        %add3A_87 = arith.constant 0 : i32
        %add3A_88 = arith.addi %add3A_87, %mul3A_86 : i32
        %dma_start3A = arith.constant 0 : i32
        %dma_start3A_89 = arith.constant 0 : i32
        %dma_start3A_90 = tpu.memref_slice %arg10[%add3A_88, %dma_start3A_89] : memref<4096x8xf32, #tpu.memory_space<vmem>> -> memref<128x8xf32, #tpu.memory_space<vmem>>
        %dma_start3A_91 = tpu.memref_slice %arg8[%mul3A_84] : memref<4096xi32, #tpu.memory_space<vmem>> -> memref<128xi32, #tpu.memory_space<vmem>>
        %dma_start3A_92 = arith.constant 0 : i32
        %dma_start3A_93 = arith.constant 0 : i32
        %dma_start3A_94 = tpu.memref_slice %arg3[%dma_start3A_92, %dma_start3A_93] : memref<5217953x8xf32, #tpu.memory_space<hbm>> -> memref<5217953x8xf32, #tpu.memory_space<hbm>>
        %dma_start3A_95 = tpu.memref_slice %arg14[%dma_start3A] : memref<2x!tpu.dma_semaphore, #tpu.memory_space<semaphore_mem>> -> memref<1x!tpu.dma_semaphore, #tpu.memory_space<semaphore_mem>>
        %dma_start3A_96 = tpu.memref_squeeze %dma_start3A_95 : memref<1x!tpu.dma_semaphore, #tpu.memory_space<semaphore_mem>> -> memref<!tpu.dma_semaphore, #tpu.memory_space<semaphore_mem>>
        tpu.enqueue_indirect_dma source(%dma_start3A_94 : memref<5217953x8xf32, #tpu.memory_space<hbm>>) target(%dma_start3A_90 : memref<128x8xf32, #tpu.memory_space<vmem>>) offsets(%dma_start3A_91 : memref<128xi32, #tpu.memory_space<vmem>>) semaphore(%dma_start3A_96 : memref<!tpu.dma_semaphore, #tpu.memory_space<semaphore_mem>>)
        %scan3A_97 = arith.constant 0 : i32
        scf.yield %scan3A_97 : i32
      }
      %scan3A_47 = arith.constant 16 : i32
      %scan3A_48 = arith.constant 0 : i32
      %scan3A_49 = arith.constant 1 : i32
      %scan3A_50 = arith.constant 15 : i32
      %scan3A_51 = arith.addi %scan3A_49, %scan3A_50 : i32
      %scan3A_52 = arith.constant 1 : i32
      %scan3A_53 = scf.for %scan3A_79 = %scan3A_49 to %scan3A_51 step %scan3A_52 iter_args(%scan3A_80 = %scan3A_48) -> (i32)  : i32 {
        %rem3A = arith.constant 2 : i32
        %rem3A_81 = arith.remsi %scan3A_79, %rem3A : i32
        %mul3A_82 = arith.constant 16 : i32
        %mul3A_83 = arith.muli %rem3A_81, %mul3A_82 : i32
        %mul3A_84 = arith.constant 8 : i32
        %mul3A_85 = arith.muli %rem3A_81, %mul3A_84 : i32
        %mul3A_86 = arith.constant 256 : i32
        %mul3A_87 = arith.muli %mul3A_85, %mul3A_86 : i32
        %broadcast_in_dim3A_88 = vector.broadcast %scan3A_79 : i32 to vector<16xi32>
        %mul3A_89 = arith.constant 16 : i32
        %mul3A_90 = arith.muli %scan3A_79, %mul3A_89 : i32
        %get3A_91 = arith.index_cast %mul3A_90 : i32 to index
        %get3A_92 = tpu.vector_load %arg12[%get3A_91] {strides = array<i32>} : memref<256xf32, #tpu.memory_space<vmem>>, vector<16xf32>,
        %mul3A_93 = arith.constant 16 : i32
        %mul3A_94 = arith.muli %scan3A_79, %mul3A_93 : i32
        %get3A_95 = arith.index_cast %mul3A_94 : i32 to index
        %get3A_96 = tpu.vector_load %arg13[%get3A_95] {strides = array<i32>} : memref<1024xi32, #tpu.memory_space<vmem>>, vector<16xi32>,
        %mul3A_97 = arith.constant 16 : i32
        %mul3A_98 = arith.muli %scan3A_79, %mul3A_97 : i32
        %add3A_99 = arith.constant 256 : i32
        %add3A_100 = arith.addi %add3A_99, %mul3A_98 : i32
        %get3A_101 = arith.index_cast %add3A_100 : i32 to index
        %get3A_102 = tpu.vector_load %arg13[%get3A_101] {strides = array<i32>} : memref<1024xi32, #tpu.memory_space<vmem>>, vector<16xi32>,
        %mul3A_103 = arith.constant 16 : i32
        %mul3A_104 = arith.muli %scan3A_79, %mul3A_103 : i32
        %add3A_105 = arith.constant 512 : i32
        %add3A_106 = arith.addi %add3A_105, %mul3A_104 : i32
        %get3A_107 = arith.index_cast %add3A_106 : i32 to index
        %get3A_108 = tpu.vector_load %arg13[%get3A_107] {strides = array<i32>} : memref<1024xi32, #tpu.memory_space<vmem>>, vector<16xi32>,
        %mul3A_109 = arith.constant 16 : i32
        %mul3A_110 = arith.muli %scan3A_79, %mul3A_109 : i32
        %add3A_111 = arith.constant 768 : i32
        %add3A_112 = arith.addi %add3A_111, %mul3A_110 : i32
        %get3A_113 = arith.index_cast %add3A_112 : i32 to index
        %get3A_114 = tpu.vector_load %arg13[%get3A_113] {strides = array<i32>} : memref<1024xi32, #tpu.memory_space<vmem>>, vector<16xi32>,
        %lt3A_115 = arith.constant 8 : i32
        %lt3A_116 = vector.broadcast %lt3A_115 : i32 to vector<16xi32>
        %lt3A_117 = arith.cmpi slt, %broadcast_in_dim3A_88, %lt3A_116 : vector<16xi32>
        %scan3A_118 = arith.constant 0 : i32
        %scan3A_119 = arith.constant 0 : i32
        %scan3A_120 = arith.constant 8 : i32
        %scan3A_121 = arith.addi %scan3A_119, %scan3A_120 : i32
        %scan3A_122 = arith.constant 1 : i32
        %scan3A_123 = scf.for %scan3A_164 = %scan3A_119 to %scan3A_121 step %scan3A_122 iter_args(%scan3A_165 = %scan3A_118) -> (i32)  : i32 {
          %mul3A_166 = arith.constant 2 : i32
          %mul3A_167 = arith.muli %scan3A_164, %mul3A_166 : i32
          %add3A_168 = arith.constant 0 : i32
          %add3A_169 = arith.addi %mul3A_167, %add3A_168 : i32
          %add3A_170 = arith.addi %mul3A_83, %add3A_169 : i32
          %mul3A_171 = arith.constant 128 : i32
          %mul3A_172 = arith.muli %add3A_170, %mul3A_171 : i32
          %mul3A_173 = arith.constant 16 : i32
          %mul3A_174 = arith.muli %add3A_169, %mul3A_173 : i32
          %get3A_175 = arith.index_cast %mul3A_174 : i32 to index
          %get3A_176 = tpu.vector_load %arg7[%get3A_175] {strides = array<i32>} : memref<768xf32, #tpu.memory_space<vmem>>, vector<16xf32>,
          %add3A_177 = arith.constant 1.000000e+00 : f32
          %add3A_178 = vector.broadcast %add3A_177 : f32 to vector<16xf32>
          %add3A_179 = arith.addf %get3A_176, %add3A_178 : vector<16xf32>
          %mul3A_180 = arith.mulf %add3A_179, %get3A_92 : vector<16xf32>
          %sub3A_181 = arith.constant 5.000000e-01 : f32
          %sub3A_182 = vector.broadcast %sub3A_181 : f32 to vector<16xf32>
          %sub3A_183 = arith.subf %mul3A_180, %sub3A_182 : vector<16xf32>
          %convert_element_type3A = arith.fptosi %sub3A_183 : vector<16xf32> to vector<16xi32>
          %convert_element_type3A_184 = arith.sitofp %convert_element_type3A : vector<16xi32> to vector<16xf32>
          %gt3A = arith.cmpf ogt, %convert_element_type3A_184, %sub3A_183 : vector<16xf32>
          %sub3A_185 = arith.constant 1 : i32
          %sub3A_186 = vector.broadcast %sub3A_185 : i32 to vector<16xi32>
          %sub3A_187 = arith.subi %convert_element_type3A, %sub3A_186 : vector<16xi32>
          %select_n3A = arith.select %gt3A, %sub3A_187, %convert_element_type3A : vector<16xi1>, vector<16xi32>
          %convert_element_type3A_188 = arith.sitofp %select_n3A : vector<16xi32> to vector<16xf32>
          %sub3A_189 = arith.subf %sub3A_183, %convert_element_type3A_188 : vector<16xf32>
          %mul3A_190 = arith.constant 16 : i32
          %mul3A_191 = arith.muli %add3A_169, %mul3A_190 : i32
          %add3A_192 = arith.constant 256 : i32
          %add3A_193 = arith.addi %add3A_192, %mul3A_191 : i32
          %get3A_194 = arith.index_cast %add3A_193 : i32 to index
          %get3A_195 = tpu.vector_load %arg7[%get3A_194] {strides = array<i32>} : memref<768xf32, #tpu.memory_space<vmem>>, vector<16xf32>,
          %add3A_196 = arith.constant 1.000000e+00 : f32
          %add3A_197 = vector.broadcast %add3A_196 : f32 to vector<16xf32>
          %add3A_198 = arith.addf %get3A_195, %add3A_197 : vector<16xf32>
          %mul3A_199 = arith.mulf %add3A_198, %get3A_92 : vector<16xf32>
          %sub3A_200 = arith.constant 5.000000e-01 : f32
          %sub3A_201 = vector.broadcast %sub3A_200 : f32 to vector<16xf32>
          %sub3A_202 = arith.subf %mul3A_199, %sub3A_201 : vector<16xf32>
          %convert_element_type3A_203 = arith.fptosi %sub3A_202 : vector<16xf32> to vector<16xi32>
          %convert_element_type3A_204 = arith.sitofp %convert_element_type3A_203 : vector<16xi32> to vector<16xf32>
          %gt3A_205 = arith.cmpf ogt, %convert_element_type3A_204, %sub3A_202 : vector<16xf32>
          %sub3A_206 = arith.constant 1 : i32
          %sub3A_207 = vector.broadcast %sub3A_206 : i32 to vector<16xi32>
          %sub3A_208 = arith.subi %convert_element_type3A_203, %sub3A_207 : vector<16xi32>
          %select_n3A_209 = arith.select %gt3A_205, %sub3A_208, %convert_element_type3A_203 : vector<16xi1>, vector<16xi32>
          %convert_element_type3A_210 = arith.sitofp %select_n3A_209 : vector<16xi32> to vector<16xf32>
          %sub3A_211 = arith.subf %sub3A_202, %convert_element_type3A_210 : vector<16xf32>
          %mul3A_212 = arith.constant 16 : i32
          %mul3A_213 = arith.muli %add3A_169, %mul3A_212 : i32
          %add3A_214 = arith.constant 512 : i32
          %add3A_215 = arith.addi %add3A_214, %mul3A_213 : i32
          %get3A_216 = arith.index_cast %add3A_215 : i32 to index
          %get3A_217 = tpu.vector_load %arg7[%get3A_216] {strides = array<i32>} : memref<768xf32, #tpu.memory_space<vmem>>, vector<16xf32>,
          %add3A_218 = arith.constant 1.000000e+00 : f32
          %add3A_219 = vector.broadcast %add3A_218 : f32 to vector<16xf32>
          %add3A_220 = arith.addf %get3A_217, %add3A_219 : vector<16xf32>
          %mul3A_221 = arith.mulf %add3A_220, %get3A_92 : vector<16xf32>
          %sub3A_222 = arith.constant 5.000000e-01 : f32
          %sub3A_223 = vector.broadcast %sub3A_222 : f32 to vector<16xf32>
          %sub3A_224 = arith.subf %mul3A_221, %sub3A_223 : vector<16xf32>
          %convert_element_type3A_225 = arith.fptosi %sub3A_224 : vector<16xf32> to vector<16xi32>
          %convert_element_type3A_226 = arith.sitofp %convert_element_type3A_225 : vector<16xi32> to vector<16xf32>
          %gt3A_227 = arith.cmpf ogt, %convert_element_type3A_226, %sub3A_224 : vector<16xf32>
          %sub3A_228 = arith.constant 1 : i32
          %sub3A_229 = vector.broadcast %sub3A_228 : i32 to vector<16xi32>
          %sub3A_230 = arith.subi %convert_element_type3A_225, %sub3A_229 : vector<16xi32>
          %select_n3A_231 = arith.select %gt3A_227, %sub3A_230, %convert_element_type3A_225 : vector<16xi1>, vector<16xi32>
          %convert_element_type3A_232 = arith.sitofp %select_n3A_231 : vector<16xi32> to vector<16xf32>
          %sub3A_233 = arith.subf %sub3A_224, %convert_element_type3A_232 : vector<16xf32>
          %ge3A = arith.constant 0 : i32
          %ge3A_234 = vector.broadcast %ge3A : i32 to vector<16xi32>
          %ge3A_235 = arith.cmpi sge, %select_n3A, %ge3A_234 : vector<16xi32>
          %lt3A_236 = arith.cmpi slt, %select_n3A, %get3A_96 : vector<16xi32>
          %ge3A_237 = arith.constant 0 : i32
          %ge3A_238 = vector.broadcast %ge3A_237 : i32 to vector<16xi32>
          %ge3A_239 = arith.cmpi sge, %select_n3A_209, %ge3A_238 : vector<16xi32>
          %lt3A_240 = arith.cmpi slt, %select_n3A_209, %get3A_96 : vector<16xi32>
          %ge3A_241 = arith.constant 0 : i32
          %ge3A_242 = vector.broadcast %ge3A_241 : i32 to vector<16xi32>
          %ge3A_243 = arith.cmpi sge, %select_n3A_231, %ge3A_242 : vector<16xi32>
          %lt3A_244 = arith.cmpi slt, %select_n3A_231, %get3A_96 : vector<16xi32>
          %sub3A_245 = arith.constant 1.000000e+00 : f32
          %sub3A_246 = vector.broadcast %sub3A_245 : f32 to vector<16xf32>
          %sub3A_247 = arith.subf %sub3A_246, %sub3A_189 : vector<16xf32>
          %sub3A_248 = arith.constant 1.000000e+00 : f32
          %sub3A_249 = vector.broadcast %sub3A_248 : f32 to vector<16xf32>
          %sub3A_250 = arith.subf %sub3A_249, %sub3A_211 : vector<16xf32>
          %sub3A_251 = arith.constant 1.000000e+00 : f32
          %sub3A_252 = vector.broadcast %sub3A_251 : f32 to vector<16xf32>
          %sub3A_253 = arith.subf %sub3A_252, %sub3A_233 : vector<16xf32>
          %mul3A_254 = arith.muli %select_n3A, %get3A_102 : vector<16xi32>
          %mul3A_255 = arith.muli %select_n3A_209, %get3A_108 : vector<16xi32>
          %add3A_256 = arith.addi %mul3A_254, %get3A_102 : vector<16xi32>
          %add3A_257 = arith.addi %mul3A_255, %get3A_108 : vector<16xi32>
          %add3A_258 = arith.constant 1 : i32
          %add3A_259 = vector.broadcast %add3A_258 : i32 to vector<16xi32>
          %add3A_260 = arith.addi %select_n3A_231, %add3A_259 : vector<16xi32>
          %add3A_261 = arith.constant 1 : i32
          %add3A_262 = vector.broadcast %add3A_261 : i32 to vector<16xi32>
          %add3A_263 = arith.addi %select_n3A, %add3A_262 : vector<16xi32>
          %mul3A_264 = vector.broadcast %scan3A : i32 to vector<16xi32>
          %mul3A_265 = arith.muli %select_n3A_209, %mul3A_264 : vector<16xi32>
          %add3A_266 = vector.broadcast %scan3A : i32 to vector<16xi32>
          %add3A_267 = arith.addi %mul3A_265, %add3A_266 : vector<16xi32>
          %mul3A_268 = vector.broadcast %scan3A_6 : i32 to vector<16xi32>
          %mul3A_269 = arith.muli %select_n3A_231, %mul3A_268 : vector<16xi32>
          %add3A_270 = vector.broadcast %scan3A_6 : i32 to vector<16xi32>
          %add3A_271 = arith.addi %mul3A_269, %add3A_270 : vector<16xi32>
          %and3A = arith.andi %ge3A_235, %ge3A_239 : vector<16xi1>
          %mul3A_272 = arith.mulf %sub3A_247, %sub3A_250 : vector<16xf32>
          %add3A_273 = arith.addi %mul3A_254, %mul3A_255 : vector<16xi32>
          %xor3A = arith.xori %select_n3A, %mul3A_265 : vector<16xi32>
          %and3A_274 = arith.andi %ge3A_235, %lt3A_240 : vector<16xi1>
          %mul3A_275 = arith.mulf %sub3A_247, %sub3A_211 : vector<16xf32>
          %add3A_276 = arith.addi %mul3A_254, %add3A_257 : vector<16xi32>
          %xor3A_277 = arith.xori %select_n3A, %add3A_267 : vector<16xi32>
          %and3A_278 = arith.andi %lt3A_236, %ge3A_239 : vector<16xi1>
          %mul3A_279 = arith.mulf %sub3A_189, %sub3A_250 : vector<16xf32>
          %add3A_280 = arith.addi %add3A_256, %mul3A_255 : vector<16xi32>
          %xor3A_281 = arith.xori %add3A_263, %mul3A_265 : vector<16xi32>
          %and3A_282 = arith.andi %lt3A_236, %lt3A_240 : vector<16xi1>
          %mul3A_283 = arith.mulf %sub3A_189, %sub3A_211 : vector<16xf32>
          %add3A_284 = arith.addi %add3A_256, %add3A_257 : vector<16xi32>
          %xor3A_285 = arith.xori %add3A_263, %add3A_267 : vector<16xi32>
          %and3A_286 = arith.andi %and3A, %ge3A_243 : vector<16xi1>
          %add3A_287 = arith.addi %add3A_273, %select_n3A_231 : vector<16xi32>
          %xor3A_288 = arith.xori %xor3A, %mul3A_269 : vector<16xi32>
          %and3A_289 = arith.constant 524287 : i32
          %and3A_290 = vector.broadcast %and3A_289 : i32 to vector<16xi32>
          %and3A_291 = arith.andi %xor3A_288, %and3A_290 : vector<16xi32>
          %select_n3A_292 = arith.select %lt3A_117, %add3A_287, %and3A_291 : vector<16xi1>, vector<16xi32>
          %mul3A_293 = arith.mulf %mul3A_272, %sub3A_253 : vector<16xf32>
          %jit3A = arith.constant 0 : i32
          %broadcast_in_dim3A_294 = vector.broadcast %jit3A : i32 to vector<16xi32>
          %select_n3A_295 = arith.select %and3A_286, %select_n3A_292, %broadcast_in_dim3A_294 : vector<16xi1>, vector<16xi32>
          %add3A_296 = arith.addi %select_n3A_295, %get3A_114 : vector<16xi32>
          %jit3A_297 = arith.constant 0.000000e+00 : f32
          %broadcast_in_dim3A_298 = vector.broadcast %jit3A_297 : f32 to vector<16xf32>
          %select_n3A_299 = arith.select %and3A_286, %mul3A_293, %broadcast_in_dim3A_298 : vector<16xi1>, vector<16xf32>
          %add3A_300 = arith.constant 0 : i32
          %add3A_301 = arith.addi %mul3A_172, %add3A_300 : i32
          %swap3A = arith.index_cast %add3A_301 : i32 to index
          %swap3A_302 = tpu.vector_load %arg8[%swap3A] {strides = array<i32>} : memref<4096xi32, #tpu.memory_space<vmem>>, vector<16xi32>,
          tpu.vector_store %arg8[%swap3A], %add3A_296 {strides = array<i32>} : memref<4096xi32, #tpu.memory_space<vmem>>, vector<16xi32>,
          %add3A_303 = arith.constant 0 : i32
          %add3A_304 = arith.addi %mul3A_172, %add3A_303 : i32
          %swap3A_305 = arith.index_cast %add3A_304 : i32 to index
          %swap3A_306 = tpu.vector_load %arg9[%swap3A_305] {strides = array<i32>} : memref<4096xf32, #tpu.memory_space<vmem>>, vector<16xf32>,
          tpu.vector_store %arg9[%swap3A_305], %select_n3A_299 {strides = array<i32>} : memref<4096xf32, #tpu.memory_space<vmem>>, vector<16xf32>,
          %and3A_307 = arith.andi %and3A, %lt3A_244 : vector<16xi1>
          %add3A_308 = arith.addi %add3A_273, %add3A_260 : vector<16xi32>
          %xor3A_309 = arith.xori %xor3A, %add3A_271 : vector<16xi32>
          %and3A_310 = arith.constant 524287 : i32
          %and3A_311 = vector.broadcast %and3A_310 : i32 to vector<16xi32>
          %and3A_312 = arith.andi %xor3A_309, %and3A_311 : vector<16xi32>
          %select_n3A_313 = arith.select %lt3A_117, %add3A_308, %and3A_312 : vector<16xi1>, vector<16xi32>
          %mul3A_314 = arith.mulf %mul3A_272, %sub3A_233 : vector<16xf32>
          %jit3A_315 = arith.constant 0 : i32
          %broadcast_in_dim3A_316 = vector.broadcast %jit3A_315 : i32 to vector<16xi32>
          %select_n3A_317 = arith.select %and3A_307, %select_n3A_313, %broadcast_in_dim3A_316 : vector<16xi1>, vector<16xi32>
          %add3A_318 = arith.addi %select_n3A_317, %get3A_114 : vector<16xi32>
          %jit3A_319 = arith.constant 0.000000e+00 : f32
          %broadcast_in_dim3A_320 = vector.broadcast %jit3A_319 : f32 to vector<16xf32>
          %select_n3A_321 = arith.select %and3A_307, %mul3A_314, %broadcast_in_dim3A_320 : vector<16xi1>, vector<16xf32>
          %add3A_322 = arith.constant 16 : i32
          %add3A_323 = arith.addi %mul3A_172, %add3A_322 : i32
          %swap3A_324 = arith.index_cast %add3A_323 : i32 to index
          %swap3A_325 = tpu.vector_load %arg8[%swap3A_324] {strides = array<i32>} : memref<4096xi32, #tpu.memory_space<vmem>>, vector<16xi32>,
          tpu.vector_store %arg8[%swap3A_324], %add3A_318 {strides = array<i32>} : memref<4096xi32, #tpu.memory_space<vmem>>, vector<16xi32>,
          %add3A_326 = arith.constant 16 : i32
          %add3A_327 = arith.addi %mul3A_172, %add3A_326 : i32
          %swap3A_328 = arith.index_cast %add3A_327 : i32 to index
          %swap3A_329 = tpu.vector_load %arg9[%swap3A_328] {strides = array<i32>} : memref<4096xf32, #tpu.memory_space<vmem>>, vector<16xf32>,
          tpu.vector_store %arg9[%swap3A_328], %select_n3A_321 {strides = array<i32>} : memref<4096xf32, #tpu.memory_space<vmem>>, vector<16xf32>,
          %and3A_330 = arith.andi %and3A_274, %ge3A_243 : vector<16xi1>
          %add3A_331 = arith.addi %add3A_276, %select_n3A_231 : vector<16xi32>
          %xor3A_332 = arith.xori %xor3A_277, %mul3A_269 : vector<16xi32>
          %and3A_333 = arith.constant 524287 : i32
          %and3A_334 = vector.broadcast %and3A_333 : i32 to vector<16xi32>
          %and3A_335 = arith.andi %xor3A_332, %and3A_334 : vector<16xi32>
          %select_n3A_336 = arith.select %lt3A_117, %add3A_331, %and3A_335 : vector<16xi1>, vector<16xi32>
          %mul3A_337 = arith.mulf %mul3A_275, %sub3A_253 : vector<16xf32>
          %jit3A_338 = arith.constant 0 : i32
          %broadcast_in_dim3A_339 = vector.broadcast %jit3A_338 : i32 to vector<16xi32>
          %select_n3A_340 = arith.select %and3A_330, %select_n3A_336, %broadcast_in_dim3A_339 : vector<16xi1>, vector<16xi32>
          %add3A_341 = arith.addi %select_n3A_340, %get3A_114 : vector<16xi32>
          %jit3A_342 = arith.constant 0.000000e+00 : f32
          %broadcast_in_dim3A_343 = vector.broadcast %jit3A_342 : f32 to vector<16xf32>
          %select_n3A_344 = arith.select %and3A_330, %mul3A_337, %broadcast_in_dim3A_343 : vector<16xi1>, vector<16xf32>
          %add3A_345 = arith.constant 32 : i32
          %add3A_346 = arith.addi %mul3A_172, %add3A_345 : i32
          %swap3A_347 = arith.index_cast %add3A_346 : i32 to index
          %swap3A_348 = tpu.vector_load %arg8[%swap3A_347] {strides = array<i32>} : memref<4096xi32, #tpu.memory_space<vmem>>, vector<16xi32>,
          tpu.vector_store %arg8[%swap3A_347], %add3A_341 {strides = array<i32>} : memref<4096xi32, #tpu.memory_space<vmem>>, vector<16xi32>,
          %add3A_349 = arith.constant 32 : i32
          %add3A_350 = arith.addi %mul3A_172, %add3A_349 : i32
          %swap3A_351 = arith.index_cast %add3A_350 : i32 to index
          %swap3A_352 = tpu.vector_load %arg9[%swap3A_351] {strides = array<i32>} : memref<4096xf32, #tpu.memory_space<vmem>>, vector<16xf32>,
          tpu.vector_store %arg9[%swap3A_351], %select_n3A_344 {strides = array<i32>} : memref<4096xf32, #tpu.memory_space<vmem>>, vector<16xf32>,
          %and3A_353 = arith.andi %and3A_274, %lt3A_244 : vector<16xi1>
          %add3A_354 = arith.addi %add3A_276, %add3A_260 : vector<16xi32>
          %xor3A_355 = arith.xori %xor3A_277, %add3A_271 : vector<16xi32>
          %and3A_356 = arith.constant 524287 : i32
          %and3A_357 = vector.broadcast %and3A_356 : i32 to vector<16xi32>
          %and3A_358 = arith.andi %xor3A_355, %and3A_357 : vector<16xi32>
          %select_n3A_359 = arith.select %lt3A_117, %add3A_354, %and3A_358 : vector<16xi1>, vector<16xi32>
          %mul3A_360 = arith.mulf %mul3A_275, %sub3A_233 : vector<16xf32>
          %jit3A_361 = arith.constant 0 : i32
          %broadcast_in_dim3A_362 = vector.broadcast %jit3A_361 : i32 to vector<16xi32>
          %select_n3A_363 = arith.select %and3A_353, %select_n3A_359, %broadcast_in_dim3A_362 : vector<16xi1>, vector<16xi32>
          %add3A_364 = arith.addi %select_n3A_363, %get3A_114 : vector<16xi32>
          %jit3A_365 = arith.constant 0.000000e+00 : f32
          %broadcast_in_dim3A_366 = vector.broadcast %jit3A_365 : f32 to vector<16xf32>
          %select_n3A_367 = arith.select %and3A_353, %mul3A_360, %broadcast_in_dim3A_366 : vector<16xi1>, vector<16xf32>
          %add3A_368 = arith.constant 48 : i32
          %add3A_369 = arith.addi %mul3A_172, %add3A_368 : i32
          %swap3A_370 = arith.index_cast %add3A_369 : i32 to index
          %swap3A_371 = tpu.vector_load %arg8[%swap3A_370] {strides = array<i32>} : memref<4096xi32, #tpu.memory_space<vmem>>, vector<16xi32>,
          tpu.vector_store %arg8[%swap3A_370], %add3A_364 {strides = array<i32>} : memref<4096xi32, #tpu.memory_space<vmem>>, vector<16xi32>,
          %add3A_372 = arith.constant 48 : i32
          %add3A_373 = arith.addi %mul3A_172, %add3A_372 : i32
          %swap3A_374 = arith.index_cast %add3A_373 : i32 to index
          %swap3A_375 = tpu.vector_load %arg9[%swap3A_374] {strides = array<i32>} : memref<4096xf32, #tpu.memory_space<vmem>>, vector<16xf32>,
          tpu.vector_store %arg9[%swap3A_374], %select_n3A_367 {strides = array<i32>} : memref<4096xf32, #tpu.memory_space<vmem>>, vector<16xf32>,
          %and3A_376 = arith.andi %and3A_278, %ge3A_243 : vector<16xi1>
          %add3A_377 = arith.addi %add3A_280, %select_n3A_231 : vector<16xi32>
          %xor3A_378 = arith.xori %xor3A_281, %mul3A_269 : vector<16xi32>
          %and3A_379 = arith.constant 524287 : i32
          %and3A_380 = vector.broadcast %and3A_379 : i32 to vector<16xi32>
          %and3A_381 = arith.andi %xor3A_378, %and3A_380 : vector<16xi32>
          %select_n3A_382 = arith.select %lt3A_117, %add3A_377, %and3A_381 : vector<16xi1>, vector<16xi32>
          %mul3A_383 = arith.mulf %mul3A_279, %sub3A_253 : vector<16xf32>
          %jit3A_384 = arith.constant 0 : i32
          %broadcast_in_dim3A_385 = vector.broadcast %jit3A_384 : i32 to vector<16xi32>
          %select_n3A_386 = arith.select %and3A_376, %select_n3A_382, %broadcast_in_dim3A_385 : vector<16xi1>, vector<16xi32>
          %add3A_387 = arith.addi %select_n3A_386, %get3A_114 : vector<16xi32>
          %jit3A_388 = arith.constant 0.000000e+00 : f32
          %broadcast_in_dim3A_389 = vector.broadcast %jit3A_388 : f32 to vector<16xf32>
          %select_n3A_390 = arith.select %and3A_376, %mul3A_383, %broadcast_in_dim3A_389 : vector<16xi1>, vector<16xf32>
          %add3A_391 = arith.constant 64 : i32
          %add3A_392 = arith.addi %mul3A_172, %add3A_391 : i32
          %swap3A_393 = arith.index_cast %add3A_392 : i32 to index
          %swap3A_394 = tpu.vector_load %arg8[%swap3A_393] {strides = array<i32>} : memref<4096xi32, #tpu.memory_space<vmem>>, vector<16xi32>,
          tpu.vector_store %arg8[%swap3A_393], %add3A_387 {strides = array<i32>} : memref<4096xi32, #tpu.memory_space<vmem>>, vector<16xi32>,
          %add3A_395 = arith.constant 64 : i32
          %add3A_396 = arith.addi %mul3A_172, %add3A_395 : i32
          %swap3A_397 = arith.index_cast %add3A_396 : i32 to index
          %swap3A_398 = tpu.vector_load %arg9[%swap3A_397] {strides = array<i32>} : memref<4096xf32, #tpu.memory_space<vmem>>, vector<16xf32>,
          tpu.vector_store %arg9[%swap3A_397], %select_n3A_390 {strides = array<i32>} : memref<4096xf32, #tpu.memory_space<vmem>>, vector<16xf32>,
          %and3A_399 = arith.andi %and3A_278, %lt3A_244 : vector<16xi1>
          %add3A_400 = arith.addi %add3A_280, %add3A_260 : vector<16xi32>
          %xor3A_401 = arith.xori %xor3A_281, %add3A_271 : vector<16xi32>
          %and3A_402 = arith.constant 524287 : i32
          %and3A_403 = vector.broadcast %and3A_402 : i32 to vector<16xi32>
          %and3A_404 = arith.andi %xor3A_401, %and3A_403 : vector<16xi32>
          %select_n3A_405 = arith.select %lt3A_117, %add3A_400, %and3A_404 : vector<16xi1>, vector<16xi32>
          %mul3A_406 = arith.mulf %mul3A_279, %sub3A_233 : vector<16xf32>
          %jit3A_407 = arith.constant 0 : i32
          %broadcast_in_dim3A_408 = vector.broadcast %jit3A_407 : i32 to vector<16xi32>
          %select_n3A_409 = arith.select %and3A_399, %select_n3A_405, %broadcast_in_dim3A_408 : vector<16xi1>, vector<16xi32>
          %add3A_410 = arith.addi %select_n3A_409, %get3A_114 : vector<16xi32>
          %jit3A_411 = arith.constant 0.000000e+00 : f32
          %broadcast_in_dim3A_412 = vector.broadcast %jit3A_411 : f32 to vector<16xf32>
          %select_n3A_413 = arith.select %and3A_399, %mul3A_406, %broadcast_in_dim3A_412 : vector<16xi1>, vector<16xf32>
          %add3A_414 = arith.constant 80 : i32
          %add3A_415 = arith.addi %mul3A_172, %add3A_414 : i32
          %swap3A_416 = arith.index_cast %add3A_415 : i32 to index
          %swap3A_417 = tpu.vector_load %arg8[%swap3A_416] {strides = array<i32>} : memref<4096xi32, #tpu.memory_space<vmem>>, vector<16xi32>,
          tpu.vector_store %arg8[%swap3A_416], %add3A_410 {strides = array<i32>} : memref<4096xi32, #tpu.memory_space<vmem>>, vector<16xi32>,
          %add3A_418 = arith.constant 80 : i32
          %add3A_419 = arith.addi %mul3A_172, %add3A_418 : i32
          %swap3A_420 = arith.index_cast %add3A_419 : i32 to index
          %swap3A_421 = tpu.vector_load %arg9[%swap3A_420] {strides = array<i32>} : memref<4096xf32, #tpu.memory_space<vmem>>, vector<16xf32>,
          tpu.vector_store %arg9[%swap3A_420], %select_n3A_413 {strides = array<i32>} : memref<4096xf32, #tpu.memory_space<vmem>>, vector<16xf32>,
          %and3A_422 = arith.andi %and3A_282, %ge3A_243 : vector<16xi1>
          %add3A_423 = arith.addi %add3A_284, %select_n3A_231 : vector<16xi32>
          %xor3A_424 = arith.xori %xor3A_285, %mul3A_269 : vector<16xi32>
          %and3A_425 = arith.constant 524287 : i32
          %and3A_426 = vector.broadcast %and3A_425 : i32 to vector<16xi32>
          %and3A_427 = arith.andi %xor3A_424, %and3A_426 : vector<16xi32>
          %select_n3A_428 = arith.select %lt3A_117, %add3A_423, %and3A_427 : vector<16xi1>, vector<16xi32>
          %mul3A_429 = arith.mulf %mul3A_283, %sub3A_253 : vector<16xf32>
          %jit3A_430 = arith.constant 0 : i32
          %broadcast_in_dim3A_431 = vector.broadcast %jit3A_430 : i32 to vector<16xi32>
          %select_n3A_432 = arith.select %and3A_422, %select_n3A_428, %broadcast_in_dim3A_431 : vector<16xi1>, vector<16xi32>
          %add3A_433 = arith.addi %select_n3A_432, %get3A_114 : vector<16xi32>
          %jit3A_434 = arith.constant 0.000000e+00 : f32
          %broadcast_in_dim3A_435 = vector.broadcast %jit3A_434 : f32 to vector<16xf32>
          %select_n3A_436 = arith.select %and3A_422, %mul3A_429, %broadcast_in_dim3A_435 : vector<16xi1>, vector<16xf32>
          %add3A_437 = arith.constant 96 : i32
          %add3A_438 = arith.addi %mul3A_172, %add3A_437 : i32
          %swap3A_439 = arith.index_cast %add3A_438 : i32 to index
          %swap3A_440 = tpu.vector_load %arg8[%swap3A_439] {strides = array<i32>} : memref<4096xi32, #tpu.memory_space<vmem>>, vector<16xi32>,
          tpu.vector_store %arg8[%swap3A_439], %add3A_433 {strides = array<i32>} : memref<4096xi32, #tpu.memory_space<vmem>>, vector<16xi32>,
          %add3A_441 = arith.constant 96 : i32
          %add3A_442 = arith.addi %mul3A_172, %add3A_441 : i32
          %swap3A_443 = arith.index_cast %add3A_442 : i32 to index
          %swap3A_444 = tpu.vector_load %arg9[%swap3A_443] {strides = array<i32>} : memref<4096xf32, #tpu.memory_space<vmem>>, vector<16xf32>,
          tpu.vector_store %arg9[%swap3A_443], %select_n3A_436 {strides = array<i32>} : memref<4096xf32, #tpu.memory_space<vmem>>, vector<16xf32>,
          %and3A_445 = arith.andi %and3A_282, %lt3A_244 : vector<16xi1>
          %add3A_446 = arith.addi %add3A_284, %add3A_260 : vector<16xi32>
          %xor3A_447 = arith.xori %xor3A_285, %add3A_271 : vector<16xi32>
          %and3A_448 = arith.constant 524287 : i32
          %and3A_449 = vector.broadcast %and3A_448 : i32 to vector<16xi32>
          %and3A_450 = arith.andi %xor3A_447, %and3A_449 : vector<16xi32>
          %select_n3A_451 = arith.select %lt3A_117, %add3A_446, %and3A_450 : vector<16xi1>, vector<16xi32>
          %mul3A_452 = arith.mulf %mul3A_283, %sub3A_233 : vector<16xf32>
          %jit3A_453 = arith.constant 0 : i32
          %broadcast_in_dim3A_454 = vector.broadcast %jit3A_453 : i32 to vector<16xi32>
          %select_n3A_455 = arith.select %and3A_445, %select_n3A_451, %broadcast_in_dim3A_454 : vector<16xi1>, vector<16xi32>
          %add3A_456 = arith.addi %select_n3A_455, %get3A_114 : vector<16xi32>
          %jit3A_457 = arith.constant 0.000000e+00 : f32
          %broadcast_in_dim3A_458 = vector.broadcast %jit3A_457 : f32 to vector<16xf32>
          %select_n3A_459 = arith.select %and3A_445, %mul3A_452, %broadcast_in_dim3A_458 : vector<16xi1>, vector<16xf32>
          %add3A_460 = arith.constant 112 : i32
          %add3A_461 = arith.addi %mul3A_172, %add3A_460 : i32
          %swap3A_462 = arith.index_cast %add3A_461 : i32 to index
          %swap3A_463 = tpu.vector_load %arg8[%swap3A_462] {strides = array<i32>} : memref<4096xi32, #tpu.memory_space<vmem>>, vector<16xi32>,
          tpu.vector_store %arg8[%swap3A_462], %add3A_456 {strides = array<i32>} : memref<4096xi32, #tpu.memory_space<vmem>>, vector<16xi32>,
          %add3A_464 = arith.constant 112 : i32
          %add3A_465 = arith.addi %mul3A_172, %add3A_464 : i32
          %swap3A_466 = arith.index_cast %add3A_465 : i32 to index
          %swap3A_467 = tpu.vector_load %arg9[%swap3A_466] {strides = array<i32>} : memref<4096xf32, #tpu.memory_space<vmem>>, vector<16xf32>,
          tpu.vector_store %arg9[%swap3A_466], %select_n3A_459 {strides = array<i32>} : memref<4096xf32, #tpu.memory_space<vmem>>, vector<16xf32>,
          %mul3A_468 = arith.constant 2 : i32
          %mul3A_469 = arith.muli %scan3A_164, %mul3A_468 : i32
          %add3A_470 = arith.constant 1 : i32
          %add3A_471 = arith.addi %mul3A_469, %add3A_470 : i32
          %add3A_472 = arith.addi %mul3A_83, %add3A_471 : i32
          %mul3A_473 = arith.constant 128 : i32
          %mul3A_474 = arith.muli %add3A_472, %mul3A_473 : i32
          %mul3A_475 = arith.constant 16 : i32
          %mul3A_476 = arith.muli %add3A_471, %mul3A_475 : i32
          %get3A_477 = arith.index_cast %mul3A_476 : i32 to index
          %get3A_478 = tpu.vector_load %arg7[%get3A_477] {strides = array<i32>} : memref<768xf32, #tpu.memory_space<vmem>>, vector<16xf32>,
          %add3A_479 = arith.constant 1.000000e+00 : f32
          %add3A_480 = vector.broadcast %add3A_479 : f32 to vector<16xf32>
          %add3A_481 = arith.addf %get3A_478, %add3A_480 : vector<16xf32>
          %mul3A_482 = arith.mulf %add3A_481, %get3A_92 : vector<16xf32>
          %sub3A_483 = arith.constant 5.000000e-01 : f32
          %sub3A_484 = vector.broadcast %sub3A_483 : f32 to vector<16xf32>
          %sub3A_485 = arith.subf %mul3A_482, %sub3A_484 : vector<16xf32>
          %convert_element_type3A_486 = arith.fptosi %sub3A_485 : vector<16xf32> to vector<16xi32>
          %convert_element_type3A_487 = arith.sitofp %convert_element_type3A_486 : vector<16xi32> to vector<16xf32>
          %gt3A_488 = arith.cmpf ogt, %convert_element_type3A_487, %sub3A_485 : vector<16xf32>
          %sub3A_489 = arith.constant 1 : i32
          %sub3A_490 = vector.broadcast %sub3A_489 : i32 to vector<16xi32>
          %sub3A_491 = arith.subi %convert_element_type3A_486, %sub3A_490 : vector<16xi32>
          %select_n3A_492 = arith.select %gt3A_488, %sub3A_491, %convert_element_type3A_486 : vector<16xi1>, vector<16xi32>
          %convert_element_type3A_493 = arith.sitofp %select_n3A_492 : vector<16xi32> to vector<16xf32>
          %sub3A_494 = arith.subf %sub3A_485, %convert_element_type3A_493 : vector<16xf32>
          %mul3A_495 = arith.constant 16 : i32
          %mul3A_496 = arith.muli %add3A_471, %mul3A_495 : i32
          %add3A_497 = arith.constant 256 : i32
          %add3A_498 = arith.addi %add3A_497, %mul3A_496 : i32
          %get3A_499 = arith.index_cast %add3A_498 : i32 to index
          %get3A_500 = tpu.vector_load %arg7[%get3A_499] {strides = array<i32>} : memref<768xf32, #tpu.memory_space<vmem>>, vector<16xf32>,
          %add3A_501 = arith.constant 1.000000e+00 : f32
          %add3A_502 = vector.broadcast %add3A_501 : f32 to vector<16xf32>
          %add3A_503 = arith.addf %get3A_500, %add3A_502 : vector<16xf32>
          %mul3A_504 = arith.mulf %add3A_503, %get3A_92 : vector<16xf32>
          %sub3A_505 = arith.constant 5.000000e-01 : f32
          %sub3A_506 = vector.broadcast %sub3A_505 : f32 to vector<16xf32>
          %sub3A_507 = arith.subf %mul3A_504, %sub3A_506 : vector<16xf32>
          %convert_element_type3A_508 = arith.fptosi %sub3A_507 : vector<16xf32> to vector<16xi32>
          %convert_element_type3A_509 = arith.sitofp %convert_element_type3A_508 : vector<16xi32> to vector<16xf32>
          %gt3A_510 = arith.cmpf ogt, %convert_element_type3A_509, %sub3A_507 : vector<16xf32>
          %sub3A_511 = arith.constant 1 : i32
          %sub3A_512 = vector.broadcast %sub3A_511 : i32 to vector<16xi32>
          %sub3A_513 = arith.subi %convert_element_type3A_508, %sub3A_512 : vector<16xi32>
          %select_n3A_514 = arith.select %gt3A_510, %sub3A_513, %convert_element_type3A_508 : vector<16xi1>, vector<16xi32>
          %convert_element_type3A_515 = arith.sitofp %select_n3A_514 : vector<16xi32> to vector<16xf32>
          %sub3A_516 = arith.subf %sub3A_507, %convert_element_type3A_515 : vector<16xf32>
          %mul3A_517 = arith.constant 16 : i32
          %mul3A_518 = arith.muli %add3A_471, %mul3A_517 : i32
          %add3A_519 = arith.constant 512 : i32
          %add3A_520 = arith.addi %add3A_519, %mul3A_518 : i32
          %get3A_521 = arith.index_cast %add3A_520 : i32 to index
          %get3A_522 = tpu.vector_load %arg7[%get3A_521] {strides = array<i32>} : memref<768xf32, #tpu.memory_space<vmem>>, vector<16xf32>,
          %add3A_523 = arith.constant 1.000000e+00 : f32
          %add3A_524 = vector.broadcast %add3A_523 : f32 to vector<16xf32>
          %add3A_525 = arith.addf %get3A_522, %add3A_524 : vector<16xf32>
          %mul3A_526 = arith.mulf %add3A_525, %get3A_92 : vector<16xf32>
          %sub3A_527 = arith.constant 5.000000e-01 : f32
          %sub3A_528 = vector.broadcast %sub3A_527 : f32 to vector<16xf32>
          %sub3A_529 = arith.subf %mul3A_526, %sub3A_528 : vector<16xf32>
          %convert_element_type3A_530 = arith.fptosi %sub3A_529 : vector<16xf32> to vector<16xi32>
          %convert_element_type3A_531 = arith.sitofp %convert_element_type3A_530 : vector<16xi32> to vector<16xf32>
          %gt3A_532 = arith.cmpf ogt, %convert_element_type3A_531, %sub3A_529 : vector<16xf32>
          %sub3A_533 = arith.constant 1 : i32
          %sub3A_534 = vector.broadcast %sub3A_533 : i32 to vector<16xi32>
          %sub3A_535 = arith.subi %convert_element_type3A_530, %sub3A_534 : vector<16xi32>
          %select_n3A_536 = arith.select %gt3A_532, %sub3A_535, %convert_element_type3A_530 : vector<16xi1>, vector<16xi32>
          %convert_element_type3A_537 = arith.sitofp %select_n3A_536 : vector<16xi32> to vector<16xf32>
          %sub3A_538 = arith.subf %sub3A_529, %convert_element_type3A_537 : vector<16xf32>
          %ge3A_539 = arith.constant 0 : i32
          %ge3A_540 = vector.broadcast %ge3A_539 : i32 to vector<16xi32>
          %ge3A_541 = arith.cmpi sge, %select_n3A_492, %ge3A_540 : vector<16xi32>
          %lt3A_542 = arith.cmpi slt, %select_n3A_492, %get3A_96 : vector<16xi32>
          %ge3A_543 = arith.constant 0 : i32
          %ge3A_544 = vector.broadcast %ge3A_543 : i32 to vector<16xi32>
          %ge3A_545 = arith.cmpi sge, %select_n3A_514, %ge3A_544 : vector<16xi32>
          %lt3A_546 = arith.cmpi slt, %select_n3A_514, %get3A_96 : vector<16xi32>
          %ge3A_547 = arith.constant 0 : i32
          %ge3A_548 = vector.broadcast %ge3A_547 : i32 to vector<16xi32>
          %ge3A_549 = arith.cmpi sge, %select_n3A_536, %ge3A_548 : vector<16xi32>
          %lt3A_550 = arith.cmpi slt, %select_n3A_536, %get3A_96 : vector<16xi32>
          %sub3A_551 = arith.constant 1.000000e+00 : f32
          %sub3A_552 = vector.broadcast %sub3A_551 : f32 to vector<16xf32>
          %sub3A_553 = arith.subf %sub3A_552, %sub3A_494 : vector<16xf32>
          %sub3A_554 = arith.constant 1.000000e+00 : f32
          %sub3A_555 = vector.broadcast %sub3A_554 : f32 to vector<16xf32>
          %sub3A_556 = arith.subf %sub3A_555, %sub3A_516 : vector<16xf32>
          %sub3A_557 = arith.constant 1.000000e+00 : f32
          %sub3A_558 = vector.broadcast %sub3A_557 : f32 to vector<16xf32>
          %sub3A_559 = arith.subf %sub3A_558, %sub3A_538 : vector<16xf32>
          %mul3A_560 = arith.muli %select_n3A_492, %get3A_102 : vector<16xi32>
          %mul3A_561 = arith.muli %select_n3A_514, %get3A_108 : vector<16xi32>
          %add3A_562 = arith.addi %mul3A_560, %get3A_102 : vector<16xi32>
          %add3A_563 = arith.addi %mul3A_561, %get3A_108 : vector<16xi32>
          %add3A_564 = arith.constant 1 : i32
          %add3A_565 = vector.broadcast %add3A_564 : i32 to vector<16xi32>
          %add3A_566 = arith.addi %select_n3A_536, %add3A_565 : vector<16xi32>
          %add3A_567 = arith.constant 1 : i32
          %add3A_568 = vector.broadcast %add3A_567 : i32 to vector<16xi32>
          %add3A_569 = arith.addi %select_n3A_492, %add3A_568 : vector<16xi32>
          %mul3A_570 = vector.broadcast %scan3A : i32 to vector<16xi32>
          %mul3A_571 = arith.muli %select_n3A_514, %mul3A_570 : vector<16xi32>
          %add3A_572 = vector.broadcast %scan3A : i32 to vector<16xi32>
          %add3A_573 = arith.addi %mul3A_571, %add3A_572 : vector<16xi32>
          %mul3A_574 = vector.broadcast %scan3A_6 : i32 to vector<16xi32>
          %mul3A_575 = arith.muli %select_n3A_536, %mul3A_574 : vector<16xi32>
          %add3A_576 = vector.broadcast %scan3A_6 : i32 to vector<16xi32>
          %add3A_577 = arith.addi %mul3A_575, %add3A_576 : vector<16xi32>
          %and3A_578 = arith.andi %ge3A_541, %ge3A_545 : vector<16xi1>
          %mul3A_579 = arith.mulf %sub3A_553, %sub3A_556 : vector<16xf32>
          %add3A_580 = arith.addi %mul3A_560, %mul3A_561 : vector<16xi32>
          %xor3A_581 = arith.xori %select_n3A_492, %mul3A_571 : vector<16xi32>
          %and3A_582 = arith.andi %ge3A_541, %lt3A_546 : vector<16xi1>
          %mul3A_583 = arith.mulf %sub3A_553, %sub3A_516 : vector<16xf32>
          %add3A_584 = arith.addi %mul3A_560, %add3A_563 : vector<16xi32>
          %xor3A_585 = arith.xori %select_n3A_492, %add3A_573 : vector<16xi32>
          %and3A_586 = arith.andi %lt3A_542, %ge3A_545 : vector<16xi1>
          %mul3A_587 = arith.mulf %sub3A_494, %sub3A_556 : vector<16xf32>
          %add3A_588 = arith.addi %add3A_562, %mul3A_561 : vector<16xi32>
          %xor3A_589 = arith.xori %add3A_569, %mul3A_571 : vector<16xi32>
          %and3A_590 = arith.andi %lt3A_542, %lt3A_546 : vector<16xi1>
          %mul3A_591 = arith.mulf %sub3A_494, %sub3A_516 : vector<16xf32>
          %add3A_592 = arith.addi %add3A_562, %add3A_563 : vector<16xi32>
          %xor3A_593 = arith.xori %add3A_569, %add3A_573 : vector<16xi32>
          %and3A_594 = arith.andi %and3A_578, %ge3A_549 : vector<16xi1>
          %add3A_595 = arith.addi %add3A_580, %select_n3A_536 : vector<16xi32>
          %xor3A_596 = arith.xori %xor3A_581, %mul3A_575 : vector<16xi32>
          %and3A_597 = arith.constant 524287 : i32
          %and3A_598 = vector.broadcast %and3A_597 : i32 to vector<16xi32>
          %and3A_599 = arith.andi %xor3A_596, %and3A_598 : vector<16xi32>
          %select_n3A_600 = arith.select %lt3A_117, %add3A_595, %and3A_599 : vector<16xi1>, vector<16xi32>
          %mul3A_601 = arith.mulf %mul3A_579, %sub3A_559 : vector<16xf32>
          %jit3A_602 = arith.constant 0 : i32
          %broadcast_in_dim3A_603 = vector.broadcast %jit3A_602 : i32 to vector<16xi32>
          %select_n3A_604 = arith.select %and3A_594, %select_n3A_600, %broadcast_in_dim3A_603 : vector<16xi1>, vector<16xi32>
          %add3A_605 = arith.addi %select_n3A_604, %get3A_114 : vector<16xi32>
          %jit3A_606 = arith.constant 0.000000e+00 : f32
          %broadcast_in_dim3A_607 = vector.broadcast %jit3A_606 : f32 to vector<16xf32>
          %select_n3A_608 = arith.select %and3A_594, %mul3A_601, %broadcast_in_dim3A_607 : vector<16xi1>, vector<16xf32>
          %add3A_609 = arith.constant 0 : i32
          %add3A_610 = arith.addi %mul3A_474, %add3A_609 : i32
          %swap3A_611 = arith.index_cast %add3A_610 : i32 to index
          %swap3A_612 = tpu.vector_load %arg8[%swap3A_611] {strides = array<i32>} : memref<4096xi32, #tpu.memory_space<vmem>>, vector<16xi32>,
          tpu.vector_store %arg8[%swap3A_611], %add3A_605 {strides = array<i32>} : memref<4096xi32, #tpu.memory_space<vmem>>, vector<16xi32>,
          %add3A_613 = arith.constant 0 : i32
          %add3A_614 = arith.addi %mul3A_474, %add3A_613 : i32
          %swap3A_615 = arith.index_cast %add3A_614 : i32 to index
          %swap3A_616 = tpu.vector_load %arg9[%swap3A_615] {strides = array<i32>} : memref<4096xf32, #tpu.memory_space<vmem>>, vector<16xf32>,
          tpu.vector_store %arg9[%swap3A_615], %select_n3A_608 {strides = array<i32>} : memref<4096xf32, #tpu.memory_space<vmem>>, vector<16xf32>,
          %and3A_617 = arith.andi %and3A_578, %lt3A_550 : vector<16xi1>
          %add3A_618 = arith.addi %add3A_580, %add3A_566 : vector<16xi32>
          %xor3A_619 = arith.xori %xor3A_581, %add3A_577 : vector<16xi32>
          %and3A_620 = arith.constant 524287 : i32
          %and3A_621 = vector.broadcast %and3A_620 : i32 to vector<16xi32>
          %and3A_622 = arith.andi %xor3A_619, %and3A_621 : vector<16xi32>
          %select_n3A_623 = arith.select %lt3A_117, %add3A_618, %and3A_622 : vector<16xi1>, vector<16xi32>
          %mul3A_624 = arith.mulf %mul3A_579, %sub3A_538 : vector<16xf32>
          %jit3A_625 = arith.constant 0 : i32
          %broadcast_in_dim3A_626 = vector.broadcast %jit3A_625 : i32 to vector<16xi32>
          %select_n3A_627 = arith.select %and3A_617, %select_n3A_623, %broadcast_in_dim3A_626 : vector<16xi1>, vector<16xi32>
          %add3A_628 = arith.addi %select_n3A_627, %get3A_114 : vector<16xi32>
          %jit3A_629 = arith.constant 0.000000e+00 : f32
          %broadcast_in_dim3A_630 = vector.broadcast %jit3A_629 : f32 to vector<16xf32>
          %select_n3A_631 = arith.select %and3A_617, %mul3A_624, %broadcast_in_dim3A_630 : vector<16xi1>, vector<16xf32>
          %add3A_632 = arith.constant 16 : i32
          %add3A_633 = arith.addi %mul3A_474, %add3A_632 : i32
          %swap3A_634 = arith.index_cast %add3A_633 : i32 to index
          %swap3A_635 = tpu.vector_load %arg8[%swap3A_634] {strides = array<i32>} : memref<4096xi32, #tpu.memory_space<vmem>>, vector<16xi32>,
          tpu.vector_store %arg8[%swap3A_634], %add3A_628 {strides = array<i32>} : memref<4096xi32, #tpu.memory_space<vmem>>, vector<16xi32>,
          %add3A_636 = arith.constant 16 : i32
          %add3A_637 = arith.addi %mul3A_474, %add3A_636 : i32
          %swap3A_638 = arith.index_cast %add3A_637 : i32 to index
          %swap3A_639 = tpu.vector_load %arg9[%swap3A_638] {strides = array<i32>} : memref<4096xf32, #tpu.memory_space<vmem>>, vector<16xf32>,
          tpu.vector_store %arg9[%swap3A_638], %select_n3A_631 {strides = array<i32>} : memref<4096xf32, #tpu.memory_space<vmem>>, vector<16xf32>,
          %and3A_640 = arith.andi %and3A_582, %ge3A_549 : vector<16xi1>
          %add3A_641 = arith.addi %add3A_584, %select_n3A_536 : vector<16xi32>
          %xor3A_642 = arith.xori %xor3A_585, %mul3A_575 : vector<16xi32>
          %and3A_643 = arith.constant 524287 : i32
          %and3A_644 = vector.broadcast %and3A_643 : i32 to vector<16xi32>
          %and3A_645 = arith.andi %xor3A_642, %and3A_644 : vector<16xi32>
          %select_n3A_646 = arith.select %lt3A_117, %add3A_641, %and3A_645 : vector<16xi1>, vector<16xi32>
          %mul3A_647 = arith.mulf %mul3A_583, %sub3A_559 : vector<16xf32>
          %jit3A_648 = arith.constant 0 : i32
          %broadcast_in_dim3A_649 = vector.broadcast %jit3A_648 : i32 to vector<16xi32>
          %select_n3A_650 = arith.select %and3A_640, %select_n3A_646, %broadcast_in_dim3A_649 : vector<16xi1>, vector<16xi32>
          %add3A_651 = arith.addi %select_n3A_650, %get3A_114 : vector<16xi32>
          %jit3A_652 = arith.constant 0.000000e+00 : f32
          %broadcast_in_dim3A_653 = vector.broadcast %jit3A_652 : f32 to vector<16xf32>
          %select_n3A_654 = arith.select %and3A_640, %mul3A_647, %broadcast_in_dim3A_653 : vector<16xi1>, vector<16xf32>
          %add3A_655 = arith.constant 32 : i32
          %add3A_656 = arith.addi %mul3A_474, %add3A_655 : i32
          %swap3A_657 = arith.index_cast %add3A_656 : i32 to index
          %swap3A_658 = tpu.vector_load %arg8[%swap3A_657] {strides = array<i32>} : memref<4096xi32, #tpu.memory_space<vmem>>, vector<16xi32>,
          tpu.vector_store %arg8[%swap3A_657], %add3A_651 {strides = array<i32>} : memref<4096xi32, #tpu.memory_space<vmem>>, vector<16xi32>,
          %add3A_659 = arith.constant 32 : i32
          %add3A_660 = arith.addi %mul3A_474, %add3A_659 : i32
          %swap3A_661 = arith.index_cast %add3A_660 : i32 to index
          %swap3A_662 = tpu.vector_load %arg9[%swap3A_661] {strides = array<i32>} : memref<4096xf32, #tpu.memory_space<vmem>>, vector<16xf32>,
          tpu.vector_store %arg9[%swap3A_661], %select_n3A_654 {strides = array<i32>} : memref<4096xf32, #tpu.memory_space<vmem>>, vector<16xf32>,
          %and3A_663 = arith.andi %and3A_582, %lt3A_550 : vector<16xi1>
          %add3A_664 = arith.addi %add3A_584, %add3A_566 : vector<16xi32>
          %xor3A_665 = arith.xori %xor3A_585, %add3A_577 : vector<16xi32>
          %and3A_666 = arith.constant 524287 : i32
          %and3A_667 = vector.broadcast %and3A_666 : i32 to vector<16xi32>
          %and3A_668 = arith.andi %xor3A_665, %and3A_667 : vector<16xi32>
          %select_n3A_669 = arith.select %lt3A_117, %add3A_664, %and3A_668 : vector<16xi1>, vector<16xi32>
          %mul3A_670 = arith.mulf %mul3A_583, %sub3A_538 : vector<16xf32>
          %jit3A_671 = arith.constant 0 : i32
          %broadcast_in_dim3A_672 = vector.broadcast %jit3A_671 : i32 to vector<16xi32>
          %select_n3A_673 = arith.select %and3A_663, %select_n3A_669, %broadcast_in_dim3A_672 : vector<16xi1>, vector<16xi32>
          %add3A_674 = arith.addi %select_n3A_673, %get3A_114 : vector<16xi32>
          %jit3A_675 = arith.constant 0.000000e+00 : f32
          %broadcast_in_dim3A_676 = vector.broadcast %jit3A_675 : f32 to vector<16xf32>
          %select_n3A_677 = arith.select %and3A_663, %mul3A_670, %broadcast_in_dim3A_676 : vector<16xi1>, vector<16xf32>
          %add3A_678 = arith.constant 48 : i32
          %add3A_679 = arith.addi %mul3A_474, %add3A_678 : i32
          %swap3A_680 = arith.index_cast %add3A_679 : i32 to index
          %swap3A_681 = tpu.vector_load %arg8[%swap3A_680] {strides = array<i32>} : memref<4096xi32, #tpu.memory_space<vmem>>, vector<16xi32>,
          tpu.vector_store %arg8[%swap3A_680], %add3A_674 {strides = array<i32>} : memref<4096xi32, #tpu.memory_space<vmem>>, vector<16xi32>,
          %add3A_682 = arith.constant 48 : i32
          %add3A_683 = arith.addi %mul3A_474, %add3A_682 : i32
          %swap3A_684 = arith.index_cast %add3A_683 : i32 to index
          %swap3A_685 = tpu.vector_load %arg9[%swap3A_684] {strides = array<i32>} : memref<4096xf32, #tpu.memory_space<vmem>>, vector<16xf32>,
          tpu.vector_store %arg9[%swap3A_684], %select_n3A_677 {strides = array<i32>} : memref<4096xf32, #tpu.memory_space<vmem>>, vector<16xf32>,
          %and3A_686 = arith.andi %and3A_586, %ge3A_549 : vector<16xi1>
          %add3A_687 = arith.addi %add3A_588, %select_n3A_536 : vector<16xi32>
          %xor3A_688 = arith.xori %xor3A_589, %mul3A_575 : vector<16xi32>
          %and3A_689 = arith.constant 524287 : i32
          %and3A_690 = vector.broadcast %and3A_689 : i32 to vector<16xi32>
          %and3A_691 = arith.andi %xor3A_688, %and3A_690 : vector<16xi32>
          %select_n3A_692 = arith.select %lt3A_117, %add3A_687, %and3A_691 : vector<16xi1>, vector<16xi32>
          %mul3A_693 = arith.mulf %mul3A_587, %sub3A_559 : vector<16xf32>
          %jit3A_694 = arith.constant 0 : i32
          %broadcast_in_dim3A_695 = vector.broadcast %jit3A_694 : i32 to vector<16xi32>
          %select_n3A_696 = arith.select %and3A_686, %select_n3A_692, %broadcast_in_dim3A_695 : vector<16xi1>, vector<16xi32>
          %add3A_697 = arith.addi %select_n3A_696, %get3A_114 : vector<16xi32>
          %jit3A_698 = arith.constant 0.000000e+00 : f32
          %broadcast_in_dim3A_699 = vector.broadcast %jit3A_698 : f32 to vector<16xf32>
          %select_n3A_700 = arith.select %and3A_686, %mul3A_693, %broadcast_in_dim3A_699 : vector<16xi1>, vector<16xf32>
          %add3A_701 = arith.constant 64 : i32
          %add3A_702 = arith.addi %mul3A_474, %add3A_701 : i32
          %swap3A_703 = arith.index_cast %add3A_702 : i32 to index
          %swap3A_704 = tpu.vector_load %arg8[%swap3A_703] {strides = array<i32>} : memref<4096xi32, #tpu.memory_space<vmem>>, vector<16xi32>,
          tpu.vector_store %arg8[%swap3A_703], %add3A_697 {strides = array<i32>} : memref<4096xi32, #tpu.memory_space<vmem>>, vector<16xi32>,
          %add3A_705 = arith.constant 64 : i32
          %add3A_706 = arith.addi %mul3A_474, %add3A_705 : i32
          %swap3A_707 = arith.index_cast %add3A_706 : i32 to index
          %swap3A_708 = tpu.vector_load %arg9[%swap3A_707] {strides = array<i32>} : memref<4096xf32, #tpu.memory_space<vmem>>, vector<16xf32>,
          tpu.vector_store %arg9[%swap3A_707], %select_n3A_700 {strides = array<i32>} : memref<4096xf32, #tpu.memory_space<vmem>>, vector<16xf32>,
          %and3A_709 = arith.andi %and3A_586, %lt3A_550 : vector<16xi1>
          %add3A_710 = arith.addi %add3A_588, %add3A_566 : vector<16xi32>
          %xor3A_711 = arith.xori %xor3A_589, %add3A_577 : vector<16xi32>
          %and3A_712 = arith.constant 524287 : i32
          %and3A_713 = vector.broadcast %and3A_712 : i32 to vector<16xi32>
          %and3A_714 = arith.andi %xor3A_711, %and3A_713 : vector<16xi32>
          %select_n3A_715 = arith.select %lt3A_117, %add3A_710, %and3A_714 : vector<16xi1>, vector<16xi32>
          %mul3A_716 = arith.mulf %mul3A_587, %sub3A_538 : vector<16xf32>
          %jit3A_717 = arith.constant 0 : i32
          %broadcast_in_dim3A_718 = vector.broadcast %jit3A_717 : i32 to vector<16xi32>
          %select_n3A_719 = arith.select %and3A_709, %select_n3A_715, %broadcast_in_dim3A_718 : vector<16xi1>, vector<16xi32>
          %add3A_720 = arith.addi %select_n3A_719, %get3A_114 : vector<16xi32>
          %jit3A_721 = arith.constant 0.000000e+00 : f32
          %broadcast_in_dim3A_722 = vector.broadcast %jit3A_721 : f32 to vector<16xf32>
          %select_n3A_723 = arith.select %and3A_709, %mul3A_716, %broadcast_in_dim3A_722 : vector<16xi1>, vector<16xf32>
          %add3A_724 = arith.constant 80 : i32
          %add3A_725 = arith.addi %mul3A_474, %add3A_724 : i32
          %swap3A_726 = arith.index_cast %add3A_725 : i32 to index
          %swap3A_727 = tpu.vector_load %arg8[%swap3A_726] {strides = array<i32>} : memref<4096xi32, #tpu.memory_space<vmem>>, vector<16xi32>,
          tpu.vector_store %arg8[%swap3A_726], %add3A_720 {strides = array<i32>} : memref<4096xi32, #tpu.memory_space<vmem>>, vector<16xi32>,
          %add3A_728 = arith.constant 80 : i32
          %add3A_729 = arith.addi %mul3A_474, %add3A_728 : i32
          %swap3A_730 = arith.index_cast %add3A_729 : i32 to index
          %swap3A_731 = tpu.vector_load %arg9[%swap3A_730] {strides = array<i32>} : memref<4096xf32, #tpu.memory_space<vmem>>, vector<16xf32>,
          tpu.vector_store %arg9[%swap3A_730], %select_n3A_723 {strides = array<i32>} : memref<4096xf32, #tpu.memory_space<vmem>>, vector<16xf32>,
          %and3A_732 = arith.andi %and3A_590, %ge3A_549 : vector<16xi1>
          %add3A_733 = arith.addi %add3A_592, %select_n3A_536 : vector<16xi32>
          %xor3A_734 = arith.xori %xor3A_593, %mul3A_575 : vector<16xi32>
          %and3A_735 = arith.constant 524287 : i32
          %and3A_736 = vector.broadcast %and3A_735 : i32 to vector<16xi32>
          %and3A_737 = arith.andi %xor3A_734, %and3A_736 : vector<16xi32>
          %select_n3A_738 = arith.select %lt3A_117, %add3A_733, %and3A_737 : vector<16xi1>, vector<16xi32>
          %mul3A_739 = arith.mulf %mul3A_591, %sub3A_559 : vector<16xf32>
          %jit3A_740 = arith.constant 0 : i32
          %broadcast_in_dim3A_741 = vector.broadcast %jit3A_740 : i32 to vector<16xi32>
          %select_n3A_742 = arith.select %and3A_732, %select_n3A_738, %broadcast_in_dim3A_741 : vector<16xi1>, vector<16xi32>
          %add3A_743 = arith.addi %select_n3A_742, %get3A_114 : vector<16xi32>
          %jit3A_744 = arith.constant 0.000000e+00 : f32
          %broadcast_in_dim3A_745 = vector.broadcast %jit3A_744 : f32 to vector<16xf32>
          %select_n3A_746 = arith.select %and3A_732, %mul3A_739, %broadcast_in_dim3A_745 : vector<16xi1>, vector<16xf32>
          %add3A_747 = arith.constant 96 : i32
          %add3A_748 = arith.addi %mul3A_474, %add3A_747 : i32
          %swap3A_749 = arith.index_cast %add3A_748 : i32 to index
          %swap3A_750 = tpu.vector_load %arg8[%swap3A_749] {strides = array<i32>} : memref<4096xi32, #tpu.memory_space<vmem>>, vector<16xi32>,
          tpu.vector_store %arg8[%swap3A_749], %add3A_743 {strides = array<i32>} : memref<4096xi32, #tpu.memory_space<vmem>>, vector<16xi32>,
          %add3A_751 = arith.constant 96 : i32
          %add3A_752 = arith.addi %mul3A_474, %add3A_751 : i32
          %swap3A_753 = arith.index_cast %add3A_752 : i32 to index
          %swap3A_754 = tpu.vector_load %arg9[%swap3A_753] {strides = array<i32>} : memref<4096xf32, #tpu.memory_space<vmem>>, vector<16xf32>,
          tpu.vector_store %arg9[%swap3A_753], %select_n3A_746 {strides = array<i32>} : memref<4096xf32, #tpu.memory_space<vmem>>, vector<16xf32>,
          %and3A_755 = arith.andi %and3A_590, %lt3A_550 : vector<16xi1>
          %add3A_756 = arith.addi %add3A_592, %add3A_566 : vector<16xi32>
          %xor3A_757 = arith.xori %xor3A_593, %add3A_577 : vector<16xi32>
          %and3A_758 = arith.constant 524287 : i32
          %and3A_759 = vector.broadcast %and3A_758 : i32 to vector<16xi32>
          %and3A_760 = arith.andi %xor3A_757, %and3A_759 : vector<16xi32>
          %select_n3A_761 = arith.select %lt3A_117, %add3A_756, %and3A_760 : vector<16xi1>, vector<16xi32>
          %mul3A_762 = arith.mulf %mul3A_591, %sub3A_538 : vector<16xf32>
          %jit3A_763 = arith.constant 0 : i32
          %broadcast_in_dim3A_764 = vector.broadcast %jit3A_763 : i32 to vector<16xi32>
          %select_n3A_765 = arith.select %and3A_755, %select_n3A_761, %broadcast_in_dim3A_764 : vector<16xi1>, vector<16xi32>
          %add3A_766 = arith.addi %select_n3A_765, %get3A_114 : vector<16xi32>
          %jit3A_767 = arith.constant 0.000000e+00 : f32
          %broadcast_in_dim3A_768 = vector.broadcast %jit3A_767 : f32 to vector<16xf32>
          %select_n3A_769 = arith.select %and3A_755, %mul3A_762, %broadcast_in_dim3A_768 : vector<16xi1>, vector<16xf32>
          %add3A_770 = arith.constant 112 : i32
          %add3A_771 = arith.addi %mul3A_474, %add3A_770 : i32
          %swap3A_772 = arith.index_cast %add3A_771 : i32 to index
          %swap3A_773 = tpu.vector_load %arg8[%swap3A_772] {strides = array<i32>} : memref<4096xi32, #tpu.memory_space<vmem>>, vector<16xi32>,
          tpu.vector_store %arg8[%swap3A_772], %add3A_766 {strides = array<i32>} : memref<4096xi32, #tpu.memory_space<vmem>>, vector<16xi32>,
          %add3A_774 = arith.constant 112 : i32
          %add3A_775 = arith.addi %mul3A_474, %add3A_774 : i32
          %swap3A_776 = arith.index_cast %add3A_775 : i32 to index
          %swap3A_777 = tpu.vector_load %arg9[%swap3A_776] {strides = array<i32>} : memref<4096xf32, #tpu.memory_space<vmem>>, vector<16xf32>,
          tpu.vector_store %arg9[%swap3A_776], %select_n3A_769 {strides = array<i32>} : memref<4096xf32, #tpu.memory_space<vmem>>, vector<16xf32>,
          %scan3A_778 = arith.constant 0 : i32
          scf.yield %scan3A_778 : i32
        }
        %scan3A_124 = arith.constant 8 : i32
        %scan3A_125 = arith.constant 0 : i32
        %scan3A_126 = arith.constant 0 : i32
        %scan3A_127 = arith.constant 16 : i32
        %scan3A_128 = arith.addi %scan3A_126, %scan3A_127 : i32
        %scan3A_129 = arith.constant 1 : i32
        %scan3A_130 = scf.for %scan3A_164 = %scan3A_126 to %scan3A_128 step %scan3A_129 iter_args(%scan3A_165 = %scan3A_125) -> (i32)  : i32 {
          %add3A_166 = arith.addi %mul3A_83, %scan3A_164 : i32
          %mul3A_167 = arith.constant 128 : i32
          %mul3A_168 = arith.muli %add3A_166, %mul3A_167 : i32
          %mul3A_169 = arith.constant 128 : i32
          %mul3A_170 = arith.muli %scan3A_164, %mul3A_169 : i32
          %add3A_171 = arith.addi %mul3A_87, %mul3A_170 : i32
          %dma_start3A = arith.constant 0 : i32
          %dma_start3A_172 = tpu.memref_slice %arg10[%add3A_171, %dma_start3A] : memref<4096x8xf32, #tpu.memory_space<vmem>> -> memref<128x8xf32, #tpu.memory_space<vmem>>
          %dma_start3A_173 = tpu.memref_slice %arg8[%mul3A_168] : memref<4096xi32, #tpu.memory_space<vmem>> -> memref<128xi32, #tpu.memory_space<vmem>>
          %dma_start3A_174 = arith.constant 0 : i32
          %dma_start3A_175 = arith.constant 0 : i32
          %dma_start3A_176 = tpu.memref_slice %arg3[%dma_start3A_174, %dma_start3A_175] : memref<5217953x8xf32, #tpu.memory_space<hbm>> -> memref<5217953x8xf32, #tpu.memory_space<hbm>>
          %dma_start3A_177 = tpu.memref_slice %arg14[%rem3A_81] : memref<2x!tpu.dma_semaphore, #tpu.memory_space<semaphore_mem>> -> memref<1x!tpu.dma_semaphore, #tpu.memory_space<semaphore_mem>>
          %dma_start3A_178 = tpu.memref_squeeze %dma_start3A_177 : memref<1x!tpu.dma_semaphore, #tpu.memory_space<semaphore_mem>> -> memref<!tpu.dma_semaphore, #tpu.memory_space<semaphore_mem>>
          tpu.enqueue_indirect_dma source(%dma_start3A_176 : memref<5217953x8xf32, #tpu.memory_space<hbm>>) target(%dma_start3A_172 : memref<128x8xf32, #tpu.memory_space<vmem>>) offsets(%dma_start3A_173 : memref<128xi32, #tpu.memory_space<vmem>>) semaphore(%dma_start3A_178 : memref<!tpu.dma_semaphore, #tpu.memory_space<semaphore_mem>>)
          %scan3A_179 = arith.constant 0 : i32
          scf.yield %scan3A_179 : i32
        }
        %scan3A_131 = arith.constant 16 : i32
        %sub3A = arith.constant 1 : i32
        %sub3A_132 = arith.subi %scan3A_79, %sub3A : i32
        %sub3A_133 = arith.constant 1 : i32
        %sub3A_134 = arith.subi %scan3A_79, %sub3A_133 : i32
        %rem3A_135 = arith.constant 2 : i32
        %rem3A_136 = arith.remsi %sub3A_134, %rem3A_135 : i32
        %mul3A_137 = arith.constant 16 : i32
        %mul3A_138 = arith.muli %rem3A_136, %mul3A_137 : i32
        %mul3A_139 = arith.constant 8 : i32
        %mul3A_140 = arith.muli %rem3A_136, %mul3A_139 : i32
        %mul3A_141 = arith.constant 256 : i32
        %mul3A_142 = arith.muli %mul3A_140, %mul3A_141 : i32
        %dma_wait3A_143 = arith.constant 0 : i32
        %dma_wait3A_144 = tpu.memref_slice %arg10[%mul3A_142, %dma_wait3A_143] : memref<4096x8xf32, #tpu.memory_space<vmem>> -> memref<2048x8xf32, #tpu.memory_space<vmem>>
        %dma_wait3A_145 = arith.constant 0 : i32
        %dma_wait3A_146 = arith.constant 0 : i32
        %dma_wait3A_147 = tpu.memref_slice %arg3[%dma_wait3A_145, %dma_wait3A_146] : memref<5217953x8xf32, #tpu.memory_space<hbm>> -> memref<2048x8xf32, #tpu.memory_space<hbm>>
        %dma_wait3A_148 = tpu.memref_slice %arg14[%rem3A_136] : memref<2x!tpu.dma_semaphore, #tpu.memory_space<semaphore_mem>> -> memref<1x!tpu.dma_semaphore, #tpu.memory_space<semaphore_mem>>
        %dma_wait3A_149 = tpu.memref_squeeze %dma_wait3A_148 : memref<1x!tpu.dma_semaphore, #tpu.memory_space<semaphore_mem>> -> memref<!tpu.dma_semaphore, #tpu.memory_space<semaphore_mem>>
        %dma_wait3A_150 = arith.constant 0 : i32
        %dma_wait3A_151 = tpu.memref_slice %arg10[%mul3A_142, %dma_wait3A_150] : memref<4096x8xf32, #tpu.memory_space<vmem>> -> memref<2048x8xf32, #tpu.memory_space<vmem>>
        %dma_wait3A_152 = arith.constant 0 : i32
        %dma_wait3A_153 = arith.constant 0 : i32
        %dma_wait3A_154 = tpu.memref_slice %arg3[%dma_wait3A_152, %dma_wait3A_153] : memref<5217953x8xf32, #tpu.memory_space<hbm>> -> memref<2048x8xf32, #tpu.memory_space<hbm>>
        tpu.wait_dma2 semaphore(%dma_wait3A_149 : memref<!tpu.dma_semaphore, #tpu.memory_space<semaphore_mem>>) src(%dma_wait3A_154 : memref<2048x8xf32, #tpu.memory_space<hbm>>) dst(%dma_wait3A_151 : memref<2048x8xf32, #tpu.memory_space<vmem>>)
        %broadcast_in_dim3A_155 = vector.broadcast %sub3A_132 : i32 to vector<16xi32>
        %scan3A_156 = arith.constant 0 : i32
        %scan3A_157 = arith.constant 0 : i32
        %scan3A_158 = arith.constant 8 : i32
        %scan3A_159 = arith.addi %scan3A_157, %scan3A_158 : i32
        %scan3A_160 = arith.constant 1 : i32
        %scan3A_161 = scf.for %scan3A_164 = %scan3A_157 to %scan3A_159 step %scan3A_160 iter_args(%scan3A_165 = %scan3A_156) -> (i32)  : i32 {
          %mul3A_166 = arith.constant 2 : i32
          %mul3A_167 = arith.muli %scan3A_164, %mul3A_166 : i32
          %add3A_168 = arith.constant 0 : i32
          %add3A_169 = arith.addi %mul3A_167, %add3A_168 : i32
          %mul3A_170 = arith.constant 16 : i32
          %mul3A_171 = arith.muli %add3A_169, %mul3A_170 : i32
          %add3A_172 = vector.broadcast %mul3A_171 : i32 to vector<16xi32>
          %add3A_173 = arith.addi %add3A_172, %iota3A : vector<16xi32>
          %broadcast_in_dim3A_174 = arith.constant 0.000000e+00 : f32
          %broadcast_in_dim3A_175 = vector.broadcast %broadcast_in_dim3A_174 : f32 to vector<16xf32>
          %broadcast_in_dim3A_176 = arith.constant 0.000000e+00 : f32
          %broadcast_in_dim3A_177 = vector.broadcast %broadcast_in_dim3A_176 : f32 to vector<16xf32>
          %mul3A_178 = arith.constant 128 : i32
          %mul3A_179 = arith.muli %add3A_169, %mul3A_178 : i32
          %add3A_180 = arith.addi %mul3A_142, %mul3A_179 : i32
          %add3A_181 = arith.constant 0 : i32
          %add3A_182 = arith.addi %add3A_180, %add3A_181 : i32
          %add3A_183 = vector.broadcast %add3A_182 : i32 to vector<16xi32>
          %add3A_184 = arith.addi %add3A_183, %iota3A : vector<16xi32>
          %gather3A = tpu.vector_load_idx %arg10[%add3A_184, %broadcast_in_dim3A_3] : memref<4096x8xf32, #tpu.memory_space<vmem>>[vector<16xi32>, vector<16xi32>], vector<16xf32>,
          %gather3A_185 = tpu.vector_load_idx %arg10[%add3A_184, %broadcast_in_dim3A_5] : memref<4096x8xf32, #tpu.memory_space<vmem>>[vector<16xi32>, vector<16xi32>], vector<16xf32>,
          %add3A_186 = arith.addi %mul3A_138, %add3A_169 : i32
          %mul3A_187 = arith.constant 128 : i32
          %mul3A_188 = arith.muli %add3A_186, %mul3A_187 : i32
          %add3A_189 = arith.constant 0 : i32
          %add3A_190 = arith.addi %mul3A_188, %add3A_189 : i32
          %get3A_191 = arith.index_cast %add3A_190 : i32 to index
          %get3A_192 = tpu.vector_load %arg9[%get3A_191] {strides = array<i32>} : memref<4096xf32, #tpu.memory_space<vmem>>, vector<16xf32>,
          %mul3A_193 = arith.mulf %gather3A, %get3A_192 : vector<16xf32>
          %add3A_194 = arith.addf %broadcast_in_dim3A_175, %mul3A_193 : vector<16xf32>
          %mul3A_195 = arith.mulf %gather3A_185, %get3A_192 : vector<16xf32>
          %add3A_196 = arith.addf %broadcast_in_dim3A_177, %mul3A_195 : vector<16xf32>
          %mul3A_197 = arith.constant 128 : i32
          %mul3A_198 = arith.muli %add3A_169, %mul3A_197 : i32
          %add3A_199 = arith.addi %mul3A_142, %mul3A_198 : i32
          %add3A_200 = arith.constant 16 : i32
          %add3A_201 = arith.addi %add3A_199, %add3A_200 : i32
          %add3A_202 = vector.broadcast %add3A_201 : i32 to vector<16xi32>
          %add3A_203 = arith.addi %add3A_202, %iota3A : vector<16xi32>
          %gather3A_204 = tpu.vector_load_idx %arg10[%add3A_203, %broadcast_in_dim3A_3] : memref<4096x8xf32, #tpu.memory_space<vmem>>[vector<16xi32>, vector<16xi32>], vector<16xf32>,
          %gather3A_205 = tpu.vector_load_idx %arg10[%add3A_203, %broadcast_in_dim3A_5] : memref<4096x8xf32, #tpu.memory_space<vmem>>[vector<16xi32>, vector<16xi32>], vector<16xf32>,
          %add3A_206 = arith.addi %mul3A_138, %add3A_169 : i32
          %mul3A_207 = arith.constant 128 : i32
          %mul3A_208 = arith.muli %add3A_206, %mul3A_207 : i32
          %add3A_209 = arith.constant 16 : i32
          %add3A_210 = arith.addi %mul3A_208, %add3A_209 : i32
          %get3A_211 = arith.index_cast %add3A_210 : i32 to index
          %get3A_212 = tpu.vector_load %arg9[%get3A_211] {strides = array<i32>} : memref<4096xf32, #tpu.memory_space<vmem>>, vector<16xf32>,
          %mul3A_213 = arith.mulf %gather3A_204, %get3A_212 : vector<16xf32>
          %add3A_214 = arith.addf %add3A_194, %mul3A_213 : vector<16xf32>
          %mul3A_215 = arith.mulf %gather3A_205, %get3A_212 : vector<16xf32>
          %add3A_216 = arith.addf %add3A_196, %mul3A_215 : vector<16xf32>
          %mul3A_217 = arith.constant 128 : i32
          %mul3A_218 = arith.muli %add3A_169, %mul3A_217 : i32
          %add3A_219 = arith.addi %mul3A_142, %mul3A_218 : i32
          %add3A_220 = arith.constant 32 : i32
          %add3A_221 = arith.addi %add3A_219, %add3A_220 : i32
          %add3A_222 = vector.broadcast %add3A_221 : i32 to vector<16xi32>
          %add3A_223 = arith.addi %add3A_222, %iota3A : vector<16xi32>
          %gather3A_224 = tpu.vector_load_idx %arg10[%add3A_223, %broadcast_in_dim3A_3] : memref<4096x8xf32, #tpu.memory_space<vmem>>[vector<16xi32>, vector<16xi32>], vector<16xf32>,
          %gather3A_225 = tpu.vector_load_idx %arg10[%add3A_223, %broadcast_in_dim3A_5] : memref<4096x8xf32, #tpu.memory_space<vmem>>[vector<16xi32>, vector<16xi32>], vector<16xf32>,
          %add3A_226 = arith.addi %mul3A_138, %add3A_169 : i32
          %mul3A_227 = arith.constant 128 : i32
          %mul3A_228 = arith.muli %add3A_226, %mul3A_227 : i32
          %add3A_229 = arith.constant 32 : i32
          %add3A_230 = arith.addi %mul3A_228, %add3A_229 : i32
          %get3A_231 = arith.index_cast %add3A_230 : i32 to index
          %get3A_232 = tpu.vector_load %arg9[%get3A_231] {strides = array<i32>} : memref<4096xf32, #tpu.memory_space<vmem>>, vector<16xf32>,
          %mul3A_233 = arith.mulf %gather3A_224, %get3A_232 : vector<16xf32>
          %add3A_234 = arith.addf %add3A_214, %mul3A_233 : vector<16xf32>
          %mul3A_235 = arith.mulf %gather3A_225, %get3A_232 : vector<16xf32>
          %add3A_236 = arith.addf %add3A_216, %mul3A_235 : vector<16xf32>
          %mul3A_237 = arith.constant 128 : i32
          %mul3A_238 = arith.muli %add3A_169, %mul3A_237 : i32
          %add3A_239 = arith.addi %mul3A_142, %mul3A_238 : i32
          %add3A_240 = arith.constant 48 : i32
          %add3A_241 = arith.addi %add3A_239, %add3A_240 : i32
          %add3A_242 = vector.broadcast %add3A_241 : i32 to vector<16xi32>
          %add3A_243 = arith.addi %add3A_242, %iota3A : vector<16xi32>
          %gather3A_244 = tpu.vector_load_idx %arg10[%add3A_243, %broadcast_in_dim3A_3] : memref<4096x8xf32, #tpu.memory_space<vmem>>[vector<16xi32>, vector<16xi32>], vector<16xf32>,
          %gather3A_245 = tpu.vector_load_idx %arg10[%add3A_243, %broadcast_in_dim3A_5] : memref<4096x8xf32, #tpu.memory_space<vmem>>[vector<16xi32>, vector<16xi32>], vector<16xf32>,
          %add3A_246 = arith.addi %mul3A_138, %add3A_169 : i32
          %mul3A_247 = arith.constant 128 : i32
          %mul3A_248 = arith.muli %add3A_246, %mul3A_247 : i32
          %add3A_249 = arith.constant 48 : i32
          %add3A_250 = arith.addi %mul3A_248, %add3A_249 : i32
          %get3A_251 = arith.index_cast %add3A_250 : i32 to index
          %get3A_252 = tpu.vector_load %arg9[%get3A_251] {strides = array<i32>} : memref<4096xf32, #tpu.memory_space<vmem>>, vector<16xf32>,
          %mul3A_253 = arith.mulf %gather3A_244, %get3A_252 : vector<16xf32>
          %add3A_254 = arith.addf %add3A_234, %mul3A_253 : vector<16xf32>
          %mul3A_255 = arith.mulf %gather3A_245, %get3A_252 : vector<16xf32>
          %add3A_256 = arith.addf %add3A_236, %mul3A_255 : vector<16xf32>
          %mul3A_257 = arith.constant 128 : i32
          %mul3A_258 = arith.muli %add3A_169, %mul3A_257 : i32
          %add3A_259 = arith.addi %mul3A_142, %mul3A_258 : i32
          %add3A_260 = arith.constant 64 : i32
          %add3A_261 = arith.addi %add3A_259, %add3A_260 : i32
          %add3A_262 = vector.broadcast %add3A_261 : i32 to vector<16xi32>
          %add3A_263 = arith.addi %add3A_262, %iota3A : vector<16xi32>
          %gather3A_264 = tpu.vector_load_idx %arg10[%add3A_263, %broadcast_in_dim3A_3] : memref<4096x8xf32, #tpu.memory_space<vmem>>[vector<16xi32>, vector<16xi32>], vector<16xf32>,
          %gather3A_265 = tpu.vector_load_idx %arg10[%add3A_263, %broadcast_in_dim3A_5] : memref<4096x8xf32, #tpu.memory_space<vmem>>[vector<16xi32>, vector<16xi32>], vector<16xf32>,
          %add3A_266 = arith.addi %mul3A_138, %add3A_169 : i32
          %mul3A_267 = arith.constant 128 : i32
          %mul3A_268 = arith.muli %add3A_266, %mul3A_267 : i32
          %add3A_269 = arith.constant 64 : i32
          %add3A_270 = arith.addi %mul3A_268, %add3A_269 : i32
          %get3A_271 = arith.index_cast %add3A_270 : i32 to index
          %get3A_272 = tpu.vector_load %arg9[%get3A_271] {strides = array<i32>} : memref<4096xf32, #tpu.memory_space<vmem>>, vector<16xf32>,
          %mul3A_273 = arith.mulf %gather3A_264, %get3A_272 : vector<16xf32>
          %add3A_274 = arith.addf %add3A_254, %mul3A_273 : vector<16xf32>
          %mul3A_275 = arith.mulf %gather3A_265, %get3A_272 : vector<16xf32>
          %add3A_276 = arith.addf %add3A_256, %mul3A_275 : vector<16xf32>
          %mul3A_277 = arith.constant 128 : i32
          %mul3A_278 = arith.muli %add3A_169, %mul3A_277 : i32
          %add3A_279 = arith.addi %mul3A_142, %mul3A_278 : i32
          %add3A_280 = arith.constant 80 : i32
          %add3A_281 = arith.addi %add3A_279, %add3A_280 : i32
          %add3A_282 = vector.broadcast %add3A_281 : i32 to vector<16xi32>
          %add3A_283 = arith.addi %add3A_282, %iota3A : vector<16xi32>
          %gather3A_284 = tpu.vector_load_idx %arg10[%add3A_283, %broadcast_in_dim3A_3] : memref<4096x8xf32, #tpu.memory_space<vmem>>[vector<16xi32>, vector<16xi32>], vector<16xf32>,
          %gather3A_285 = tpu.vector_load_idx %arg10[%add3A_283, %broadcast_in_dim3A_5] : memref<4096x8xf32, #tpu.memory_space<vmem>>[vector<16xi32>, vector<16xi32>], vector<16xf32>,
          %add3A_286 = arith.addi %mul3A_138, %add3A_169 : i32
          %mul3A_287 = arith.constant 128 : i32
          %mul3A_288 = arith.muli %add3A_286, %mul3A_287 : i32
          %add3A_289 = arith.constant 80 : i32
          %add3A_290 = arith.addi %mul3A_288, %add3A_289 : i32
          %get3A_291 = arith.index_cast %add3A_290 : i32 to index
          %get3A_292 = tpu.vector_load %arg9[%get3A_291] {strides = array<i32>} : memref<4096xf32, #tpu.memory_space<vmem>>, vector<16xf32>,
          %mul3A_293 = arith.mulf %gather3A_284, %get3A_292 : vector<16xf32>
          %add3A_294 = arith.addf %add3A_274, %mul3A_293 : vector<16xf32>
          %mul3A_295 = arith.mulf %gather3A_285, %get3A_292 : vector<16xf32>
          %add3A_296 = arith.addf %add3A_276, %mul3A_295 : vector<16xf32>
          %mul3A_297 = arith.constant 128 : i32
          %mul3A_298 = arith.muli %add3A_169, %mul3A_297 : i32
          %add3A_299 = arith.addi %mul3A_142, %mul3A_298 : i32
          %add3A_300 = arith.constant 96 : i32
          %add3A_301 = arith.addi %add3A_299, %add3A_300 : i32
          %add3A_302 = vector.broadcast %add3A_301 : i32 to vector<16xi32>
          %add3A_303 = arith.addi %add3A_302, %iota3A : vector<16xi32>
          %gather3A_304 = tpu.vector_load_idx %arg10[%add3A_303, %broadcast_in_dim3A_3] : memref<4096x8xf32, #tpu.memory_space<vmem>>[vector<16xi32>, vector<16xi32>], vector<16xf32>,
          %gather3A_305 = tpu.vector_load_idx %arg10[%add3A_303, %broadcast_in_dim3A_5] : memref<4096x8xf32, #tpu.memory_space<vmem>>[vector<16xi32>, vector<16xi32>], vector<16xf32>,
          %add3A_306 = arith.addi %mul3A_138, %add3A_169 : i32
          %mul3A_307 = arith.constant 128 : i32
          %mul3A_308 = arith.muli %add3A_306, %mul3A_307 : i32
          %add3A_309 = arith.constant 96 : i32
          %add3A_310 = arith.addi %mul3A_308, %add3A_309 : i32
          %get3A_311 = arith.index_cast %add3A_310 : i32 to index
          %get3A_312 = tpu.vector_load %arg9[%get3A_311] {strides = array<i32>} : memref<4096xf32, #tpu.memory_space<vmem>>, vector<16xf32>,
          %mul3A_313 = arith.mulf %gather3A_304, %get3A_312 : vector<16xf32>
          %add3A_314 = arith.addf %add3A_294, %mul3A_313 : vector<16xf32>
          %mul3A_315 = arith.mulf %gather3A_305, %get3A_312 : vector<16xf32>
          %add3A_316 = arith.addf %add3A_296, %mul3A_315 : vector<16xf32>
          %mul3A_317 = arith.constant 128 : i32
          %mul3A_318 = arith.muli %add3A_169, %mul3A_317 : i32
          %add3A_319 = arith.addi %mul3A_142, %mul3A_318 : i32
          %add3A_320 = arith.constant 112 : i32
          %add3A_321 = arith.addi %add3A_319, %add3A_320 : i32
          %add3A_322 = vector.broadcast %add3A_321 : i32 to vector<16xi32>
          %add3A_323 = arith.addi %add3A_322, %iota3A : vector<16xi32>
          %gather3A_324 = tpu.vector_load_idx %arg10[%add3A_323, %broadcast_in_dim3A_3] : memref<4096x8xf32, #tpu.memory_space<vmem>>[vector<16xi32>, vector<16xi32>], vector<16xf32>,
          %gather3A_325 = tpu.vector_load_idx %arg10[%add3A_323, %broadcast_in_dim3A_5] : memref<4096x8xf32, #tpu.memory_space<vmem>>[vector<16xi32>, vector<16xi32>], vector<16xf32>,
          %add3A_326 = arith.addi %mul3A_138, %add3A_169 : i32
          %mul3A_327 = arith.constant 128 : i32
          %mul3A_328 = arith.muli %add3A_326, %mul3A_327 : i32
          %add3A_329 = arith.constant 112 : i32
          %add3A_330 = arith.addi %mul3A_328, %add3A_329 : i32
          %get3A_331 = arith.index_cast %add3A_330 : i32 to index
          %get3A_332 = tpu.vector_load %arg9[%get3A_331] {strides = array<i32>} : memref<4096xf32, #tpu.memory_space<vmem>>, vector<16xf32>,
          %mul3A_333 = arith.mulf %gather3A_324, %get3A_332 : vector<16xf32>
          %add3A_334 = arith.addf %add3A_314, %mul3A_333 : vector<16xf32>
          %mul3A_335 = arith.mulf %gather3A_325, %get3A_332 : vector<16xf32>
          %add3A_336 = arith.addf %add3A_316, %mul3A_335 : vector<16xf32>
          tpu.vector_store_idx %arg11[%add3A_173, %broadcast_in_dim3A_155, %broadcast_in_dim3A_3], %add3A_334 : memref<256x16x2xf32, #tpu.memory_space<vmem>>[vector<16xi32>, vector<16xi32>, vector<16xi32>], vector<16xf32>,
          tpu.vector_store_idx %arg11[%add3A_173, %broadcast_in_dim3A_155, %broadcast_in_dim3A_5], %add3A_336 : memref<256x16x2xf32, #tpu.memory_space<vmem>>[vector<16xi32>, vector<16xi32>, vector<16xi32>], vector<16xf32>,
          %mul3A_337 = arith.constant 2 : i32
          %mul3A_338 = arith.muli %scan3A_164, %mul3A_337 : i32
          %add3A_339 = arith.constant 1 : i32
          %add3A_340 = arith.addi %mul3A_338, %add3A_339 : i32
          %mul3A_341 = arith.constant 16 : i32
          %mul3A_342 = arith.muli %add3A_340, %mul3A_341 : i32
          %add3A_343 = vector.broadcast %mul3A_342 : i32 to vector<16xi32>
          %add3A_344 = arith.addi %add3A_343, %iota3A : vector<16xi32>
          %broadcast_in_dim3A_345 = arith.constant 0.000000e+00 : f32
          %broadcast_in_dim3A_346 = vector.broadcast %broadcast_in_dim3A_345 : f32 to vector<16xf32>
          %broadcast_in_dim3A_347 = arith.constant 0.000000e+00 : f32
          %broadcast_in_dim3A_348 = vector.broadcast %broadcast_in_dim3A_347 : f32 to vector<16xf32>
          %mul3A_349 = arith.constant 128 : i32
          %mul3A_350 = arith.muli %add3A_340, %mul3A_349 : i32
          %add3A_351 = arith.addi %mul3A_142, %mul3A_350 : i32
          %add3A_352 = arith.constant 0 : i32
          %add3A_353 = arith.addi %add3A_351, %add3A_352 : i32
          %add3A_354 = vector.broadcast %add3A_353 : i32 to vector<16xi32>
          %add3A_355 = arith.addi %add3A_354, %iota3A : vector<16xi32>
          %gather3A_356 = tpu.vector_load_idx %arg10[%add3A_355, %broadcast_in_dim3A_3] : memref<4096x8xf32, #tpu.memory_space<vmem>>[vector<16xi32>, vector<16xi32>], vector<16xf32>,
          %gather3A_357 = tpu.vector_load_idx %arg10[%add3A_355, %broadcast_in_dim3A_5] : memref<4096x8xf32, #tpu.memory_space<vmem>>[vector<16xi32>, vector<16xi32>], vector<16xf32>,
          %add3A_358 = arith.addi %mul3A_138, %add3A_340 : i32
          %mul3A_359 = arith.constant 128 : i32
          %mul3A_360 = arith.muli %add3A_358, %mul3A_359 : i32
          %add3A_361 = arith.constant 0 : i32
          %add3A_362 = arith.addi %mul3A_360, %add3A_361 : i32
          %get3A_363 = arith.index_cast %add3A_362 : i32 to index
          %get3A_364 = tpu.vector_load %arg9[%get3A_363] {strides = array<i32>} : memref<4096xf32, #tpu.memory_space<vmem>>, vector<16xf32>,
          %mul3A_365 = arith.mulf %gather3A_356, %get3A_364 : vector<16xf32>
          %add3A_366 = arith.addf %broadcast_in_dim3A_346, %mul3A_365 : vector<16xf32>
          %mul3A_367 = arith.mulf %gather3A_357, %get3A_364 : vector<16xf32>
          %add3A_368 = arith.addf %broadcast_in_dim3A_348, %mul3A_367 : vector<16xf32>
          %mul3A_369 = arith.constant 128 : i32
          %mul3A_370 = arith.muli %add3A_340, %mul3A_369 : i32
          %add3A_371 = arith.addi %mul3A_142, %mul3A_370 : i32
          %add3A_372 = arith.constant 16 : i32
          %add3A_373 = arith.addi %add3A_371, %add3A_372 : i32
          %add3A_374 = vector.broadcast %add3A_373 : i32 to vector<16xi32>
          %add3A_375 = arith.addi %add3A_374, %iota3A : vector<16xi32>
          %gather3A_376 = tpu.vector_load_idx %arg10[%add3A_375, %broadcast_in_dim3A_3] : memref<4096x8xf32, #tpu.memory_space<vmem>>[vector<16xi32>, vector<16xi32>], vector<16xf32>,
          %gather3A_377 = tpu.vector_load_idx %arg10[%add3A_375, %broadcast_in_dim3A_5] : memref<4096x8xf32, #tpu.memory_space<vmem>>[vector<16xi32>, vector<16xi32>], vector<16xf32>,
          %add3A_378 = arith.addi %mul3A_138, %add3A_340 : i32
          %mul3A_379 = arith.constant 128 : i32
          %mul3A_380 = arith.muli %add3A_378, %mul3A_379 : i32
          %add3A_381 = arith.constant 16 : i32
          %add3A_382 = arith.addi %mul3A_380, %add3A_381 : i32
          %get3A_383 = arith.index_cast %add3A_382 : i32 to index
          %get3A_384 = tpu.vector_load %arg9[%get3A_383] {strides = array<i32>} : memref<4096xf32, #tpu.memory_space<vmem>>, vector<16xf32>,
          %mul3A_385 = arith.mulf %gather3A_376, %get3A_384 : vector<16xf32>
          %add3A_386 = arith.addf %add3A_366, %mul3A_385 : vector<16xf32>
          %mul3A_387 = arith.mulf %gather3A_377, %get3A_384 : vector<16xf32>
          %add3A_388 = arith.addf %add3A_368, %mul3A_387 : vector<16xf32>
          %mul3A_389 = arith.constant 128 : i32
          %mul3A_390 = arith.muli %add3A_340, %mul3A_389 : i32
          %add3A_391 = arith.addi %mul3A_142, %mul3A_390 : i32
          %add3A_392 = arith.constant 32 : i32
          %add3A_393 = arith.addi %add3A_391, %add3A_392 : i32
          %add3A_394 = vector.broadcast %add3A_393 : i32 to vector<16xi32>
          %add3A_395 = arith.addi %add3A_394, %iota3A : vector<16xi32>
          %gather3A_396 = tpu.vector_load_idx %arg10[%add3A_395, %broadcast_in_dim3A_3] : memref<4096x8xf32, #tpu.memory_space<vmem>>[vector<16xi32>, vector<16xi32>], vector<16xf32>,
          %gather3A_397 = tpu.vector_load_idx %arg10[%add3A_395, %broadcast_in_dim3A_5] : memref<4096x8xf32, #tpu.memory_space<vmem>>[vector<16xi32>, vector<16xi32>], vector<16xf32>,
          %add3A_398 = arith.addi %mul3A_138, %add3A_340 : i32
          %mul3A_399 = arith.constant 128 : i32
          %mul3A_400 = arith.muli %add3A_398, %mul3A_399 : i32
          %add3A_401 = arith.constant 32 : i32
          %add3A_402 = arith.addi %mul3A_400, %add3A_401 : i32
          %get3A_403 = arith.index_cast %add3A_402 : i32 to index
          %get3A_404 = tpu.vector_load %arg9[%get3A_403] {strides = array<i32>} : memref<4096xf32, #tpu.memory_space<vmem>>, vector<16xf32>,
          %mul3A_405 = arith.mulf %gather3A_396, %get3A_404 : vector<16xf32>
          %add3A_406 = arith.addf %add3A_386, %mul3A_405 : vector<16xf32>
          %mul3A_407 = arith.mulf %gather3A_397, %get3A_404 : vector<16xf32>
          %add3A_408 = arith.addf %add3A_388, %mul3A_407 : vector<16xf32>
          %mul3A_409 = arith.constant 128 : i32
          %mul3A_410 = arith.muli %add3A_340, %mul3A_409 : i32
          %add3A_411 = arith.addi %mul3A_142, %mul3A_410 : i32
          %add3A_412 = arith.constant 48 : i32
          %add3A_413 = arith.addi %add3A_411, %add3A_412 : i32
          %add3A_414 = vector.broadcast %add3A_413 : i32 to vector<16xi32>
          %add3A_415 = arith.addi %add3A_414, %iota3A : vector<16xi32>
          %gather3A_416 = tpu.vector_load_idx %arg10[%add3A_415, %broadcast_in_dim3A_3] : memref<4096x8xf32, #tpu.memory_space<vmem>>[vector<16xi32>, vector<16xi32>], vector<16xf32>,
          %gather3A_417 = tpu.vector_load_idx %arg10[%add3A_415, %broadcast_in_dim3A_5] : memref<4096x8xf32, #tpu.memory_space<vmem>>[vector<16xi32>, vector<16xi32>], vector<16xf32>,
          %add3A_418 = arith.addi %mul3A_138, %add3A_340 : i32
          %mul3A_419 = arith.constant 128 : i32
          %mul3A_420 = arith.muli %add3A_418, %mul3A_419 : i32
          %add3A_421 = arith.constant 48 : i32
          %add3A_422 = arith.addi %mul3A_420, %add3A_421 : i32
          %get3A_423 = arith.index_cast %add3A_422 : i32 to index
          %get3A_424 = tpu.vector_load %arg9[%get3A_423] {strides = array<i32>} : memref<4096xf32, #tpu.memory_space<vmem>>, vector<16xf32>,
          %mul3A_425 = arith.mulf %gather3A_416, %get3A_424 : vector<16xf32>
          %add3A_426 = arith.addf %add3A_406, %mul3A_425 : vector<16xf32>
          %mul3A_427 = arith.mulf %gather3A_417, %get3A_424 : vector<16xf32>
          %add3A_428 = arith.addf %add3A_408, %mul3A_427 : vector<16xf32>
          %mul3A_429 = arith.constant 128 : i32
          %mul3A_430 = arith.muli %add3A_340, %mul3A_429 : i32
          %add3A_431 = arith.addi %mul3A_142, %mul3A_430 : i32
          %add3A_432 = arith.constant 64 : i32
          %add3A_433 = arith.addi %add3A_431, %add3A_432 : i32
          %add3A_434 = vector.broadcast %add3A_433 : i32 to vector<16xi32>
          %add3A_435 = arith.addi %add3A_434, %iota3A : vector<16xi32>
          %gather3A_436 = tpu.vector_load_idx %arg10[%add3A_435, %broadcast_in_dim3A_3] : memref<4096x8xf32, #tpu.memory_space<vmem>>[vector<16xi32>, vector<16xi32>], vector<16xf32>,
          %gather3A_437 = tpu.vector_load_idx %arg10[%add3A_435, %broadcast_in_dim3A_5] : memref<4096x8xf32, #tpu.memory_space<vmem>>[vector<16xi32>, vector<16xi32>], vector<16xf32>,
          %add3A_438 = arith.addi %mul3A_138, %add3A_340 : i32
          %mul3A_439 = arith.constant 128 : i32
          %mul3A_440 = arith.muli %add3A_438, %mul3A_439 : i32
          %add3A_441 = arith.constant 64 : i32
          %add3A_442 = arith.addi %mul3A_440, %add3A_441 : i32
          %get3A_443 = arith.index_cast %add3A_442 : i32 to index
          %get3A_444 = tpu.vector_load %arg9[%get3A_443] {strides = array<i32>} : memref<4096xf32, #tpu.memory_space<vmem>>, vector<16xf32>,
          %mul3A_445 = arith.mulf %gather3A_436, %get3A_444 : vector<16xf32>
          %add3A_446 = arith.addf %add3A_426, %mul3A_445 : vector<16xf32>
          %mul3A_447 = arith.mulf %gather3A_437, %get3A_444 : vector<16xf32>
          %add3A_448 = arith.addf %add3A_428, %mul3A_447 : vector<16xf32>
          %mul3A_449 = arith.constant 128 : i32
          %mul3A_450 = arith.muli %add3A_340, %mul3A_449 : i32
          %add3A_451 = arith.addi %mul3A_142, %mul3A_450 : i32
          %add3A_452 = arith.constant 80 : i32
          %add3A_453 = arith.addi %add3A_451, %add3A_452 : i32
          %add3A_454 = vector.broadcast %add3A_453 : i32 to vector<16xi32>
          %add3A_455 = arith.addi %add3A_454, %iota3A : vector<16xi32>
          %gather3A_456 = tpu.vector_load_idx %arg10[%add3A_455, %broadcast_in_dim3A_3] : memref<4096x8xf32, #tpu.memory_space<vmem>>[vector<16xi32>, vector<16xi32>], vector<16xf32>,
          %gather3A_457 = tpu.vector_load_idx %arg10[%add3A_455, %broadcast_in_dim3A_5] : memref<4096x8xf32, #tpu.memory_space<vmem>>[vector<16xi32>, vector<16xi32>], vector<16xf32>,
          %add3A_458 = arith.addi %mul3A_138, %add3A_340 : i32
          %mul3A_459 = arith.constant 128 : i32
          %mul3A_460 = arith.muli %add3A_458, %mul3A_459 : i32
          %add3A_461 = arith.constant 80 : i32
          %add3A_462 = arith.addi %mul3A_460, %add3A_461 : i32
          %get3A_463 = arith.index_cast %add3A_462 : i32 to index
          %get3A_464 = tpu.vector_load %arg9[%get3A_463] {strides = array<i32>} : memref<4096xf32, #tpu.memory_space<vmem>>, vector<16xf32>,
          %mul3A_465 = arith.mulf %gather3A_456, %get3A_464 : vector<16xf32>
          %add3A_466 = arith.addf %add3A_446, %mul3A_465 : vector<16xf32>
          %mul3A_467 = arith.mulf %gather3A_457, %get3A_464 : vector<16xf32>
          %add3A_468 = arith.addf %add3A_448, %mul3A_467 : vector<16xf32>
          %mul3A_469 = arith.constant 128 : i32
          %mul3A_470 = arith.muli %add3A_340, %mul3A_469 : i32
          %add3A_471 = arith.addi %mul3A_142, %mul3A_470 : i32
          %add3A_472 = arith.constant 96 : i32
          %add3A_473 = arith.addi %add3A_471, %add3A_472 : i32
          %add3A_474 = vector.broadcast %add3A_473 : i32 to vector<16xi32>
          %add3A_475 = arith.addi %add3A_474, %iota3A : vector<16xi32>
          %gather3A_476 = tpu.vector_load_idx %arg10[%add3A_475, %broadcast_in_dim3A_3] : memref<4096x8xf32, #tpu.memory_space<vmem>>[vector<16xi32>, vector<16xi32>], vector<16xf32>,
          %gather3A_477 = tpu.vector_load_idx %arg10[%add3A_475, %broadcast_in_dim3A_5] : memref<4096x8xf32, #tpu.memory_space<vmem>>[vector<16xi32>, vector<16xi32>], vector<16xf32>,
          %add3A_478 = arith.addi %mul3A_138, %add3A_340 : i32
          %mul3A_479 = arith.constant 128 : i32
          %mul3A_480 = arith.muli %add3A_478, %mul3A_479 : i32
          %add3A_481 = arith.constant 96 : i32
          %add3A_482 = arith.addi %mul3A_480, %add3A_481 : i32
          %get3A_483 = arith.index_cast %add3A_482 : i32 to index
          %get3A_484 = tpu.vector_load %arg9[%get3A_483] {strides = array<i32>} : memref<4096xf32, #tpu.memory_space<vmem>>, vector<16xf32>,
          %mul3A_485 = arith.mulf %gather3A_476, %get3A_484 : vector<16xf32>
          %add3A_486 = arith.addf %add3A_466, %mul3A_485 : vector<16xf32>
          %mul3A_487 = arith.mulf %gather3A_477, %get3A_484 : vector<16xf32>
          %add3A_488 = arith.addf %add3A_468, %mul3A_487 : vector<16xf32>
          %mul3A_489 = arith.constant 128 : i32
          %mul3A_490 = arith.muli %add3A_340, %mul3A_489 : i32
          %add3A_491 = arith.addi %mul3A_142, %mul3A_490 : i32
          %add3A_492 = arith.constant 112 : i32
          %add3A_493 = arith.addi %add3A_491, %add3A_492 : i32
          %add3A_494 = vector.broadcast %add3A_493 : i32 to vector<16xi32>
          %add3A_495 = arith.addi %add3A_494, %iota3A : vector<16xi32>
          %gather3A_496 = tpu.vector_load_idx %arg10[%add3A_495, %broadcast_in_dim3A_3] : memref<4096x8xf32, #tpu.memory_space<vmem>>[vector<16xi32>, vector<16xi32>], vector<16xf32>,
          %gather3A_497 = tpu.vector_load_idx %arg10[%add3A_495, %broadcast_in_dim3A_5] : memref<4096x8xf32, #tpu.memory_space<vmem>>[vector<16xi32>, vector<16xi32>], vector<16xf32>,
          %add3A_498 = arith.addi %mul3A_138, %add3A_340 : i32
          %mul3A_499 = arith.constant 128 : i32
          %mul3A_500 = arith.muli %add3A_498, %mul3A_499 : i32
          %add3A_501 = arith.constant 112 : i32
          %add3A_502 = arith.addi %mul3A_500, %add3A_501 : i32
          %get3A_503 = arith.index_cast %add3A_502 : i32 to index
          %get3A_504 = tpu.vector_load %arg9[%get3A_503] {strides = array<i32>} : memref<4096xf32, #tpu.memory_space<vmem>>, vector<16xf32>,
          %mul3A_505 = arith.mulf %gather3A_496, %get3A_504 : vector<16xf32>
          %add3A_506 = arith.addf %add3A_486, %mul3A_505 : vector<16xf32>
          %mul3A_507 = arith.mulf %gather3A_497, %get3A_504 : vector<16xf32>
          %add3A_508 = arith.addf %add3A_488, %mul3A_507 : vector<16xf32>
          tpu.vector_store_idx %arg11[%add3A_344, %broadcast_in_dim3A_155, %broadcast_in_dim3A_3], %add3A_506 : memref<256x16x2xf32, #tpu.memory_space<vmem>>[vector<16xi32>, vector<16xi32>, vector<16xi32>], vector<16xf32>,
          tpu.vector_store_idx %arg11[%add3A_344, %broadcast_in_dim3A_155, %broadcast_in_dim3A_5], %add3A_508 : memref<256x16x2xf32, #tpu.memory_space<vmem>>[vector<16xi32>, vector<16xi32>, vector<16xi32>], vector<16xf32>,
          %scan3A_509 = arith.constant 0 : i32
          scf.yield %scan3A_509 : i32
        }
        %scan3A_162 = arith.constant 8 : i32
        %scan3A_163 = arith.constant 0 : i32
        scf.yield %scan3A_163 : i32
      }
      %scan3A_54 = arith.constant 15 : i32
      %dma_wait3A = arith.constant 1 : i32
      %dma_wait3A_55 = arith.constant 2048 : i32
      %dma_wait3A_56 = arith.constant 0 : i32
      %dma_wait3A_57 = tpu.memref_slice %arg10[%dma_wait3A_55, %dma_wait3A_56] : memref<4096x8xf32, #tpu.memory_space<vmem>> -> memref<2048x8xf32, #tpu.memory_space<vmem>>
      %dma_wait3A_58 = arith.constant 0 : i32
      %dma_wait3A_59 = arith.constant 0 : i32
      %dma_wait3A_60 = tpu.memref_slice %arg3[%dma_wait3A_58, %dma_wait3A_59] : memref<5217953x8xf32, #tpu.memory_space<hbm>> -> memref<2048x8xf32, #tpu.memory_space<hbm>>
      %dma_wait3A_61 = tpu.memref_slice %arg14[%dma_wait3A] : memref<2x!tpu.dma_semaphore, #tpu.memory_space<semaphore_mem>> -> memref<1x!tpu.dma_semaphore, #tpu.memory_space<semaphore_mem>>
      %dma_wait3A_62 = tpu.memref_squeeze %dma_wait3A_61 : memref<1x!tpu.dma_semaphore, #tpu.memory_space<semaphore_mem>> -> memref<!tpu.dma_semaphore, #tpu.memory_space<semaphore_mem>>
      %dma_wait3A_63 = arith.constant 2048 : i32
      %dma_wait3A_64 = arith.constant 0 : i32
      %dma_wait3A_65 = tpu.memref_slice %arg10[%dma_wait3A_63, %dma_wait3A_64] : memref<4096x8xf32, #tpu.memory_space<vmem>> -> memref<2048x8xf32, #tpu.memory_space<vmem>>
      %dma_wait3A_66 = arith.constant 0 : i32
      %dma_wait3A_67 = arith.constant 0 : i32
      %dma_wait3A_68 = tpu.memref_slice %arg3[%dma_wait3A_66, %dma_wait3A_67] : memref<5217953x8xf32, #tpu.memory_space<hbm>> -> memref<2048x8xf32, #tpu.memory_space<hbm>>
      tpu.wait_dma2 semaphore(%dma_wait3A_62 : memref<!tpu.dma_semaphore, #tpu.memory_space<semaphore_mem>>) src(%dma_wait3A_68 : memref<2048x8xf32, #tpu.memory_space<hbm>>) dst(%dma_wait3A_65 : memref<2048x8xf32, #tpu.memory_space<vmem>>)
      %broadcast_in_dim3A_69 = arith.constant 15 : i32
      %broadcast_in_dim3A_70 = vector.broadcast %broadcast_in_dim3A_69 : i32 to vector<16xi32>
      %scan3A_71 = arith.constant 0 : i32
      %scan3A_72 = arith.constant 0 : i32
      %scan3A_73 = arith.constant 8 : i32
      %scan3A_74 = arith.addi %scan3A_72, %scan3A_73 : i32
      %scan3A_75 = arith.constant 1 : i32
      %scan3A_76 = scf.for %scan3A_79 = %scan3A_72 to %scan3A_74 step %scan3A_75 iter_args(%scan3A_80 = %scan3A_71) -> (i32)  : i32 {
        %mul3A_81 = arith.constant 2 : i32
        %mul3A_82 = arith.muli %scan3A_79, %mul3A_81 : i32
        %add3A_83 = arith.constant 0 : i32
        %add3A_84 = arith.addi %mul3A_82, %add3A_83 : i32
        %mul3A_85 = arith.constant 16 : i32
        %mul3A_86 = arith.muli %add3A_84, %mul3A_85 : i32
        %add3A_87 = vector.broadcast %mul3A_86 : i32 to vector<16xi32>
        %add3A_88 = arith.addi %add3A_87, %iota3A : vector<16xi32>
        %broadcast_in_dim3A_89 = arith.constant 0.000000e+00 : f32
        %broadcast_in_dim3A_90 = vector.broadcast %broadcast_in_dim3A_89 : f32 to vector<16xf32>
        %broadcast_in_dim3A_91 = arith.constant 0.000000e+00 : f32
        %broadcast_in_dim3A_92 = vector.broadcast %broadcast_in_dim3A_91 : f32 to vector<16xf32>
        %mul3A_93 = arith.constant 128 : i32
        %mul3A_94 = arith.muli %add3A_84, %mul3A_93 : i32
        %add3A_95 = arith.constant 2048 : i32
        %add3A_96 = arith.addi %add3A_95, %mul3A_94 : i32
        %add3A_97 = arith.constant 0 : i32
        %add3A_98 = arith.addi %add3A_96, %add3A_97 : i32
        %add3A_99 = vector.broadcast %add3A_98 : i32 to vector<16xi32>
        %add3A_100 = arith.addi %add3A_99, %iota3A : vector<16xi32>
        %gather3A = tpu.vector_load_idx %arg10[%add3A_100, %broadcast_in_dim3A_3] : memref<4096x8xf32, #tpu.memory_space<vmem>>[vector<16xi32>, vector<16xi32>], vector<16xf32>,
        %gather3A_101 = tpu.vector_load_idx %arg10[%add3A_100, %broadcast_in_dim3A_5] : memref<4096x8xf32, #tpu.memory_space<vmem>>[vector<16xi32>, vector<16xi32>], vector<16xf32>,
        %add3A_102 = arith.constant 16 : i32
        %add3A_103 = arith.addi %add3A_102, %add3A_84 : i32
        %mul3A_104 = arith.constant 128 : i32
        %mul3A_105 = arith.muli %add3A_103, %mul3A_104 : i32
        %add3A_106 = arith.constant 0 : i32
        %add3A_107 = arith.addi %mul3A_105, %add3A_106 : i32
        %get3A_108 = arith.index_cast %add3A_107 : i32 to index
        %get3A_109 = tpu.vector_load %arg9[%get3A_108] {strides = array<i32>} : memref<4096xf32, #tpu.memory_space<vmem>>, vector<16xf32>,
        %mul3A_110 = arith.mulf %gather3A, %get3A_109 : vector<16xf32>
        %add3A_111 = arith.addf %broadcast_in_dim3A_90, %mul3A_110 : vector<16xf32>
        %mul3A_112 = arith.mulf %gather3A_101, %get3A_109 : vector<16xf32>
        %add3A_113 = arith.addf %broadcast_in_dim3A_92, %mul3A_112 : vector<16xf32>
        %mul3A_114 = arith.constant 128 : i32
        %mul3A_115 = arith.muli %add3A_84, %mul3A_114 : i32
        %add3A_116 = arith.constant 2048 : i32
        %add3A_117 = arith.addi %add3A_116, %mul3A_115 : i32
        %add3A_118 = arith.constant 16 : i32
        %add3A_119 = arith.addi %add3A_117, %add3A_118 : i32
        %add3A_120 = vector.broadcast %add3A_119 : i32 to vector<16xi32>
        %add3A_121 = arith.addi %add3A_120, %iota3A : vector<16xi32>
        %gather3A_122 = tpu.vector_load_idx %arg10[%add3A_121, %broadcast_in_dim3A_3] : memref<4096x8xf32, #tpu.memory_space<vmem>>[vector<16xi32>, vector<16xi32>], vector<16xf32>,
        %gather3A_123 = tpu.vector_load_idx %arg10[%add3A_121, %broadcast_in_dim3A_5] : memref<4096x8xf32, #tpu.memory_space<vmem>>[vector<16xi32>, vector<16xi32>], vector<16xf32>,
        %add3A_124 = arith.constant 16 : i32
        %add3A_125 = arith.addi %add3A_124, %add3A_84 : i32
        %mul3A_126 = arith.constant 128 : i32
        %mul3A_127 = arith.muli %add3A_125, %mul3A_126 : i32
        %add3A_128 = arith.constant 16 : i32
        %add3A_129 = arith.addi %mul3A_127, %add3A_128 : i32
        %get3A_130 = arith.index_cast %add3A_129 : i32 to index
        %get3A_131 = tpu.vector_load %arg9[%get3A_130] {strides = array<i32>} : memref<4096xf32, #tpu.memory_space<vmem>>, vector<16xf32>,
        %mul3A_132 = arith.mulf %gather3A_122, %get3A_131 : vector<16xf32>
        %add3A_133 = arith.addf %add3A_111, %mul3A_132 : vector<16xf32>
        %mul3A_134 = arith.mulf %gather3A_123, %get3A_131 : vector<16xf32>
        %add3A_135 = arith.addf %add3A_113, %mul3A_134 : vector<16xf32>
        %mul3A_136 = arith.constant 128 : i32
        %mul3A_137 = arith.muli %add3A_84, %mul3A_136 : i32
        %add3A_138 = arith.constant 2048 : i32
        %add3A_139 = arith.addi %add3A_138, %mul3A_137 : i32
        %add3A_140 = arith.constant 32 : i32
        %add3A_141 = arith.addi %add3A_139, %add3A_140 : i32
        %add3A_142 = vector.broadcast %add3A_141 : i32 to vector<16xi32>
        %add3A_143 = arith.addi %add3A_142, %iota3A : vector<16xi32>
        %gather3A_144 = tpu.vector_load_idx %arg10[%add3A_143, %broadcast_in_dim3A_3] : memref<4096x8xf32, #tpu.memory_space<vmem>>[vector<16xi32>, vector<16xi32>], vector<16xf32>,
        %gather3A_145 = tpu.vector_load_idx %arg10[%add3A_143, %broadcast_in_dim3A_5] : memref<4096x8xf32, #tpu.memory_space<vmem>>[vector<16xi32>, vector<16xi32>], vector<16xf32>,
        %add3A_146 = arith.constant 16 : i32
        %add3A_147 = arith.addi %add3A_146, %add3A_84 : i32
        %mul3A_148 = arith.constant 128 : i32
        %mul3A_149 = arith.muli %add3A_147, %mul3A_148 : i32
        %add3A_150 = arith.constant 32 : i32
        %add3A_151 = arith.addi %mul3A_149, %add3A_150 : i32
        %get3A_152 = arith.index_cast %add3A_151 : i32 to index
        %get3A_153 = tpu.vector_load %arg9[%get3A_152] {strides = array<i32>} : memref<4096xf32, #tpu.memory_space<vmem>>, vector<16xf32>,
        %mul3A_154 = arith.mulf %gather3A_144, %get3A_153 : vector<16xf32>
        %add3A_155 = arith.addf %add3A_133, %mul3A_154 : vector<16xf32>
        %mul3A_156 = arith.mulf %gather3A_145, %get3A_153 : vector<16xf32>
        %add3A_157 = arith.addf %add3A_135, %mul3A_156 : vector<16xf32>
        %mul3A_158 = arith.constant 128 : i32
        %mul3A_159 = arith.muli %add3A_84, %mul3A_158 : i32
        %add3A_160 = arith.constant 2048 : i32
        %add3A_161 = arith.addi %add3A_160, %mul3A_159 : i32
        %add3A_162 = arith.constant 48 : i32
        %add3A_163 = arith.addi %add3A_161, %add3A_162 : i32
        %add3A_164 = vector.broadcast %add3A_163 : i32 to vector<16xi32>
        %add3A_165 = arith.addi %add3A_164, %iota3A : vector<16xi32>
        %gather3A_166 = tpu.vector_load_idx %arg10[%add3A_165, %broadcast_in_dim3A_3] : memref<4096x8xf32, #tpu.memory_space<vmem>>[vector<16xi32>, vector<16xi32>], vector<16xf32>,
        %gather3A_167 = tpu.vector_load_idx %arg10[%add3A_165, %broadcast_in_dim3A_5] : memref<4096x8xf32, #tpu.memory_space<vmem>>[vector<16xi32>, vector<16xi32>], vector<16xf32>,
        %add3A_168 = arith.constant 16 : i32
        %add3A_169 = arith.addi %add3A_168, %add3A_84 : i32
        %mul3A_170 = arith.constant 128 : i32
        %mul3A_171 = arith.muli %add3A_169, %mul3A_170 : i32
        %add3A_172 = arith.constant 48 : i32
        %add3A_173 = arith.addi %mul3A_171, %add3A_172 : i32
        %get3A_174 = arith.index_cast %add3A_173 : i32 to index
        %get3A_175 = tpu.vector_load %arg9[%get3A_174] {strides = array<i32>} : memref<4096xf32, #tpu.memory_space<vmem>>, vector<16xf32>,
        %mul3A_176 = arith.mulf %gather3A_166, %get3A_175 : vector<16xf32>
        %add3A_177 = arith.addf %add3A_155, %mul3A_176 : vector<16xf32>
        %mul3A_178 = arith.mulf %gather3A_167, %get3A_175 : vector<16xf32>
        %add3A_179 = arith.addf %add3A_157, %mul3A_178 : vector<16xf32>
        %mul3A_180 = arith.constant 128 : i32
        %mul3A_181 = arith.muli %add3A_84, %mul3A_180 : i32
        %add3A_182 = arith.constant 2048 : i32
        %add3A_183 = arith.addi %add3A_182, %mul3A_181 : i32
        %add3A_184 = arith.constant 64 : i32
        %add3A_185 = arith.addi %add3A_183, %add3A_184 : i32
        %add3A_186 = vector.broadcast %add3A_185 : i32 to vector<16xi32>
        %add3A_187 = arith.addi %add3A_186, %iota3A : vector<16xi32>
        %gather3A_188 = tpu.vector_load_idx %arg10[%add3A_187, %broadcast_in_dim3A_3] : memref<4096x8xf32, #tpu.memory_space<vmem>>[vector<16xi32>, vector<16xi32>], vector<16xf32>,
        %gather3A_189 = tpu.vector_load_idx %arg10[%add3A_187, %broadcast_in_dim3A_5] : memref<4096x8xf32, #tpu.memory_space<vmem>>[vector<16xi32>, vector<16xi32>], vector<16xf32>,
        %add3A_190 = arith.constant 16 : i32
        %add3A_191 = arith.addi %add3A_190, %add3A_84 : i32
        %mul3A_192 = arith.constant 128 : i32
        %mul3A_193 = arith.muli %add3A_191, %mul3A_192 : i32
        %add3A_194 = arith.constant 64 : i32
        %add3A_195 = arith.addi %mul3A_193, %add3A_194 : i32
        %get3A_196 = arith.index_cast %add3A_195 : i32 to index
        %get3A_197 = tpu.vector_load %arg9[%get3A_196] {strides = array<i32>} : memref<4096xf32, #tpu.memory_space<vmem>>, vector<16xf32>,
        %mul3A_198 = arith.mulf %gather3A_188, %get3A_197 : vector<16xf32>
        %add3A_199 = arith.addf %add3A_177, %mul3A_198 : vector<16xf32>
        %mul3A_200 = arith.mulf %gather3A_189, %get3A_197 : vector<16xf32>
        %add3A_201 = arith.addf %add3A_179, %mul3A_200 : vector<16xf32>
        %mul3A_202 = arith.constant 128 : i32
        %mul3A_203 = arith.muli %add3A_84, %mul3A_202 : i32
        %add3A_204 = arith.constant 2048 : i32
        %add3A_205 = arith.addi %add3A_204, %mul3A_203 : i32
        %add3A_206 = arith.constant 80 : i32
        %add3A_207 = arith.addi %add3A_205, %add3A_206 : i32
        %add3A_208 = vector.broadcast %add3A_207 : i32 to vector<16xi32>
        %add3A_209 = arith.addi %add3A_208, %iota3A : vector<16xi32>
        %gather3A_210 = tpu.vector_load_idx %arg10[%add3A_209, %broadcast_in_dim3A_3] : memref<4096x8xf32, #tpu.memory_space<vmem>>[vector<16xi32>, vector<16xi32>], vector<16xf32>,
        %gather3A_211 = tpu.vector_load_idx %arg10[%add3A_209, %broadcast_in_dim3A_5] : memref<4096x8xf32, #tpu.memory_space<vmem>>[vector<16xi32>, vector<16xi32>], vector<16xf32>,
        %add3A_212 = arith.constant 16 : i32
        %add3A_213 = arith.addi %add3A_212, %add3A_84 : i32
        %mul3A_214 = arith.constant 128 : i32
        %mul3A_215 = arith.muli %add3A_213, %mul3A_214 : i32
        %add3A_216 = arith.constant 80 : i32
        %add3A_217 = arith.addi %mul3A_215, %add3A_216 : i32
        %get3A_218 = arith.index_cast %add3A_217 : i32 to index
        %get3A_219 = tpu.vector_load %arg9[%get3A_218] {strides = array<i32>} : memref<4096xf32, #tpu.memory_space<vmem>>, vector<16xf32>,
        %mul3A_220 = arith.mulf %gather3A_210, %get3A_219 : vector<16xf32>
        %add3A_221 = arith.addf %add3A_199, %mul3A_220 : vector<16xf32>
        %mul3A_222 = arith.mulf %gather3A_211, %get3A_219 : vector<16xf32>
        %add3A_223 = arith.addf %add3A_201, %mul3A_222 : vector<16xf32>
        %mul3A_224 = arith.constant 128 : i32
        %mul3A_225 = arith.muli %add3A_84, %mul3A_224 : i32
        %add3A_226 = arith.constant 2048 : i32
        %add3A_227 = arith.addi %add3A_226, %mul3A_225 : i32
        %add3A_228 = arith.constant 96 : i32
        %add3A_229 = arith.addi %add3A_227, %add3A_228 : i32
        %add3A_230 = vector.broadcast %add3A_229 : i32 to vector<16xi32>
        %add3A_231 = arith.addi %add3A_230, %iota3A : vector<16xi32>
        %gather3A_232 = tpu.vector_load_idx %arg10[%add3A_231, %broadcast_in_dim3A_3] : memref<4096x8xf32, #tpu.memory_space<vmem>>[vector<16xi32>, vector<16xi32>], vector<16xf32>,
        %gather3A_233 = tpu.vector_load_idx %arg10[%add3A_231, %broadcast_in_dim3A_5] : memref<4096x8xf32, #tpu.memory_space<vmem>>[vector<16xi32>, vector<16xi32>], vector<16xf32>,
        %add3A_234 = arith.constant 16 : i32
        %add3A_235 = arith.addi %add3A_234, %add3A_84 : i32
        %mul3A_236 = arith.constant 128 : i32
        %mul3A_237 = arith.muli %add3A_235, %mul3A_236 : i32
        %add3A_238 = arith.constant 96 : i32
        %add3A_239 = arith.addi %mul3A_237, %add3A_238 : i32
        %get3A_240 = arith.index_cast %add3A_239 : i32 to index
        %get3A_241 = tpu.vector_load %arg9[%get3A_240] {strides = array<i32>} : memref<4096xf32, #tpu.memory_space<vmem>>, vector<16xf32>,
        %mul3A_242 = arith.mulf %gather3A_232, %get3A_241 : vector<16xf32>
        %add3A_243 = arith.addf %add3A_221, %mul3A_242 : vector<16xf32>
        %mul3A_244 = arith.mulf %gather3A_233, %get3A_241 : vector<16xf32>
        %add3A_245 = arith.addf %add3A_223, %mul3A_244 : vector<16xf32>
        %mul3A_246 = arith.constant 128 : i32
        %mul3A_247 = arith.muli %add3A_84, %mul3A_246 : i32
        %add3A_248 = arith.constant 2048 : i32
        %add3A_249 = arith.addi %add3A_248, %mul3A_247 : i32
        %add3A_250 = arith.constant 112 : i32
        %add3A_251 = arith.addi %add3A_249, %add3A_250 : i32
        %add3A_252 = vector.broadcast %add3A_251 : i32 to vector<16xi32>
        %add3A_253 = arith.addi %add3A_252, %iota3A : vector<16xi32>
        %gather3A_254 = tpu.vector_load_idx %arg10[%add3A_253, %broadcast_in_dim3A_3] : memref<4096x8xf32, #tpu.memory_space<vmem>>[vector<16xi32>, vector<16xi32>], vector<16xf32>,
        %gather3A_255 = tpu.vector_load_idx %arg10[%add3A_253, %broadcast_in_dim3A_5] : memref<4096x8xf32, #tpu.memory_space<vmem>>[vector<16xi32>, vector<16xi32>], vector<16xf32>,
        %add3A_256 = arith.constant 16 : i32
        %add3A_257 = arith.addi %add3A_256, %add3A_84 : i32
        %mul3A_258 = arith.constant 128 : i32
        %mul3A_259 = arith.muli %add3A_257, %mul3A_258 : i32
        %add3A_260 = arith.constant 112 : i32
        %add3A_261 = arith.addi %mul3A_259, %add3A_260 : i32
        %get3A_262 = arith.index_cast %add3A_261 : i32 to index
        %get3A_263 = tpu.vector_load %arg9[%get3A_262] {strides = array<i32>} : memref<4096xf32, #tpu.memory_space<vmem>>, vector<16xf32>,
        %mul3A_264 = arith.mulf %gather3A_254, %get3A_263 : vector<16xf32>
        %add3A_265 = arith.addf %add3A_243, %mul3A_264 : vector<16xf32>
        %mul3A_266 = arith.mulf %gather3A_255, %get3A_263 : vector<16xf32>
        %add3A_267 = arith.addf %add3A_245, %mul3A_266 : vector<16xf32>
        tpu.vector_store_idx %arg11[%add3A_88, %broadcast_in_dim3A_70, %broadcast_in_dim3A_3], %add3A_265 : memref<256x16x2xf32, #tpu.memory_space<vmem>>[vector<16xi32>, vector<16xi32>, vector<16xi32>], vector<16xf32>,
        tpu.vector_store_idx %arg11[%add3A_88, %broadcast_in_dim3A_70, %broadcast_in_dim3A_5], %add3A_267 : memref<256x16x2xf32, #tpu.memory_space<vmem>>[vector<16xi32>, vector<16xi32>, vector<16xi32>], vector<16xf32>,
        %mul3A_268 = arith.constant 2 : i32
        %mul3A_269 = arith.muli %scan3A_79, %mul3A_268 : i32
        %add3A_270 = arith.constant 1 : i32
        %add3A_271 = arith.addi %mul3A_269, %add3A_270 : i32
        %mul3A_272 = arith.constant 16 : i32
        %mul3A_273 = arith.muli %add3A_271, %mul3A_272 : i32
        %add3A_274 = vector.broadcast %mul3A_273 : i32 to vector<16xi32>
        %add3A_275 = arith.addi %add3A_274, %iota3A : vector<16xi32>
        %broadcast_in_dim3A_276 = arith.constant 0.000000e+00 : f32
        %broadcast_in_dim3A_277 = vector.broadcast %broadcast_in_dim3A_276 : f32 to vector<16xf32>
        %broadcast_in_dim3A_278 = arith.constant 0.000000e+00 : f32
        %broadcast_in_dim3A_279 = vector.broadcast %broadcast_in_dim3A_278 : f32 to vector<16xf32>
        %mul3A_280 = arith.constant 128 : i32
        %mul3A_281 = arith.muli %add3A_271, %mul3A_280 : i32
        %add3A_282 = arith.constant 2048 : i32
        %add3A_283 = arith.addi %add3A_282, %mul3A_281 : i32
        %add3A_284 = arith.constant 0 : i32
        %add3A_285 = arith.addi %add3A_283, %add3A_284 : i32
        %add3A_286 = vector.broadcast %add3A_285 : i32 to vector<16xi32>
        %add3A_287 = arith.addi %add3A_286, %iota3A : vector<16xi32>
        %gather3A_288 = tpu.vector_load_idx %arg10[%add3A_287, %broadcast_in_dim3A_3] : memref<4096x8xf32, #tpu.memory_space<vmem>>[vector<16xi32>, vector<16xi32>], vector<16xf32>,
        %gather3A_289 = tpu.vector_load_idx %arg10[%add3A_287, %broadcast_in_dim3A_5] : memref<4096x8xf32, #tpu.memory_space<vmem>>[vector<16xi32>, vector<16xi32>], vector<16xf32>,
        %add3A_290 = arith.constant 16 : i32
        %add3A_291 = arith.addi %add3A_290, %add3A_271 : i32
        %mul3A_292 = arith.constant 128 : i32
        %mul3A_293 = arith.muli %add3A_291, %mul3A_292 : i32
        %add3A_294 = arith.constant 0 : i32
        %add3A_295 = arith.addi %mul3A_293, %add3A_294 : i32
        %get3A_296 = arith.index_cast %add3A_295 : i32 to index
        %get3A_297 = tpu.vector_load %arg9[%get3A_296] {strides = array<i32>} : memref<4096xf32, #tpu.memory_space<vmem>>, vector<16xf32>,
        %mul3A_298 = arith.mulf %gather3A_288, %get3A_297 : vector<16xf32>
        %add3A_299 = arith.addf %broadcast_in_dim3A_277, %mul3A_298 : vector<16xf32>
        %mul3A_300 = arith.mulf %gather3A_289, %get3A_297 : vector<16xf32>
        %add3A_301 = arith.addf %broadcast_in_dim3A_279, %mul3A_300 : vector<16xf32>
        %mul3A_302 = arith.constant 128 : i32
        %mul3A_303 = arith.muli %add3A_271, %mul3A_302 : i32
        %add3A_304 = arith.constant 2048 : i32
        %add3A_305 = arith.addi %add3A_304, %mul3A_303 : i32
        %add3A_306 = arith.constant 16 : i32
        %add3A_307 = arith.addi %add3A_305, %add3A_306 : i32
        %add3A_308 = vector.broadcast %add3A_307 : i32 to vector<16xi32>
        %add3A_309 = arith.addi %add3A_308, %iota3A : vector<16xi32>
        %gather3A_310 = tpu.vector_load_idx %arg10[%add3A_309, %broadcast_in_dim3A_3] : memref<4096x8xf32, #tpu.memory_space<vmem>>[vector<16xi32>, vector<16xi32>], vector<16xf32>,
        %gather3A_311 = tpu.vector_load_idx %arg10[%add3A_309, %broadcast_in_dim3A_5] : memref<4096x8xf32, #tpu.memory_space<vmem>>[vector<16xi32>, vector<16xi32>], vector<16xf32>,
        %add3A_312 = arith.constant 16 : i32
        %add3A_313 = arith.addi %add3A_312, %add3A_271 : i32
        %mul3A_314 = arith.constant 128 : i32
        %mul3A_315 = arith.muli %add3A_313, %mul3A_314 : i32
        %add3A_316 = arith.constant 16 : i32
        %add3A_317 = arith.addi %mul3A_315, %add3A_316 : i32
        %get3A_318 = arith.index_cast %add3A_317 : i32 to index
        %get3A_319 = tpu.vector_load %arg9[%get3A_318] {strides = array<i32>} : memref<4096xf32, #tpu.memory_space<vmem>>, vector<16xf32>,
        %mul3A_320 = arith.mulf %gather3A_310, %get3A_319 : vector<16xf32>
        %add3A_321 = arith.addf %add3A_299, %mul3A_320 : vector<16xf32>
        %mul3A_322 = arith.mulf %gather3A_311, %get3A_319 : vector<16xf32>
        %add3A_323 = arith.addf %add3A_301, %mul3A_322 : vector<16xf32>
        %mul3A_324 = arith.constant 128 : i32
        %mul3A_325 = arith.muli %add3A_271, %mul3A_324 : i32
        %add3A_326 = arith.constant 2048 : i32
        %add3A_327 = arith.addi %add3A_326, %mul3A_325 : i32
        %add3A_328 = arith.constant 32 : i32
        %add3A_329 = arith.addi %add3A_327, %add3A_328 : i32
        %add3A_330 = vector.broadcast %add3A_329 : i32 to vector<16xi32>
        %add3A_331 = arith.addi %add3A_330, %iota3A : vector<16xi32>
        %gather3A_332 = tpu.vector_load_idx %arg10[%add3A_331, %broadcast_in_dim3A_3] : memref<4096x8xf32, #tpu.memory_space<vmem>>[vector<16xi32>, vector<16xi32>], vector<16xf32>,
        %gather3A_333 = tpu.vector_load_idx %arg10[%add3A_331, %broadcast_in_dim3A_5] : memref<4096x8xf32, #tpu.memory_space<vmem>>[vector<16xi32>, vector<16xi32>], vector<16xf32>,
        %add3A_334 = arith.constant 16 : i32
        %add3A_335 = arith.addi %add3A_334, %add3A_271 : i32
        %mul3A_336 = arith.constant 128 : i32
        %mul3A_337 = arith.muli %add3A_335, %mul3A_336 : i32
        %add3A_338 = arith.constant 32 : i32
        %add3A_339 = arith.addi %mul3A_337, %add3A_338 : i32
        %get3A_340 = arith.index_cast %add3A_339 : i32 to index
        %get3A_341 = tpu.vector_load %arg9[%get3A_340] {strides = array<i32>} : memref<4096xf32, #tpu.memory_space<vmem>>, vector<16xf32>,
        %mul3A_342 = arith.mulf %gather3A_332, %get3A_341 : vector<16xf32>
        %add3A_343 = arith.addf %add3A_321, %mul3A_342 : vector<16xf32>
        %mul3A_344 = arith.mulf %gather3A_333, %get3A_341 : vector<16xf32>
        %add3A_345 = arith.addf %add3A_323, %mul3A_344 : vector<16xf32>
        %mul3A_346 = arith.constant 128 : i32
        %mul3A_347 = arith.muli %add3A_271, %mul3A_346 : i32
        %add3A_348 = arith.constant 2048 : i32
        %add3A_349 = arith.addi %add3A_348, %mul3A_347 : i32
        %add3A_350 = arith.constant 48 : i32
        %add3A_351 = arith.addi %add3A_349, %add3A_350 : i32
        %add3A_352 = vector.broadcast %add3A_351 : i32 to vector<16xi32>
        %add3A_353 = arith.addi %add3A_352, %iota3A : vector<16xi32>
        %gather3A_354 = tpu.vector_load_idx %arg10[%add3A_353, %broadcast_in_dim3A_3] : memref<4096x8xf32, #tpu.memory_space<vmem>>[vector<16xi32>, vector<16xi32>], vector<16xf32>,
        %gather3A_355 = tpu.vector_load_idx %arg10[%add3A_353, %broadcast_in_dim3A_5] : memref<4096x8xf32, #tpu.memory_space<vmem>>[vector<16xi32>, vector<16xi32>], vector<16xf32>,
        %add3A_356 = arith.constant 16 : i32
        %add3A_357 = arith.addi %add3A_356, %add3A_271 : i32
        %mul3A_358 = arith.constant 128 : i32
        %mul3A_359 = arith.muli %add3A_357, %mul3A_358 : i32
        %add3A_360 = arith.constant 48 : i32
        %add3A_361 = arith.addi %mul3A_359, %add3A_360 : i32
        %get3A_362 = arith.index_cast %add3A_361 : i32 to index
        %get3A_363 = tpu.vector_load %arg9[%get3A_362] {strides = array<i32>} : memref<4096xf32, #tpu.memory_space<vmem>>, vector<16xf32>,
        %mul3A_364 = arith.mulf %gather3A_354, %get3A_363 : vector<16xf32>
        %add3A_365 = arith.addf %add3A_343, %mul3A_364 : vector<16xf32>
        %mul3A_366 = arith.mulf %gather3A_355, %get3A_363 : vector<16xf32>
        %add3A_367 = arith.addf %add3A_345, %mul3A_366 : vector<16xf32>
        %mul3A_368 = arith.constant 128 : i32
        %mul3A_369 = arith.muli %add3A_271, %mul3A_368 : i32
        %add3A_370 = arith.constant 2048 : i32
        %add3A_371 = arith.addi %add3A_370, %mul3A_369 : i32
        %add3A_372 = arith.constant 64 : i32
        %add3A_373 = arith.addi %add3A_371, %add3A_372 : i32
        %add3A_374 = vector.broadcast %add3A_373 : i32 to vector<16xi32>
        %add3A_375 = arith.addi %add3A_374, %iota3A : vector<16xi32>
        %gather3A_376 = tpu.vector_load_idx %arg10[%add3A_375, %broadcast_in_dim3A_3] : memref<4096x8xf32, #tpu.memory_space<vmem>>[vector<16xi32>, vector<16xi32>], vector<16xf32>,
        %gather3A_377 = tpu.vector_load_idx %arg10[%add3A_375, %broadcast_in_dim3A_5] : memref<4096x8xf32, #tpu.memory_space<vmem>>[vector<16xi32>, vector<16xi32>], vector<16xf32>,
        %add3A_378 = arith.constant 16 : i32
        %add3A_379 = arith.addi %add3A_378, %add3A_271 : i32
        %mul3A_380 = arith.constant 128 : i32
        %mul3A_381 = arith.muli %add3A_379, %mul3A_380 : i32
        %add3A_382 = arith.constant 64 : i32
        %add3A_383 = arith.addi %mul3A_381, %add3A_382 : i32
        %get3A_384 = arith.index_cast %add3A_383 : i32 to index
        %get3A_385 = tpu.vector_load %arg9[%get3A_384] {strides = array<i32>} : memref<4096xf32, #tpu.memory_space<vmem>>, vector<16xf32>,
        %mul3A_386 = arith.mulf %gather3A_376, %get3A_385 : vector<16xf32>
        %add3A_387 = arith.addf %add3A_365, %mul3A_386 : vector<16xf32>
        %mul3A_388 = arith.mulf %gather3A_377, %get3A_385 : vector<16xf32>
        %add3A_389 = arith.addf %add3A_367, %mul3A_388 : vector<16xf32>
        %mul3A_390 = arith.constant 128 : i32
        %mul3A_391 = arith.muli %add3A_271, %mul3A_390 : i32
        %add3A_392 = arith.constant 2048 : i32
        %add3A_393 = arith.addi %add3A_392, %mul3A_391 : i32
        %add3A_394 = arith.constant 80 : i32
        %add3A_395 = arith.addi %add3A_393, %add3A_394 : i32
        %add3A_396 = vector.broadcast %add3A_395 : i32 to vector<16xi32>
        %add3A_397 = arith.addi %add3A_396, %iota3A : vector<16xi32>
        %gather3A_398 = tpu.vector_load_idx %arg10[%add3A_397, %broadcast_in_dim3A_3] : memref<4096x8xf32, #tpu.memory_space<vmem>>[vector<16xi32>, vector<16xi32>], vector<16xf32>,
        %gather3A_399 = tpu.vector_load_idx %arg10[%add3A_397, %broadcast_in_dim3A_5] : memref<4096x8xf32, #tpu.memory_space<vmem>>[vector<16xi32>, vector<16xi32>], vector<16xf32>,
        %add3A_400 = arith.constant 16 : i32
        %add3A_401 = arith.addi %add3A_400, %add3A_271 : i32
        %mul3A_402 = arith.constant 128 : i32
        %mul3A_403 = arith.muli %add3A_401, %mul3A_402 : i32
        %add3A_404 = arith.constant 80 : i32
        %add3A_405 = arith.addi %mul3A_403, %add3A_404 : i32
        %get3A_406 = arith.index_cast %add3A_405 : i32 to index
        %get3A_407 = tpu.vector_load %arg9[%get3A_406] {strides = array<i32>} : memref<4096xf32, #tpu.memory_space<vmem>>, vector<16xf32>,
        %mul3A_408 = arith.mulf %gather3A_398, %get3A_407 : vector<16xf32>
        %add3A_409 = arith.addf %add3A_387, %mul3A_408 : vector<16xf32>
        %mul3A_410 = arith.mulf %gather3A_399, %get3A_407 : vector<16xf32>
        %add3A_411 = arith.addf %add3A_389, %mul3A_410 : vector<16xf32>
        %mul3A_412 = arith.constant 128 : i32
        %mul3A_413 = arith.muli %add3A_271, %mul3A_412 : i32
        %add3A_414 = arith.constant 2048 : i32
        %add3A_415 = arith.addi %add3A_414, %mul3A_413 : i32
        %add3A_416 = arith.constant 96 : i32
        %add3A_417 = arith.addi %add3A_415, %add3A_416 : i32
        %add3A_418 = vector.broadcast %add3A_417 : i32 to vector<16xi32>
        %add3A_419 = arith.addi %add3A_418, %iota3A : vector<16xi32>
        %gather3A_420 = tpu.vector_load_idx %arg10[%add3A_419, %broadcast_in_dim3A_3] : memref<4096x8xf32, #tpu.memory_space<vmem>>[vector<16xi32>, vector<16xi32>], vector<16xf32>,
        %gather3A_421 = tpu.vector_load_idx %arg10[%add3A_419, %broadcast_in_dim3A_5] : memref<4096x8xf32, #tpu.memory_space<vmem>>[vector<16xi32>, vector<16xi32>], vector<16xf32>,
        %add3A_422 = arith.constant 16 : i32
        %add3A_423 = arith.addi %add3A_422, %add3A_271 : i32
        %mul3A_424 = arith.constant 128 : i32
        %mul3A_425 = arith.muli %add3A_423, %mul3A_424 : i32
        %add3A_426 = arith.constant 96 : i32
        %add3A_427 = arith.addi %mul3A_425, %add3A_426 : i32
        %get3A_428 = arith.index_cast %add3A_427 : i32 to index
        %get3A_429 = tpu.vector_load %arg9[%get3A_428] {strides = array<i32>} : memref<4096xf32, #tpu.memory_space<vmem>>, vector<16xf32>,
        %mul3A_430 = arith.mulf %gather3A_420, %get3A_429 : vector<16xf32>
        %add3A_431 = arith.addf %add3A_409, %mul3A_430 : vector<16xf32>
        %mul3A_432 = arith.mulf %gather3A_421, %get3A_429 : vector<16xf32>
        %add3A_433 = arith.addf %add3A_411, %mul3A_432 : vector<16xf32>
        %mul3A_434 = arith.constant 128 : i32
        %mul3A_435 = arith.muli %add3A_271, %mul3A_434 : i32
        %add3A_436 = arith.constant 2048 : i32
        %add3A_437 = arith.addi %add3A_436, %mul3A_435 : i32
        %add3A_438 = arith.constant 112 : i32
        %add3A_439 = arith.addi %add3A_437, %add3A_438 : i32
        %add3A_440 = vector.broadcast %add3A_439 : i32 to vector<16xi32>
        %add3A_441 = arith.addi %add3A_440, %iota3A : vector<16xi32>
        %gather3A_442 = tpu.vector_load_idx %arg10[%add3A_441, %broadcast_in_dim3A_3] : memref<4096x8xf32, #tpu.memory_space<vmem>>[vector<16xi32>, vector<16xi32>], vector<16xf32>,
        %gather3A_443 = tpu.vector_load_idx %arg10[%add3A_441, %broadcast_in_dim3A_5] : memref<4096x8xf32, #tpu.memory_space<vmem>>[vector<16xi32>, vector<16xi32>], vector<16xf32>,
        %add3A_444 = arith.constant 16 : i32
        %add3A_445 = arith.addi %add3A_444, %add3A_271 : i32
        %mul3A_446 = arith.constant 128 : i32
        %mul3A_447 = arith.muli %add3A_445, %mul3A_446 : i32
        %add3A_448 = arith.constant 112 : i32
        %add3A_449 = arith.addi %mul3A_447, %add3A_448 : i32
        %get3A_450 = arith.index_cast %add3A_449 : i32 to index
        %get3A_451 = tpu.vector_load %arg9[%get3A_450] {strides = array<i32>} : memref<4096xf32, #tpu.memory_space<vmem>>, vector<16xf32>,
        %mul3A_452 = arith.mulf %gather3A_442, %get3A_451 : vector<16xf32>
        %add3A_453 = arith.addf %add3A_431, %mul3A_452 : vector<16xf32>
        %mul3A_454 = arith.mulf %gather3A_443, %get3A_451 : vector<16xf32>
        %add3A_455 = arith.addf %add3A_433, %mul3A_454 : vector<16xf32>
        tpu.vector_store_idx %arg11[%add3A_275, %broadcast_in_dim3A_70, %broadcast_in_dim3A_3], %add3A_453 : memref<256x16x2xf32, #tpu.memory_space<vmem>>[vector<16xi32>, vector<16xi32>, vector<16xi32>], vector<16xf32>,
        tpu.vector_store_idx %arg11[%add3A_275, %broadcast_in_dim3A_70, %broadcast_in_dim3A_5], %add3A_455 : memref<256x16x2xf32, #tpu.memory_space<vmem>>[vector<16xi32>, vector<16xi32>, vector<16xi32>], vector<16xf32>,
        %scan3A_456 = arith.constant 0 : i32
        scf.yield %scan3A_456 : i32
      }
      %scan3A_77 = arith.constant 8 : i32
      "tpu.region"() ({
        %run_scoped3A_79 = tpu.sem_alloc : memref<!tpu.dma_semaphore, #tpu.memory_space<semaphore_mem>>
        %dma_start3A = arith.constant 0 : i32
        %dma_start3A_80 = arith.constant 0 : i32
        %dma_start3A_81 = tpu.memref_slice %arg6[%add3A_18, %dma_start3A, %dma_start3A_80] : memref<262144x16x2xf32, #tpu.memory_space<hbm>> -> memref<256x16x2xf32, #tpu.memory_space<hbm>>
        %dma_start3A_82 = arith.constant 0 : i32
        %dma_start3A_83 = arith.constant 0 : i32
        %dma_start3A_84 = tpu.memref_slice %arg6[%add3A_18, %dma_start3A_82, %dma_start3A_83] : memref<262144x16x2xf32, #tpu.memory_space<hbm>> -> memref<256x16x2xf32, #tpu.memory_space<hbm>>
        tpu.enqueue_dma source(%arg11 : memref<256x16x2xf32, #tpu.memory_space<vmem>>) target(%dma_start3A_84 : memref<256x16x2xf32, #tpu.memory_space<hbm>>) target_semaphore(%run_scoped3A_79 : memref<!tpu.dma_semaphore, #tpu.memory_space<semaphore_mem>>)
        %dma_wait3A_85 = arith.constant 0 : i32
        %dma_wait3A_86 = arith.constant 0 : i32
        %dma_wait3A_87 = tpu.memref_slice %arg6[%add3A_18, %dma_wait3A_85, %dma_wait3A_86] : memref<262144x16x2xf32, #tpu.memory_space<hbm>> -> memref<256x16x2xf32, #tpu.memory_space<hbm>>
        %dma_wait3A_88 = arith.constant 0 : i32
        %dma_wait3A_89 = arith.constant 0 : i32
        %dma_wait3A_90 = tpu.memref_slice %arg6[%add3A_18, %dma_wait3A_88, %dma_wait3A_89] : memref<262144x16x2xf32, #tpu.memory_space<hbm>> -> memref<256x16x2xf32, #tpu.memory_space<hbm>>
        tpu.wait_dma2 semaphore(%run_scoped3A_79 : memref<!tpu.dma_semaphore, #tpu.memory_space<semaphore_mem>>) src(%arg11 : memref<256x16x2xf32, #tpu.memory_space<vmem>>) dst(%dma_wait3A_90 : memref<256x16x2xf32, #tpu.memory_space<hbm>>)
        tpu.yield
      }) : () -> ()
      %scan3A_78 = arith.constant 0 : i32
      scf.yield %scan3A_78 : i32
    }
    %scan3A_13 = arith.constant 32 : i32
    return
  }
}

</mosaic_0001>

<sc_bundles>
// kernel: kernel.3.cloned.1.call-start
scs
__scs_entry_jumppad:
0x0: {  	(pc) =	sbr.rel $0x88, $3  }
0x1: {  	(tag) =	ssettag $0x0;
	lr =	simm.s32 $0x1  }
0x2: {  	[smem:$0x3F90] =	sst lr;
	_ =	strace $0xD0000000  }
0x3: {  	_ = 	snop  }
0x4: {  	_ = 	snop  }
0x5: {  	_ = 	snop  }
0x6: {  	_ = 	snop  }
0x7: {  	_ = 	snop  }
__scs_overlays_trampoline_lowered:
0x8: {  	[smem:$0x3F9F] =	sst s0  }
0x9: {  	[smem:$0x3FA0] =	sst s1  }
0xa: {  	[smem:$0x3FA1] =	sst s2  }
0xb: {  	[smem:$0x3FA2] =	sst s3  }
0xc: {  	[smem:$0x3FA3] =	sst s4  }
0xd: {  	[smem:$0x3FA4] =	sst s5  }
0xe: {  	[smem:$0x3FA5] =	sst s6  }
0xf: {  	[smem:$0x3FA6] =	sst s7  }
0x10: {  	[smem:$0x3FA7] =	sst s8  }
0x11: {  	[smem:$0x3FA8] =	sst s9;
	s0 =	simm.s32 @!p0 $0x0  }
0x12: {  	s1 =	sld [smem:$0x3F8E];
	s0 =	simm.s32 @p0 $0x1  }
0x13: {  	[smem:$0x3FA9] =	sst s0;
	s0 =	simm.s32 @!p1 $0x0  }
0x14: {  	s2 =	sld [smem:$0x3F8D];
	s0 =	simm.s32 @p1 $0x1  }
0x15: {  	[smem:$0x3FAA] =	sst s0;
	s0 =	simm.s32 @!p2 $0x0  }
0x16: {  	s3 =	sld [smem:$0x3FDB];
	s0 =	simm.s32 @p2 $0x1  }
0x17: {  	s4 =	simm.s32 $0x1BF5;
	[smem:$0x3FAC] =	sst s0  }
0x18: {  	s0 =	sld [smem:$0x3F8F];
	_ =	swait.ge [sflag:s4], $0x0  }
0x19: {  	s7 =	sld [smem:$0x3F90]  }
0x1a: {  	s8 =	sadd.s32 $0xFFFFE003, lr  }
0x1b: {  	s9 =	sadd.s32 $0xFFFFFEF7, lr;
	s5 =	simm.s32 $0xFFFFFFFF;
	p2 =	slt.u32 s8, $0xFFFFF086  }
0x1c: {  	p1 =	slt.u32 s9, $0xF7A;
	s5 =	simm.s32 @!p2 $0x0  }
0x1d: {  	s5 =	simm.s32 @p1 $0x1;
	p0 =	seq.s32 s7, s2  }
0x1e: {  	s7 =	smul.u32 @!p0 $0xF7A, s2;
	p2 =	seq.s32 @!p0 s5, $0x0  }
0x1f: {  	s9 =	smul.u32 $0xF7A, s1;
	s8 =	simm.s32 @!p0 $0x1BF5;
	p2 =	por !p2, p0  }
0x20: {  	[sflag:s8] =	ssyncset.s32 @!p0 $0xFFFFF086;
	s6 =	sadd.s32 @!p0 s3, s7;
	s7 =	simm.s32 @!p0 $0x108  }
0x21: {  	s3 =	sadd.s32 s3, s9;
	s6 =	sadd.s32 @!p0 $0x88, s6;
	s7 =	simm.s32 @p2 $0x1082  }
0x22: {  	[simem:s7], [sflag:s8] =	dma.local @!p0 [hbm:s6], $0xF7A  }
0x23: {  	s9 =	sor.u32 $0xD0000000, s2;
	s6 =	simm.s32 $0x108;
	_ =	swait.ge @!p0 [sflag:s8], $0x0  }
0x24: {  	s3 =	sadd.s32 $0x88, s3;
	s6 =	simm.s32 @!p1 $0x1082;
	[sflag:s4] =	ssyncset.s32 $0xFFFFF086  }
0x25: {  	[simem:s6], [sflag:s4] =	dma.local [hbm:s3], $0xF7A  }
0x26: {  	[smem:$0x3F90] =	sst s1;
	(tag) =	ssettag s2;
	_ =	strace s9  }
0x27: {  	s1 =	sld [smem:$0x3FA0]  }
0x28: {  	s2 =	sld [smem:$0x3FA1]  }
0x29: {  	s4 =	sld [smem:$0x3FA3]  }
0x2a: {  	p0 =	seq.s32 s5, $0x0;
	s5 =	sld [smem:$0x3FA4]  }
0x2b: {  	s6 =	sld [smem:$0x3FA5]  }
0x2c: {  	s7 =	sld [smem:$0x3FA6]  }
0x2d: {  	s3 =	simm.s32 $0x108;
	s8 =	sld [smem:$0x3FA7]  }
0x2e: {  	s3 =	simm.s32 @!p0 $0x1082;
	s9 =	sld [smem:$0x3FA8]  }
0x2f: {  	lr =	sadd.s32 s0, s3;
	s0 =	sld [smem:$0x3F9F]  }
0x30: {  	s3 =	sld [smem:$0x3FA2]  }
0x31: {  	[smem:$0x3FAB] =	sst s10  }
0x32: {  	s10 =	sld [smem:$0x3FA9];
	_ =	sdelay $0x3  }
0x33: {  	p0 =	seq.s32 s10, $0x1;
	s10 =	sld [smem:$0x3FAB];
	_ =	sdelay $0x3  }
0x34: {  	[smem:$0x3FAB] =	sst s10  }
0x35: {  	s10 =	sld [smem:$0x3FAA];
	_ =	sdelay $0x3  }
0x36: {  	p1 =	seq.s32 s10, $0x1;
	s10 =	sld [smem:$0x3FAB];
	_ =	sdelay $0x3  }
0x37: {  	[smem:$0x3FAB] =	sst s10  }
0x38: {  	s10 =	sld [smem:$0x3FAC]  }
0x39: {  	_ = 	snop;
	(pc) =	sbr.ind lr, $3  }
0x3a: {  	_ = 	snop  }
0x3b: {  	_ = 	snop  }
0x3c: {  	p2 =	seq.s32 s10, $0x1;
	s10 =	sld [smem:$0x3FAB]  }
0x3d: {  	_ =	shalt  }
0x3e: {  	_ =	shalt  }
0x3f: {  	_ =	shalt  }
0x40: {  	_ =	shalt  }
0x41: {  	_ =	shalt  }
0x42: {  	_ =	shalt  }
0x43: {  	_ =	shalt  }
0x44: {  	_ =	shalt  }
0x45: {  	_ =	shalt  }
0x46: {  	_ =	shalt  }
0x47: {  	_ =	shalt  }
0x48: {  	_ =	shalt  }
0x49: {  	_ =	shalt  }
0x4a: {  	_ =	shalt  }
0x4b: {  	_ =	shalt  }
0x4c: {  	_ =	shalt  }
0x4d: {  	_ =	shalt  }
0x4e: {  	_ =	shalt  }
0x4f: {  	_ =	shalt  }
0x50: {  	_ =	shalt  }
0x51: {  	_ =	shalt  }
0x52: {  	_ =	shalt  }
0x53: {  	_ =	shalt  }
0x54: {  	_ =	shalt  }
0x55: {  	_ =	shalt  }
0x56: {  	_ =	shalt  }
0x57: {  	_ =	shalt  }
0x58: {  	_ =	shalt  }
0x59: {  	_ =	shalt  }
0x5a: {  	_ =	shalt  }
0x5b: {  	_ =	shalt  }
0x5c: {  	_ =	shalt  }
0x5d: {  	_ =	shalt  }
0x5e: {  	_ =	shalt  }
0x5f: {  	_ =	shalt  }
0x60: {  	_ =	shalt  }
0x61: {  	_ =	shalt  }
0x62: {  	_ =	shalt  }
0x63: {  	_ =	shalt  }
0x64: {  	_ =	shalt  }
0x65: {  	_ =	shalt  }
0x66: {  	_ =	shalt  }
0x67: {  	_ =	shalt  }
0x68: {  	_ =	shalt  }
0x69: {  	_ =	shalt  }
0x6a: {  	_ =	shalt  }
0x6b: {  	_ =	shalt  }
0x6c: {  	_ =	shalt  }
0x6d: {  	_ =	shalt  }
0x6e: {  	_ =	shalt  }
0x6f: {  	_ =	shalt  }
0x70: {  	_ =	shalt  }
0x71: {  	_ =	shalt  }
0x72: {  	_ =	shalt  }
0x73: {  	_ =	shalt  }
0x74: {  	_ =	shalt  }
0x75: {  	_ =	shalt  }
0x76: {  	_ =	shalt  }
0x77: {  	_ =	shalt  }
0x78: {  	_ =	shalt  }
0x79: {  	_ =	shalt  }
0x7a: {  	_ =	shalt  }
0x7b: {  	_ =	shalt  }
0x7c: {  	_ =	shalt  }
0x7d: {  	_ =	shalt  }
0x7e: {  	_ =	shalt  }
0x7f: {  	_ =	shalt  }
0x80: {  	_ =	shalt  }
0x81: {  	_ =	shalt  }
0x82: {  	_ =	shalt  }
0x83: {  	_ =	shalt  }
0x84: {  	_ =	shalt  }
0x85: {  	_ =	shalt  }
0x86: {  	_ =	shalt  }
0x87: {  	_ =	shalt  }
.Lfunc_end0:
.L_simem_size_0:
called_computation.2_lowered:
.L_overlay_start_0:
0x88: {  	s2 =	sld [smem:$0x3FD9]  }
0x89: {  	s3 =	sld [smem:$0x3FFE];
	_ =	sdelay $0x1  }
0x8a: {  	s1 =	srdreg.scid  }
0x8b: {  	s0 =	sand.u32 $0x1, s1  }
0x8c: {  	s17 =	sshll.u32 s0, $0xA;
	s2 =	sadd.s32 s3, s2  }
0x8d: {  	s2 =	sadd.s32 s2, s17  }
0x8e: {  	[smem:$0x3FB7] =	sst s2  }
0x8f: {  	_ = 	snop  }
0x90: {  	s2 =	sld [smem:$0x3FD0];
	(tm) =	ssettm $0x1  }
0x91: {  	s18 =	sld [smem:$0x3FFB];
	_ =	sdelay $0x3  }
0x92: {  	_ =	strace s18  }
0x93: {  	s3 =	sld [smem:$0x3FFC];
	_ =	sdelay $0x3  }
0x94: {  	_ =	strace s3  }
0x95: {  	s3 =	sld [smem:$0x3FFD];
	_ =	sdelay $0x3  }
0x96: {  	_ =	strace s3  }
0x97: {  	_ =	strace $0x8FFFFFFF  }
0x98: {  	s19 =	sld [smem:$0x3FDB];
	_ =	sdelay $0x1  }
0x99: {  	s4 =	simm.s32 $_scs_section_size  }
0x9a: {  	s5 =	simm.s32 $_size__tile_overlayer_lowered;
	s6 =	simm.s32 $_tile_overlayer_lowered  }
0x9b: {  	s22 =	simm.s32 $0x1BFF;
	s21 =	sshll.u32 s6, $0x1;
	s3 =	sadd.s32 s4, s19  }
0x9c: {  	s7 =	simm.s32 $0x0;
	s20 =	sshll.u32 s5, $0x1;
	s5 =	sadd.s32 s21, s3  }
0x9d: {  	[timem:s7], [sflag:s22] =	dma.local [hbm:s5], s20  }
0x9e: {  	_ =	swait.ge [sflag:s22], s20  }
0x9f: {  	s4 =	ssub.s32 $0x0, s20;
	[sflag:s22] =	ssyncset.done $0x0  }
0xa0: {  	[sflag:s22] =	ssyncadd.s32 s4;
	_ =	sdelay $0x1  }
0xa1: {  	s23 =	simm.s32 $0x1B8B  }
0xa2: {  	_ =	swait.ge [sflag:s23], $0x1  }
0xa3: {  	[sflag:s23] =	ssyncset.done $0x0  }
0xa4: {  	s25 =	simm.s32 $0x1B8E;
	s24 =	sld [smem:$0x3FFE];
	[sflag:s23] =	ssyncadd.s32 $0xFFFFFFFF  }
0xa5: {  	s26 =	simm.s32 $execute0_lowered;
	[smem:$0x3FD2] =	sst s25  }
0xa6: {  	s5 =	sshll.u32 s26, $0x1;
	_ =	strace $0x80000049;
	[dreg:$0x1] =	wrdreg $0xFFFFFFFF  }
0xa7: {  	s28 =	simm.s32 $_size_execute0_lowered;
	s3 =	sadd.s32 s3, s5;
	[dreg:$0x0] =	wrdreg $0x0  }
0xa8: {  	s5 =	sshll.u32 s28, $0x1;
	[dreg:$0x2] =	wrdreg s3  }
0xa9: {  	[dreg:$0x3] =	wrdreg s5  }
0xaa: {  	[dreg:$0x4] =	wrdreg $0xC0  }
0xab: {  	_ =	task [dreg:s7], $0x5FFFF  }
0xac: {  	[dreg:$0x1] =	wrdreg $0xFFFFFFFF  }
0xad: {  	[dreg:$0x0] =	wrdreg $0x60  }
0xae: {  	[dreg:$0x2] =	wrdreg s2  }
0xaf: {  	[dreg:$0x3] =	wrdreg s24  }
0xb0: {  	[dreg:$0x4] =	wrdreg $0x9  }
0xb1: {  	_ =	task.clear_ibuf [dreg:s7], $0x5FFFF;
	_ =	strace $0x90000049  }
0xb2: {  	s29 =	simm.s32 $0x9;
	_ =	strace $0x8000004B  }
0xb3: {  	_ =	swait.ge [sflag:s29], $0x1  }
0xb4: {  	[sflag:s29] =	ssyncadd.s32 $0xFFFFFFFF  }
0xb5: {  	_ =	strace $0x9000004B  }
0xb6: {  	_ =	sfence  }
0xb7: {  	s30 =	sld [smem:$0x0];
	_ =	sdelay $0x2  }
0xb8: {  	s31 =	sshll.u32 s1, $0xD;
	s1 =	sshrl.u32 s1, $0x2  }
0xb9: {  	s3 =	sand.u32 $0x4000, s31;
	s1 =	sadd.s32 s1, s30  }
0xba: {  	s0 =	sor.u32 s3, s0;
	s1 =	sshll.u32 s1, $0x11  }
0xbb: {  	s0 =	sor.u32 s1, s0  }
0xbc: {  	s0 =	sadd.s32 $0x8F2B, s0  }
0xbd: {  	[sflag:s0] =	ssyncadd.remote.s32 $0x1  }
0xbe: {  	_ =	sfence.sel $0xFFFF  }
0xbf: {  	[dreg:$0x0] =	wrdreg $0xFFFFFFFF;
	(pc) =	sbr.abs _section_cstart, $3  }
0xc0: {  	[dreg:$0x1] =	wrdreg $0xFFFFFFFF  }
0xc1: {  	_ =	task.clear_ibuf [dreg:s7], $0x2FFFF;
	_ =	strace $0x9FFFFFFF  }
0xc2: {  	(tm) =	ssettm $0x7FFFFFFF  }
0xc3: {  	_ =	shalt  }
tec
execute0_lowered:
.L_overlay_start_1:
0x0: {  	(tag) =	ssettag $0x1  }
0x1: {  	s5 =	rddreg [dreg:$0x0]  }
0x2: {  	s0 =	rddreg [dreg:$0x1];
	s2 =	simm.s32 $0x0;
	s1 =	srdreg.scid  }
0x3: {  	s6 =	stileid.u32;
	s13 =	simm.s32 $0x3;
	s17 =	simm.s32 $0x80  }
0x4: {  	s19 =	simm.s32 $0x2300;
	s16 =	simm.s32 $0x880;
	s18 =	simm.s32 $0x4F00  }
0x5: {  	s20 =	simm.s32 $0x900;
	s21 =	simm.s32 $0x5300;
	s22 =	simm.s32 $0x980  }
0x6: {  	s23 =	simm.s32 $0x5700;
	s28 =	simm.s32 $0x5F00;
	s29 =	simm.s32 $0xA300  }
0x7: {  	s30 =	simm.s32 $0x2;
	[smem:$0x7FF] =	sst s2;
	s3 =	sadd.s32 $0x3A00, s0  }
0x8: {  	s1 =	sand.u32 $0x1, s1;
	s4 =	sadd.s32 $0x4FDC00, s0;
	s24 =	sadd.s32 $0x4FDA00, s0  }
0x9: {  	s7 =	sadd.s32 $0x4FDE00, s0;
	s31 =	sshll.u32 s6, $0xE;
	s9 =	sadd.s32 $0x8000, s5  }
0xa: {  	_ =	strace $0x8000004A;
	[dreg:$0x3] =	wrdreg s4;
	s25 =	ssub.s32 $0x2, s1  }
0xb: {  	s10 =	sadd.s32 $0x10000, s5;
	[dreg:$0x4] =	wrdreg s24;
	s26 =	sshrl.u32 s25, $0x1  }
0xc: {  	s1 =	sshll.u32 s1, $0xD;
	s24 =	simm.s32 $0xA00;
	s0 =	ssub.s32 s25, s26  }
0xd: {  	s8 =	sor.u32 s1, s31;
	s1 =	simm.s32 $0x0;
	s0 =	smax.u32 s0, $0x1  }
0xe: {  	v0 =	vimm.s32 $0x0;
	v1 =	vlaneseq.u32;
	s25 =	simm.s32 $0x5B00;
	s26 =	simm.s32 $0xA80;
	[dreg:$0x5] =	wrdreg s0  }
.LBB2_1:
0xf: {  	[dreg:$0x6] =	wrdreg s1  }
0x10: {  	s0 =	rddreg [dreg:$0x3];
	s12 =	simm.s32 $0x12300  }
0x11: {  	[tilespmem:s12], [sflag:$0x3] =	stream.linear.gather [hbm4b:s0+s2], $0x100, $0x38;
	[tilespmem:$0x12800] =	vst v63  }
0x12: {  	_ =	swait.ge [sflag:s13], $0x100  }
0x13: {  	[sflag:s13] =	ssyncset.done $0x0  }
0x14: {  	s15 =	simm.s32 $0x12400;
	s14 =	rddreg [dreg:$0x4];
	[sflag:s13] =	ssyncadd.s32 $0xFFFFFF00  }
0x15: {  	[tilespmem:s15], [sflag:$0x3] =	stream.linear.gather [hbm4b:s14+s2], $0x400, $0x38;
	[tilespmem:$0x12800] =	vst v63  }
0x16: {  	_ =	swait.ge [sflag:s13], $0x400  }
0x17: {  	[sflag:s13] =	ssyncset.done $0x0  }
0x18: {  	s31 =	simm.s32 $0x0;
	[sflag:s13] =	ssyncadd.s32 $0xFFFFFC00  }
.LBB2_2:
0x19: {  	s0 =	sshll.u32 s31, $0x8  }
0x1a: {  	s0 =	sadd.s32 s8, s0  }
0x1b: {  	s4 =	rddreg [dreg:$0x0];
	s1 =	sshrl.u32 s0, $0x3  }
0x1c: {  	s5 =	sadd.s32 s4, s1;
	s4 =	simm.s32 $0x0  }
0x1d: {  	[tilespmem:s4], [sflag:$0x3] =	stream.linear.gather [hbm4b:s5+s4], $0x100, $0x38;
	[tilespmem:$0x12800] =	vst v63  }
0x1e: {  	_ =	swait.ge [sflag:s13], $0x100  }
0x1f: {  	[sflag:s13] =	ssyncset.done $0x0  }
0x20: {  	s6 =	simm.s32 $0x100;
	s14 =	sadd.s32 s1, s9;
	[sflag:s13] =	ssyncadd.s32 $0xFFFFFF00  }
0x21: {  	[tilespmem:s6], [sflag:$0x3] =	stream.linear.gather [hbm4b:s14+s4], $0x100, $0x38;
	[tilespmem:$0x12800] =	vst v63  }
0x22: {  	_ =	swait.ge [sflag:s13], $0x100  }
0x23: {  	[sflag:s13] =	ssyncset.done $0x0  }
0x24: {  	s15 =	simm.s32 $0x200;
	s1 =	sadd.s32 s1, s10;
	[sflag:s13] =	ssyncadd.s32 $0xFFFFFF00  }
0x25: {  	[tilespmem:s15], [sflag:$0x3] =	stream.linear.gather [hbm4b:s1+s4], $0x100, $0x38;
	[tilespmem:$0x12800] =	vst v63  }
0x26: {  	_ =	swait.ge [sflag:s13], $0x100  }
0x27: {  	[sflag:s13] =	ssyncset.done $0x0  }
0x28: {  	[sflag:s13] =	ssyncadd.s32 $0xFFFFFF00  }
0x29: {  	v2 =	vld [tilespmem:$0x12300]  }
0x2a: {  	v3 =	vld [tilespmem:$0x12400]  }
0x2b: {  	v4 =	vld [tilespmem:$0x12500]  }
0x2c: {  	v5 =	vld [tilespmem:$0x12600]  }
0x2d: {  	s5 =	simm.s32 $0x110;
	v6 =	vld [tilespmem:$0x12700]  }
.LBB2_3:
0x2e: {  	v7 =	vld [tilespmem:s5+$0xFFFFFEF0]  }
0x2f: {  	v8 =	vld [tilespmem:s5+$0xFFFFFFF0]  }
0x30: {  	v9 =	vld [tilespmem:s5+$0xF0];
	_ =	sdelay $0x3  }
0x31: {  	v7 =	vadd.f32 $1.000000000e+00, v7  }
0x32: {  	v8 =	vadd.f32 $1.000000000e+00, v8;
	v9 =	vadd.f32 $1.000000000e+00, v9  }
0x33: {  	v7 =	vmul.f32 v7, v2  }
0x34: {  	v8 =	vmul.f32 v8, v2;
	v9 =	vmul.f32 v9, v2  }
0x35: {  	v7 =	vadd.f32 $-5.000000000e-01, v7  }
0x36: {  	v8 =	vadd.f32 $-5.000000000e-01, v8;
	v9 =	vadd.f32 $-5.000000000e-01, v9  }
0x37: {  	v10 =	vtrunc.f32 v7  }
0x38: {  	v12 =	vtrunc.f32 v8;
	v56 =	vtrunc.f32 v9;
	vm0 =	vlt.f32 v7, v10  }
0x39: {  	v10 =	vcvt.f32.s32 v10;
	v13 =	vcvt.f32.s32 v12;
	vm7 =	vlt.f32 v8, v12  }
0x3a: {  	v15 =	vcvt.f32.s32 v56;
	vm8 =	vlt.f32 v9, v56;
	v11 =	vsel vm0, $0xFFFFFFFF, v0  }
0x3b: {  	v14 =	vsel vm7, $0xFFFFFFFF, v0;
	v12 =	vsel vm8, $0xFFFFFFFF, v0;
	v10 =	vadd.s32 v10, v11  }
0x3c: {  	v57 =	vadd.s32 v13, v14;
	v12 =	vadd.s32 v15, v12;
	v58 =	vcvt.s32.f32 v10  }
0x3d: {  	v14 =	vcvt.s32.f32 v57;
	v15 =	vcvt.s32.f32 v12;
	vm2 =	vgt.s32 v10, $0xFFFFFFFF  }
0x3e: {  	vm4 =	vlt.s32 v10, v3;
	vm3 =	vgt.s32 v57, $0xFFFFFFFF;
	vm5 =	vlt.s32 v57, v3  }
0x3f: {  	vm1 =	vgt.s32 v12, $0xFFFFFFFF;
	v59 =	vmul.u32 v4, v10;
	v60 =	vmul.u32 v5, v57  }
0x40: {  	vm9 =	vlt.s32 v12, v3;
	v10 =	vor.u32 v10, v57;
	v61 =	vadd.s32 $0x1, v12  }
0x41: {  	vm6 =	vgt.s32 v10, $0xFFFFFFFF;
	vm7 =	vmand vm2, vm5;
	vm3 =	vmand vm4, vm3  }
0x42: {  	vm10 =	vmand vm4, vm5;
	v10 =	vor.u32 v12, v10;
	v7 =	vsub.f32 v7, v58  }
0x43: {  	v8 =	vsub.f32 v8, v14;
	v9 =	vsub.f32 v9, v15;
	v18 =	vadd.s32 v4, v59  }
0x44: {  	v19 =	vadd.s32 v5, v60;
	v21 =	vadd.s32 v59, v60;
	vm11 =	vgt.s32 v10, $0xFFFFFFFF  }
0x45: {  	vm12 =	vmand vm6, vm9;
	v13 =	vsub.f32 $1.000000000e+00, v7;
	v16 =	vsub.f32 $1.000000000e+00, v8  }
0x46: {  	vm13 =	vmand vm7, vm1;
	vm15 =	vmand vm3, vm1;
	v14 =	vadd.s32 v59, v19  }
0x47: {  	v17 =	vsub.f32 $1.000000000e+00, v9;
	v20 =	vmul.f32 v16, v13;
	v13 =	vmul.f32 v8, v13  }
0x48: {  	v16 =	vmul.f32 v16, v7;
	v7 =	vmul.f32 v8, v7;
	v8 =	vadd.s32 v12, v21  }
0x49: {  	v62 =	vadd.s32 v18, v19;
	v21 =	vadd.s32 v61, v21;
	v8 =	vnsel vm11, $0x0, v8  }
0x4a: {  	s1 =	sshra.s32 s4, $0x2;
	v19 =	vnsel vm12, $0x0, v21;
	v63 =	vmul.f32 v17, v20;
	v8 =	vadd.s32 v6, v8  }
0x4b: {  	vm1 =	vmand vm10, vm1;
	v22 =	vadd.s32 v6, v19;
	v30 =	vmul.f32 v17, v7;
	[tilespmem:s1+$0x300] =	vst v8  }
0x4c: {  	v15 =	vadd.s32 v60, v18;
	v8 =	vmul.f32 v20, v9;
	[tilespmem:s1+$0x310] =	vst v22;
	v18 =	vnsel vm11, $0x0, v63  }
0x4d: {  	v23 =	vadd.s32 v12, v14;
	v31 =	vnsel vm1, $0x0, v30;
	[tilespmem:s1+$0x1300] =	vst v18  }
0x4e: {  	v19 =	vnsel vm13, $0x0, v23;
	v7 =	vmul.f32 v9, v7;
	v8 =	vnsel vm12, $0x0, v8;
	[tilespmem:s1+$0x1360] =	vst v31  }
0x4f: {  	vm0 =	vmand vm10, vm9;
	v24 =	vmul.f32 v17, v13;
	[tilespmem:s1+$0x1310] =	vst v8;
	v8 =	vadd.s32 v6, v19  }
0x50: {  	vm14 =	vmand vm7, vm9;
	v7 =	vnsel vm0, $0x0, v7;
	[tilespmem:s1+$0x320] =	vst v8;
	v8 =	vmul.f32 v9, v13  }
0x51: {  	v14 =	vadd.s32 v61, v14;
	v26 =	vadd.s32 v12, v15;
	v18 =	vnsel vm13, $0x0, v24;
	[tilespmem:s1+$0x1370] =	vst v7  }
0x52: {  	v25 =	vnsel vm14, $0x0, v14;
	v14 =	vnsel vm15, $0x0, v26;
	[tilespmem:s1+$0x1320] =	vst v18;
	v8 =	vnsel vm14, $0x0, v8  }
0x53: {  	v27 =	vmul.f32 v17, v16;
	[tilespmem:s1+$0x1330] =	vst v8;
	v8 =	vadd.s32 v6, v14  }
0x54: {  	v13 =	vadd.s32 v6, v25;
	[tilespmem:s1+$0x340] =	vst v8;
	v8 =	vmul.f32 v16, v9  }
0x55: {  	vm3 =	vmand vm3, vm9;
	v12 =	vadd.s32 v12, v62;
	[tilespmem:s1+$0x330] =	vst v13;
	v13 =	vnsel vm15, $0x0, v27  }
0x56: {  	v28 =	vadd.s32 v61, v15;
	v12 =	vnsel vm1, $0x0, v12;
	[tilespmem:s1+$0x1340] =	vst v13;
	v8 =	vnsel vm3, $0x0, v8  }
0x57: {  	v10 =	vadd.s32 v61, v62;
	v14 =	vnsel vm3, $0x0, v28;
	[tilespmem:s1+$0x1350] =	vst v8;
	v8 =	vadd.s32 v6, v12  }
0x58: {  	v29 =	vadd.s32 v6, v14;
	[tilespmem:s1+$0x360] =	vst v8;
	v8 =	vnsel vm0, $0x0, v10  }
0x59: {  	[tilespmem:s1+$0x350] =	vst v29;
	v8 =	vadd.s32 v6, v8  }
0x5a: {  	[tilespmem:s1+$0x370] =	vst v8  }
0x5b: {  	v7 =	vld [tilespmem:s5+$0xFFFFFF00]  }
0x5c: {  	v8 =	vld [tilespmem:s5+$0x0]  }
0x5d: {  	v32 =	vld [tilespmem:s5+$0x100];
	_ =	sdelay $0x3  }
0x5e: {  	v7 =	vadd.f32 $1.000000000e+00, v7  }
0x5f: {  	v8 =	vadd.f32 $1.000000000e+00, v8;
	v9 =	vadd.f32 $1.000000000e+00, v32  }
0x60: {  	v7 =	vmul.f32 v7, v2  }
0x61: {  	v8 =	vmul.f32 v8, v2;
	v9 =	vmul.f32 v9, v2  }
0x62: {  	v7 =	vadd.f32 $-5.000000000e-01, v7  }
0x63: {  	v8 =	vadd.f32 $-5.000000000e-01, v8;
	v9 =	vadd.f32 $-5.000000000e-01, v9  }
0x64: {  	v33 =	vtrunc.f32 v7  }
0x65: {  	v35 =	vtrunc.f32 v8;
	v37 =	vtrunc.f32 v9;
	vm8 =	vlt.f32 v7, v33  }
0x66: {  	v10 =	vcvt.f32.s32 v33;
	v36 =	vcvt.f32.s32 v35;
	vm9 =	vlt.f32 v8, v35  }
0x67: {  	v39 =	vcvt.f32.s32 v37;
	vm10 =	vlt.f32 v9, v37;
	v34 =	vsel vm8, $0xFFFFFFFF, v0  }
0x68: {  	v38 =	vsel vm9, $0xFFFFFFFF, v0;
	v12 =	vsel vm10, $0xFFFFFFFF, v0;
	v10 =	vadd.s32 v10, v34  }
0x69: {  	v40 =	vadd.s32 v36, v38;
	v12 =	vadd.s32 v39, v12;
	v41 =	vcvt.s32.f32 v10  }
0x6a: {  	v14 =	vcvt.s32.f32 v40;
	v15 =	vcvt.s32.f32 v12  }
0x6b: {  	vm11 =	vgt.s32 v10, $0xFFFFFFFF;
	vm12 =	vlt.s32 v10, v3;
	vm13 =	vgt.s32 v40, $0xFFFFFFFF  }
0x6c: {  	vm14 =	vlt.s32 v40, v3;
	vm1 =	vgt.s32 v12, $0xFFFFFFFF;
	v42 =	vmul.u32 v4, v10  }
0x6d: {  	v43 =	vmul.u32 v5, v40;
	vm0 =	vlt.s32 v12, v3;
	v10 =	vor.u32 v10, v40  }
0x6e: {  	v48 =	vadd.s32 $0x1, v12;
	vm15 =	vgt.s32 v10, $0xFFFFFFFF;
	vm9 =	vmand vm11, vm14  }
0x6f: {  	vm3 =	vmand vm12, vm13;
	vm10 =	vmand vm12, vm14;
	v7 =	vsub.f32 v7, v41  }
0x70: {  	v10 =	vor.u32 v12, v10;
	v8 =	vsub.f32 v8, v14;
	v9 =	vsub.f32 v9, v15  }
0x71: {  	v46 =	vadd.s32 v4, v42;
	v47 =	vadd.s32 v5, v43;
	v50 =	vadd.s32 v42, v43  }
0x72: {  	vm11 =	vgt.s32 v10, $0xFFFFFFFF;
	vm12 =	vmand vm15, vm0;
	vm13 =	vmand vm9, vm1  }
0x73: {  	vm14 =	vmand vm9, vm0;
	v13 =	vsub.f32 $1.000000000e+00, v7;
	v44 =	vsub.f32 $1.000000000e+00, v8  }
0x74: {  	vm15 =	vmand vm3, vm1;
	v53 =	vadd.s32 v48, v50;
	v45 =	vsub.f32 $1.000000000e+00, v9  }
0x75: {  	v19 =	vnsel vm12, $0x0, v53;
	v49 =	vmul.f32 v44, v13;
	v13 =	vmul.f32 v8, v13  }
0x76: {  	v16 =	vmul.f32 v44, v7;
	v7 =	vmul.f32 v8, v7;
	v8 =	vadd.s32 v12, v50  }
0x77: {  	v54 =	vadd.s32 v6, v19;
	v8 =	vnsel vm11, $0x0, v8;
	v52 =	vmul.f32 v45, v49  }
0x78: {  	vm1 =	vmand vm10, vm1;
	[tilespmem:s1+$0x390] =	vst v54;
	v8 =	vadd.s32 v6, v8;
	v62 =	vmul.f32 v45, v7  }
0x79: {  	v14 =	vadd.s32 v42, v47;
	[tilespmem:s1+$0x380] =	vst v8;
	v8 =	vmul.f32 v49, v9;
	v18 =	vnsel vm11, $0x0, v52  }
0x7a: {  	vm3 =	vmand vm3, vm0;
	v55 =	vadd.s32 v12, v14;
	v63 =	vnsel vm1, $0x0, v62;
	[tilespmem:s1+$0x1380] =	vst v18  }
0x7b: {  	v19 =	vnsel vm13, $0x0, v55;
	v7 =	vmul.f32 v9, v7;
	v8 =	vnsel vm12, $0x0, v8;
	[tilespmem:s1+$0x13E0] =	vst v63  }
0x7c: {  	vm0 =	vmand vm10, vm0;
	v56 =	vmul.f32 v45, v13;
	[tilespmem:s1+$0x1390] =	vst v8;
	v8 =	vadd.s32 v6, v19  }
0x7d: {  	v15 =	vadd.s32 v43, v46;
	v7 =	vnsel vm0, $0x0, v7;
	[tilespmem:s1+$0x3A0] =	vst v8;
	v8 =	vmul.f32 v9, v13  }
0x7e: {  	v14 =	vadd.s32 v48, v14;
	v58 =	vadd.s32 v12, v15;
	v18 =	vnsel vm13, $0x0, v56;
	[tilespmem:s1+$0x13F0] =	vst v7  }
0x7f: {  	v57 =	vnsel vm14, $0x0, v14;
	v14 =	vnsel vm15, $0x0, v58;
	[tilespmem:s1+$0x13A0] =	vst v18;
	v8 =	vnsel vm14, $0x0, v8  }
0x80: {  	v59 =	vmul.f32 v45, v16;
	[tilespmem:s1+$0x13B0] =	vst v8;
	v8 =	vadd.s32 v6, v14  }
0x81: {  	v51 =	vadd.s32 v46, v47;
	v13 =	vadd.s32 v6, v57;
	[tilespmem:s1+$0x3C0] =	vst v8;
	v8 =	vmul.f32 v16, v9  }
0x82: {  	p0 =	sne.s32 s4, $0x1C00;
	v12 =	vadd.s32 v12, v51;
	[tilespmem:s1+$0x3B0] =	vst v13;
	v13 =	vnsel vm15, $0x0, v59  }
.Ltmp0:
0x83: {  	v60 =	vadd.s32 v48, v15;
	v12 =	vnsel vm1, $0x0, v12;
	[tilespmem:s1+$0x13C0] =	vst v13;
	v8 =	vnsel vm3, $0x0, v8;
	(pc) =	sbr.rel @p0 .LBB2_3-.Ltmp0, $4  }
0x84: {  	v10 =	vadd.s32 v48, v51;
	v14 =	vnsel vm3, $0x0, v60;
	[tilespmem:s1+$0x13D0] =	vst v8;
	v8 =	vadd.s32 v6, v12  }
0x85: {  	v61 =	vadd.s32 v6, v14;
	[tilespmem:s1+$0x3E0] =	vst v8;
	v8 =	vnsel vm0, $0x0, v10  }
0x86: {  	[tilespmem:s1+$0x3D0] =	vst v61;
	v8 =	vadd.s32 v6, v8  }
0x87: {  	s4 =	sadd.s32 $0x400, s4;
	s5 =	sadd.s32 $0x20, s5;
	[tilespmem:s1+$0x3F0] =	vst v8  }
0x88: {  	s1 =	simm.s32 $0x300  }
0x89: {  	[tilespmem:s19], [sflag:$0x1] =	stream.indirect.gather [hbm4b:s3+s17], $0x8, s1, s17, $0xb8;
	[tilespmem:$0x12800] =	vst v63  }
0x8a: {  	s15 =	simm.s32 $0x380;
	s4 =	simm.s32 $0x2700  }
0x8b: {  	[tilespmem:s4], [sflag:$0x1] =	stream.indirect.gather [hbm4b:s3+s17], $0x8, s15, s17, $0xb8;
	[tilespmem:$0x12800] =	vst v63  }
0x8c: {  	s5 =	simm.s32 $0x400;
	s6 =	simm.s32 $0x2B00  }
0x8d: {  	[tilespmem:s6], [sflag:$0x1] =	stream.indirect.gather [hbm4b:s3+s17], $0x8, s5, s17, $0xb8;
	[tilespmem:$0x12800] =	vst v63  }
0x8e: {  	s11 =	simm.s32 $0x480;
	s12 =	simm.s32 $0x2F00  }
0x8f: {  	[tilespmem:s12], [sflag:$0x1] =	stream.indirect.gather [hbm4b:s3+s17], $0x8, s11, s17, $0xb8;
	[tilespmem:$0x12800] =	vst v63  }
0x90: {  	s14 =	simm.s32 $0x500;
	s15 =	simm.s32 $0x3300  }
0x91: {  	[tilespmem:s15], [sflag:$0x1] =	stream.indirect.gather [hbm4b:s3+s17], $0x8, s14, s17, $0xb8;
	[tilespmem:$0x12800] =	vst v63  }
0x92: {  	s5 =	simm.s32 $0x580;
	s6 =	simm.s32 $0x3700  }
0x93: {  	[tilespmem:s6], [sflag:$0x1] =	stream.indirect.gather [hbm4b:s3+s17], $0x8, s5, s17, $0xb8;
	[tilespmem:$0x12800] =	vst v63  }
0x94: {  	s11 =	simm.s32 $0x600;
	s12 =	simm.s32 $0x3B00  }
0x95: {  	[tilespmem:s12], [sflag:$0x1] =	stream.indirect.gather [hbm4b:s3+s17], $0x8, s11, s17, $0xb8;
	[tilespmem:$0x12800] =	vst v63  }
0x96: {  	s14 =	simm.s32 $0x680;
	s15 =	simm.s32 $0x3F00  }
0x97: {  	[tilespmem:s15], [sflag:$0x1] =	stream.indirect.gather [hbm4b:s3+s17], $0x8, s14, s17, $0xb8;
	[tilespmem:$0x12800] =	vst v63  }
0x98: {  	s5 =	simm.s32 $0x700;
	s6 =	simm.s32 $0x4300  }
0x99: {  	[tilespmem:s6], [sflag:$0x1] =	stream.indirect.gather [hbm4b:s3+s17], $0x8, s5, s17, $0xb8;
	[tilespmem:$0x12800] =	vst v63  }
0x9a: {  	s11 =	simm.s32 $0x780;
	s12 =	simm.s32 $0x4700  }
0x9b: {  	[tilespmem:s12], [sflag:$0x1] =	stream.indirect.gather [hbm4b:s3+s17], $0x8, s11, s17, $0xb8;
	[tilespmem:$0x12800] =	vst v63  }
0x9c: {  	s14 =	simm.s32 $0x800;
	s15 =	simm.s32 $0x4B00  }
0x9d: {  	[tilespmem:s15], [sflag:$0x1] =	stream.indirect.gather [hbm4b:s3+s17], $0x8, s14, s17, $0xb8;
	[tilespmem:$0x12800] =	vst v63  }
0x9e: {  	_ = 	snop  }
0x9f: {  	[tilespmem:s18], [sflag:$0x1] =	stream.indirect.gather [hbm4b:s3+s17], $0x8, s16, s17, $0xb8;
	[tilespmem:$0x12800] =	vst v63  }
0xa0: {  	_ = 	snop  }
0xa1: {  	[tilespmem:s21], [sflag:$0x1] =	stream.indirect.gather [hbm4b:s3+s17], $0x8, s20, s17, $0xb8;
	[tilespmem:$0x12800] =	vst v63  }
0xa2: {  	_ = 	snop  }
0xa3: {  	[tilespmem:s23], [sflag:$0x1] =	stream.indirect.gather [hbm4b:s3+s17], $0x8, s22, s17, $0xb8;
	[tilespmem:$0x12800] =	vst v63  }
0xa4: {  	_ = 	snop  }
0xa5: {  	[tilespmem:s25], [sflag:$0x1] =	stream.indirect.gather [hbm4b:s3+s17], $0x8, s24, s17, $0xb8;
	[tilespmem:$0x12800] =	vst v63  }
0xa6: {  	p0 =	por $0x1, $0x1;
	p1 =	por $0x0, $0x0;
	s4 =	simm.s32 $0x1  }
0xa7: {  	[tilespmem:s28], [sflag:$0x1] =	stream.indirect.gather [hbm4b:s3+s17], $0x8, s26, s17, $0xb8;
	[tilespmem:$0x12800] =	vst v63  }
.LBB2_5:
0xa8: {  	s6 =	sshll.u32 s4, $0x4  }
0xa9: {  	v2 =	vld [tilespmem:s6+$0x12300]  }
0xaa: {  	v3 =	vld [tilespmem:s6+$0x12400]  }
0xab: {  	s5 =	simm.s32 $0x1;
	v4 =	vld [tilespmem:s6+$0x12500]  }
0xac: {  	s1 =	simm.s32 $0x1;
	p2 =	slt.s32 s4, $0x8;
	s5 =	simm.s32 @!p0 $0x0;
	v5 =	vld [tilespmem:s6+$0x12600]  }
0xad: {  	s1 =	simm.s32 @!p1 $0x0;
	v6 =	vld [tilespmem:s6+$0x12700];
	s6 =	simm.s32 $0x0;
	s11 =	sshll.u32 s5, $0xB  }
0xae: {  	s12 =	sshll.u32 s1, $0xB;
	s15 =	sor.u32 $0x1300, s11;
	s1 =	sor.u32 $0x300, s11  }
0xaf: {  	s5 =	sand.u32 $0x1, s4;
	s14 =	sor.u32 $0x1380, s12;
	s11 =	simm.s32 $0x110;
	v7 =	vmov s1;
	v8 =	vmov s15  }
.LBB2_6:
0xb0: {  	v9 =	vld [tilespmem:s11+$0xFFFFFEF0]  }
0xb1: {  	v10 =	vld [tilespmem:s11+$0xFFFFFFF0]  }
0xb2: {  	v11 =	vld [tilespmem:s11+$0xF0];
	_ =	sdelay $0x3  }
0xb3: {  	v9 =	vadd.f32 $1.000000000e+00, v9;
	v10 =	vadd.f32 $1.000000000e+00, v10  }
0xb4: {  	v11 =	vadd.f32 $1.000000000e+00, v11  }
0xb5: {  	v9 =	vmul.f32 v9, v2;
	v10 =	vmul.f32 v10, v2  }
0xb6: {  	v11 =	vmul.f32 v11, v2  }
0xb7: {  	v9 =	vadd.f32 $-5.000000000e-01, v9;
	v10 =	vadd.f32 $-5.000000000e-01, v10  }
0xb8: {  	v11 =	vadd.f32 $-5.000000000e-01, v11  }
0xb9: {  	v12 =	vtrunc.f32 v9;
	v14 =	vtrunc.f32 v10  }
0xba: {  	v48 =	vtrunc.f32 v11;
	vm0 =	vlt.f32 v9, v12;
	v12 =	vcvt.f32.s32 v12  }
0xbb: {  	v15 =	vcvt.f32.s32 v14;
	vm9 =	vlt.f32 v10, v14;
	v17 =	vcvt.f32.s32 v48  }
0xbc: {  	vm10 =	vlt.f32 v11, v48;
	v13 =	vsel vm0, $0xFFFFFFFF, v0;
	v16 =	vsel vm9, $0xFFFFFFFF, v0  }
0xbd: {  	v14 =	vsel vm10, $0xFFFFFFFF, v0;
	v12 =	vadd.s32 v12, v13;
	v49 =	vadd.s32 v15, v16  }
0xbe: {  	v14 =	vadd.s32 v17, v14;
	v50 =	vcvt.s32.f32 v12;
	v16 =	vcvt.s32.f32 v49  }
0xbf: {  	v17 =	vcvt.s32.f32 v14;
	vm2 =	vgt.s32 v12, $0xFFFFFFFF;
	vm5 =	vlt.s32 v12, v3  }
0xc0: {  	vm3 =	vgt.s32 v49, $0xFFFFFFFF;
	vm6 =	vlt.s32 v49, v3;
	vm1 =	vgt.s32 v14, $0xFFFFFFFF  }
0xc1: {  	vm11 =	vlt.s32 v14, v3;
	v51 =	vmul.u32 v4, v12;
	v19 =	vmul.u32 v5, v49  }
0xc2: {  	v21 =	vmul.u32 $0x9E3779B1, v49;
	v22 =	vmul.u32 $0x30025795, v14;
	v13 =	vor.u32 v12, v49  }
0xc3: {  	v24 =	vadd.s32 $0x1, v14;
	v25 =	vadd.s32 $0x1, v12;
	vm7 =	vgt.s32 v13, $0xFFFFFFFF  }
0xc4: {  	vm4 =	vmand vm2, vm6;
	vm3 =	vmand vm5, vm3;
	vm12 =	vmand vm5, vm6  }
0xc5: {  	v13 =	vor.u32 v14, v13;
	v9 =	vsub.f32 v9, v50;
	v10 =	vsub.f32 v10, v16  }
0xc6: {  	v11 =	vsub.f32 v11, v17;
	v20 =	vadd.s32 v4, v51;
	v23 =	vadd.s32 v5, v19  }
0xc7: {  	v26 =	vadd.s32 $0x9E3779B1, v21;
	v27 =	vadd.s32 $0x30025795, v22;
	v29 =	vadd.s32 v51, v19  }
0xc8: {  	v30 =	vxor.u32 v12, v21;
	v21 =	vxor.u32 v25, v21;
	vm13 =	vgt.s32 v13, $0xFFFFFFFF  }
0xc9: {  	vm14 =	vmand vm7, vm11;
	vm15 =	vmand vm4, vm1;
	vm4 =	vmand vm4, vm11  }
0xca: {  	vm8 =	vmand vm3, vm1;
	v16 =	vadd.s32 v51, v23;
	v12 =	vxor.u32 v12, v26  }
0xcb: {  	v19 =	vadd.s32 v19, v20;
	v53 =	vxor.u32 v25, v26;
	v54 =	vxor.u32 v22, v30  }
0xcc: {  	v55 =	vadd.s32 v14, v29;
	v57 =	vxor.u32 v30, v27;
	v58 =	vadd.s32 v24, v29  }
0xcd: {  	v29 =	vxor.u32 v22, v21;
	v21 =	vxor.u32 v21, v27;
	v15 =	vsub.f32 $1.000000000e+00, v9  }
0xce: {  	v52 =	vsub.f32 $1.000000000e+00, v10;
	v18 =	vsub.f32 $1.000000000e+00, v11;
	v25 =	vand.u32 $0x7FFFF, v57  }
0xcf: {  	v60 =	vxor.u32 v22, v12;
	v61 =	vadd.s32 v14, v16;
	v12 =	vxor.u32 v27, v12  }
0xd0: {  	v16 =	vadd.s32 v24, v16;
	v30 =	vadd.s32 v14, v19;
	v32 =	vadd.s32 v24, v19  }
0xd1: {  	v33 =	vand.u32 $0x7FFFF, v21;
	v38 =	vxor.u32 v22, v53;
	v28 =	vmul.f32 v52, v15  }
0xd2: {  	v41 =	vxor.u32 v27, v53;
	v15 =	vmul.f32 v10, v15;
	v17 =	vmul.f32 v52, v9  }
0xd3: {  	v9 =	vmul.f32 v10, v9;
	v10 =	vadd.s32 v20, v23;
	v23 =	vand.u32 $0x7FFFF, v54  }
0xd4: {  	v25 =	vpsel p2, v58, v25;
	v12 =	vand.u32 $0x7FFFF, v12;
	v13 =	vpsel p2, v55, v23  }
0xd5: {  	v34 =	vpsel p2, v32, v33;
	v56 =	vmul.f32 v18, v28;
	v13 =	vnsel vm13, $0x0, v13  }
0xd6: {  	s1 =	sshra.s32 s6, $0x2;
	v25 =	vnsel vm14, $0x0, v25;
	v12 =	vpsel p2, v16, v12;
	v13 =	vadd.s32 v6, v13  }
0xd7: {  	v59 =	vmul.f32 v28, v11;
	v28 =	vand.u32 $0x7FFFF, v60;
	v23 =	vnsel vm13, $0x0, v56;
	[tilespmem:v7+s1+$0x0 ss:$0x1] =	vst.idx.msk $0xffff, v13  }
0xd8: {  	vm3 =	vmand vm3, vm11;
	v25 =	vadd.s32 v6, v25;
	v28 =	vpsel p2, v61, v28;
	[tilespmem:v8+s1+$0x0 ss:$0x1] =	vst.idx.msk $0xffff, v23  }
0xd9: {  	v62 =	vmul.f32 v18, v15;
	v26 =	vnsel vm14, $0x0, v59;
	v63 =	vnsel vm15, $0x0, v28;
	[tilespmem:v7+s1+$0x10 ss:$0x1] =	vst.idx.msk $0xffff, v25  }
0xda: {  	v12 =	vnsel vm4, $0x0, v12;
	v14 =	vadd.s32 v14, v10;
	v13 =	vadd.s32 v6, v63;
	[tilespmem:v8+s1+$0x10 ss:$0x1] =	vst.idx.msk $0xffff, v26  }
0xdb: {  	v15 =	vmul.f32 v11, v15;
	v28 =	vnsel vm15, $0x0, v62;
	v23 =	vand.u32 $0x7FFFF, v29;
	[tilespmem:v7+s1+$0x20 ss:$0x1] =	vst.idx.msk $0xffff, v13  }
0xdc: {  	vm1 =	vmand vm12, vm1;
	v12 =	vadd.s32 v6, v12;
	v13 =	vpsel p2, v30, v23;
	[tilespmem:v8+s1+$0x20 ss:$0x1] =	vst.idx.msk $0xffff, v28  }
0xdd: {  	v31 =	vmul.f32 v18, v17;
	v15 =	vnsel vm4, $0x0, v15;
	v13 =	vnsel vm8, $0x0, v13;
	[tilespmem:v7+s1+$0x30 ss:$0x1] =	vst.idx.msk $0xffff, v12  }
0xde: {  	v39 =	vand.u32 $0x7FFFF, v38;
	v10 =	vadd.s32 v24, v10;
	v13 =	vadd.s32 v6, v13;
	[tilespmem:v8+s1+$0x30 ss:$0x1] =	vst.idx.msk $0xffff, v15  }
0xdf: {  	v35 =	vmul.f32 v17, v11;
	v36 =	vnsel vm8, $0x0, v31;
	v12 =	vnsel vm3, $0x0, v34;
	[tilespmem:v7+s1+$0x40 ss:$0x1] =	vst.idx.msk $0xffff, v13  }
0xe0: {  	v43 =	vand.u32 $0x7FFFF, v41;
	v14 =	vpsel p2, v14, v39;
	v12 =	vadd.s32 v6, v12;
	[tilespmem:v8+s1+$0x40 ss:$0x1] =	vst.idx.msk $0xffff, v36  }
0xe1: {  	v40 =	vmul.f32 v18, v9;
	v42 =	vnsel vm1, $0x0, v14;
	v37 =	vnsel vm3, $0x0, v35;
	[tilespmem:v7+s1+$0x50 ss:$0x1] =	vst.idx.msk $0xffff, v12  }
0xe2: {  	vm0 =	vmand vm12, vm11;
	v10 =	vpsel p2, v10, v43;
	v12 =	vadd.s32 v6, v42;
	[tilespmem:v8+s1+$0x50 ss:$0x1] =	vst.idx.msk $0xffff, v37  }
0xe3: {  	v9 =	vmul.f32 v11, v9;
	v10 =	vnsel vm0, $0x0, v10;
	v44 =	vnsel vm1, $0x0, v40;
	[tilespmem:v7+s1+$0x60 ss:$0x1] =	vst.idx.msk $0xffff, v12  }
0xe4: {  	v10 =	vadd.s32 v6, v10;
	[tilespmem:v8+s1+$0x60 ss:$0x1] =	vst.idx.msk $0xffff, v44  }
0xe5: {  	v9 =	vnsel vm0, $0x0, v9;
	[tilespmem:v7+s1+$0x70 ss:$0x1] =	vst.idx.msk $0xffff, v10  }
0xe6: {  	[tilespmem:v8+s1+$0x70 ss:$0x1] =	vst.idx.msk $0xffff, v9  }
0xe7: {  	v9 =	vld [tilespmem:s11+$0xFFFFFF00]  }
0xe8: {  	v10 =	vld [tilespmem:s11+$0x0]  }
0xe9: {  	v11 =	vld [tilespmem:s11+$0x100];
	_ =	sdelay $0x3  }
0xea: {  	v9 =	vadd.f32 $1.000000000e+00, v9;
	v10 =	vadd.f32 $1.000000000e+00, v10  }
0xeb: {  	v11 =	vadd.f32 $1.000000000e+00, v11  }
0xec: {  	v9 =	vmul.f32 v9, v2;
	v10 =	vmul.f32 v10, v2  }
0xed: {  	v11 =	vmul.f32 v11, v2  }
0xee: {  	v9 =	vadd.f32 $-5.000000000e-01, v9;
	v10 =	vadd.f32 $-5.000000000e-01, v10  }
0xef: {  	v11 =	vadd.f32 $-5.000000000e-01, v11  }
0xf0: {  	v45 =	vtrunc.f32 v9;
	v47 =	vtrunc.f32 v10  }
0xf1: {  	v49 =	vtrunc.f32 v11;
	vm9 =	vlt.f32 v9, v45;
	v12 =	vcvt.f32.s32 v45  }
0xf2: {  	v48 =	vcvt.f32.s32 v47;
	vm10 =	vlt.f32 v10, v47;
	v51 =	vcvt.f32.s32 v49  }
0xf3: {  	vm11 =	vlt.f32 v11, v49;
	v46 =	vsel vm9, $0xFFFFFFFF, v0;
	v50 =	vsel vm10, $0xFFFFFFFF, v0  }
0xf4: {  	v14 =	vsel vm11, $0xFFFFFFFF, v0;
	v12 =	vadd.s32 v12, v46;
	v52 =	vadd.s32 v48, v50  }
0xf5: {  	v14 =	vadd.s32 v51, v14;
	v53 =	vcvt.s32.f32 v12;
	v16 =	vcvt.s32.f32 v52  }
0xf6: {  	v17 =	vcvt.s32.f32 v14;
	vm12 =	vgt.s32 v12, $0xFFFFFFFF;
	vm13 =	vlt.s32 v12, v3  }
0xf7: {  	vm14 =	vgt.s32 v52, $0xFFFFFFFF;
	vm15 =	vlt.s32 v52, v3;
	vm1 =	vgt.s32 v14, $0xFFFFFFFF  }
0xf8: {  	vm0 =	vlt.s32 v14, v3;
	v54 =	vmul.u32 v4, v12;
	v56 =	vmul.u32 v5, v52  }
0xf9: {  	v58 =	vmul.u32 $0x9E3779B1, v52;
	v59 =	vmul.u32 $0x30025795, v14;
	v13 =	vor.u32 v12, v52  }
0xfa: {  	v24 =	vadd.s32 $0x1, v14;
	v61 =	vadd.s32 $0x1, v12;
	vm9 =	vgt.s32 v13, $0xFFFFFFFF  }
0xfb: {  	vm10 =	vmand vm12, vm15;
	vm3 =	vmand vm13, vm14;
	vm11 =	vmand vm13, vm15  }
0xfc: {  	v13 =	vor.u32 v14, v13;
	v9 =	vsub.f32 v9, v53;
	v10 =	vsub.f32 v10, v16  }
0xfd: {  	v11 =	vsub.f32 v11, v17;
	v57 =	vadd.s32 v4, v54;
	v60 =	vadd.s32 v5, v56  }
0xfe: {  	v62 =	vadd.s32 $0x9E3779B1, v58;
	v63 =	vadd.s32 $0x30025795, v59;
	v34 =	vadd.s32 v54, v56  }
0xff: {  	v35 =	vxor.u32 v12, v58;
	v21 =	vxor.u32 v61, v58;
	vm12 =	vgt.s32 v13, $0xFFFFFFFF  }
0x100: {  	vm13 =	vmand vm9, vm0;
	vm14 =	vmand vm10, vm1;
	vm4 =	vmand vm10, vm0  }
0x101: {  	vm15 =	vmand vm3, vm1;
	v16 =	vadd.s32 v54, v60;
	v12 =	vxor.u32 v12, v62  }
0x102: {  	v19 =	vadd.s32 v56, v57;
	v36 =	vxor.u32 v61, v62;
	v37 =	vxor.u32 v59, v35  }
0x103: {  	v38 =	vadd.s32 v14, v34;
	v40 =	vxor.u32 v35, v63;
	v41 =	vadd.s32 v24, v34  }
0x104: {  	v48 =	vxor.u32 v59, v21;
	v21 =	vxor.u32 v21, v63;
	v15 =	vsub.f32 $1.000000000e+00, v9  }
0x105: {  	v55 =	vsub.f32 $1.000000000e+00, v10;
	v18 =	vsub.f32 $1.000000000e+00, v11;
	v23 =	vand.u32 $0x7FFFF, v37  }
0x106: {  	v25 =	vand.u32 $0x7FFFF, v40;
	v43 =	vxor.u32 v59, v12;
	v44 =	vadd.s32 v14, v16  }
0x107: {  	v12 =	vxor.u32 v63, v12;
	v16 =	vadd.s32 v24, v16;
	v49 =	vadd.s32 v14, v19  }
0x108: {  	v51 =	vadd.s32 v24, v19;
	v52 =	vand.u32 $0x7FFFF, v21;
	v13 =	vpsel p2, v38, v23  }
0x109: {  	v25 =	vpsel p2, v41, v25;
	v28 =	vand.u32 $0x7FFFF, v43;
	v12 =	vand.u32 $0x7FFFF, v12  }
0x10a: {  	v53 =	vpsel p2, v51, v52;
	v33 =	vmul.f32 v55, v15;
	v15 =	vmul.f32 v10, v15  }
0x10b: {  	v17 =	vmul.f32 v55, v9;
	v9 =	vmul.f32 v10, v9;
	v10 =	vadd.s32 v57, v60  }
0x10c: {  	v13 =	vnsel vm12, $0x0, v13;
	v25 =	vnsel vm13, $0x0, v25;
	v39 =	vmul.f32 v18, v33  }
0x10d: {  	v28 =	vpsel p2, v44, v28;
	v12 =	vpsel p2, v16, v12;
	v13 =	vadd.s32 v6, v13  }
0x10e: {  	v57 =	vxor.u32 v59, v36;
	v42 =	vmul.f32 v33, v11;
	[tilespmem:v7+s1+$0x80 ss:$0x1] =	vst.idx.msk $0xffff, v13;
	v23 =	vnsel vm12, $0x0, v39  }
0x10f: {  	vm3 =	vmand vm3, vm0;
	v60 =	vxor.u32 v63, v36;
	v25 =	vadd.s32 v6, v25;
	[tilespmem:v8+s1+$0x80 ss:$0x1] =	vst.idx.msk $0xffff, v23  }
0x110: {  	v46 =	vnsel vm14, $0x0, v28;
	v45 =	vmul.f32 v18, v15;
	v26 =	vnsel vm13, $0x0, v42;
	[tilespmem:v7+s1+$0x90 ss:$0x1] =	vst.idx.msk $0xffff, v25  }
0x111: {  	v12 =	vnsel vm4, $0x0, v12;
	v14 =	vadd.s32 v14, v10;
	v13 =	vadd.s32 v6, v46;
	[tilespmem:v8+s1+$0x90 ss:$0x1] =	vst.idx.msk $0xffff, v26  }
0x112: {  	v15 =	vmul.f32 v11, v15;
	v47 =	vnsel vm14, $0x0, v45;
	v23 =	vand.u32 $0x7FFFF, v48;
	[tilespmem:v7+s1+$0xA0 ss:$0x1] =	vst.idx.msk $0xffff, v13  }
0x113: {  	vm1 =	vmand vm11, vm1;
	v12 =	vadd.s32 v6, v12;
	v13 =	vpsel p2, v49, v23;
	[tilespmem:v8+s1+$0xA0 ss:$0x1] =	vst.idx.msk $0xffff, v47  }
0x114: {  	v50 =	vmul.f32 v18, v17;
	v15 =	vnsel vm4, $0x0, v15;
	v13 =	vnsel vm15, $0x0, v13;
	[tilespmem:v7+s1+$0xB0 ss:$0x1] =	vst.idx.msk $0xffff, v12  }
0x115: {  	v58 =	vand.u32 $0x7FFFF, v57;
	v10 =	vadd.s32 v24, v10;
	v13 =	vadd.s32 v6, v13;
	[tilespmem:v8+s1+$0xB0 ss:$0x1] =	vst.idx.msk $0xffff, v15  }
0x116: {  	v54 =	vmul.f32 v17, v11;
	v55 =	vnsel vm15, $0x0, v50;
	v12 =	vnsel vm3, $0x0, v53;
	[tilespmem:v7+s1+$0xC0 ss:$0x1] =	vst.idx.msk $0xffff, v13  }
0x117: {  	v62 =	vand.u32 $0x7FFFF, v60;
	v14 =	vpsel p2, v14, v58;
	v12 =	vadd.s32 v6, v12;
	[tilespmem:v8+s1+$0xC0 ss:$0x1] =	vst.idx.msk $0xffff, v55  }
0x118: {  	p3 =	seq.s32 s6, $0x1C00;
	v59 =	vmul.f32 v18, v9;
	v61 =	vnsel vm1, $0x0, v14;
	v56 =	vnsel vm3, $0x0, v54;
	[tilespmem:v7+s1+$0xD0 ss:$0x1] =	vst.idx.msk $0xffff, v12  }
.Ltmp1:
0x119: {  	vm0 =	vmand vm11, vm0;
	v10 =	vpsel p2, v10, v62;
	v12 =	vadd.s32 v6, v61;
	[tilespmem:v8+s1+$0xD0 ss:$0x1] =	vst.idx.msk $0xffff, v56;
	(pc) =	sbr.rel @!p3 .LBB2_6-.Ltmp1, $4  }
0x11a: {  	v9 =	vmul.f32 v11, v9;
	v10 =	vnsel vm0, $0x0, v10;
	v63 =	vnsel vm1, $0x0, v59;
	[tilespmem:v7+s1+$0xE0 ss:$0x1] =	vst.idx.msk $0xffff, v12  }
0x11b: {  	v10 =	vadd.s32 v6, v10;
	[tilespmem:v8+s1+$0xE0 ss:$0x1] =	vst.idx.msk $0xffff, v63  }
0x11c: {  	v9 =	vnsel vm0, $0x0, v9;
	[tilespmem:v7+s1+$0xF0 ss:$0x1] =	vst.idx.msk $0xffff, v10  }
0x11d: {  	s6 =	sadd.s32 $0x400, s6;
	s11 =	sadd.s32 $0x20, s11;
	[tilespmem:v8+s1+$0xF0 ss:$0x1] =	vst.idx.msk $0xffff, v9  }
0x11e: {  	s1 =	sshll.u32 s5, $0xE;
	s6 =	sshll.u32 s5, $0xB  }
0x11f: {  	s5 =	sadd.s32 $0x1, s5;
	s11 =	sor.u32 $0x2300, s1;
	s15 =	sor.u32 $0x300, s6  }
0x120: {  	[tilespmem:s11], [sflag:s5] =	stream.indirect.gather [hbm4b:s3+s17], $0x8, s15, s17, $0xb8;
	[tilespmem:$0x12800] =	vst v63  }
0x121: {  	s11 =	sor.u32 $0x2700, s1;
	s15 =	sor.u32 $0x380, s6  }
0x122: {  	[tilespmem:s11], [sflag:s5] =	stream.indirect.gather [hbm4b:s3+s17], $0x8, s15, s17, $0xb8;
	[tilespmem:$0x12800] =	vst v63  }
0x123: {  	s11 =	sor.u32 $0x2B00, s1;
	s15 =	sor.u32 $0x400, s6  }
0x124: {  	[tilespmem:s11], [sflag:s5] =	stream.indirect.gather [hbm4b:s3+s17], $0x8, s15, s17, $0xb8;
	[tilespmem:$0x12800] =	vst v63  }
0x125: {  	s11 =	sor.u32 $0x2F00, s1;
	s15 =	sor.u32 $0x480, s6  }
0x126: {  	[tilespmem:s11], [sflag:s5] =	stream.indirect.gather [hbm4b:s3+s17], $0x8, s15, s17, $0xb8;
	[tilespmem:$0x12800] =	vst v63  }
0x127: {  	s11 =	sor.u32 $0x3300, s1;
	s15 =	sor.u32 $0x500, s6  }
0x128: {  	[tilespmem:s11], [sflag:s5] =	stream.indirect.gather [hbm4b:s3+s17], $0x8, s15, s17, $0xb8;
	[tilespmem:$0x12800] =	vst v63  }
0x129: {  	s11 =	sor.u32 $0x3700, s1;
	s15 =	sor.u32 $0x580, s6  }
0x12a: {  	[tilespmem:s11], [sflag:s5] =	stream.indirect.gather [hbm4b:s3+s17], $0x8, s15, s17, $0xb8;
	[tilespmem:$0x12800] =	vst v63  }
0x12b: {  	s11 =	sor.u32 $0x3B00, s1;
	s15 =	sor.u32 $0x600, s6  }
0x12c: {  	[tilespmem:s11], [sflag:s5] =	stream.indirect.gather [hbm4b:s3+s17], $0x8, s15, s17, $0xb8;
	[tilespmem:$0x12800] =	vst v63  }
0x12d: {  	s11 =	sor.u32 $0x3F00, s1;
	s15 =	sor.u32 $0x680, s6  }
0x12e: {  	[tilespmem:s11], [sflag:s5] =	stream.indirect.gather [hbm4b:s3+s17], $0x8, s15, s17, $0xb8;
	[tilespmem:$0x12800] =	vst v63  }
0x12f: {  	s11 =	sadd.s32 $0x4300, s1;
	s15 =	sor.u32 $0x700, s6  }
0x130: {  	[tilespmem:s11], [sflag:s5] =	stream.indirect.gather [hbm4b:s3+s17], $0x8, s15, s17, $0xb8;
	[tilespmem:$0x12800] =	vst v63  }
0x131: {  	s11 =	sadd.s32 $0x4700, s1;
	s15 =	sor.u32 $0x780, s6  }
0x132: {  	[tilespmem:s11], [sflag:s5] =	stream.indirect.gather [hbm4b:s3+s17], $0x8, s15, s17, $0xb8;
	[tilespmem:$0x12800] =	vst v63  }
0x133: {  	s11 =	sadd.s32 $0x4B00, s1;
	s15 =	sadd.s32 $0x800, s6  }
0x134: {  	[tilespmem:s11], [sflag:s5] =	stream.indirect.gather [hbm4b:s3+s17], $0x8, s15, s17, $0xb8;
	[tilespmem:$0x12800] =	vst v63  }
0x135: {  	s11 =	sadd.s32 $0x4F00, s1;
	s15 =	sadd.s32 $0x880, s6  }
0x136: {  	[tilespmem:s11], [sflag:s5] =	stream.indirect.gather [hbm4b:s3+s17], $0x8, s15, s17, $0xb8;
	[tilespmem:$0x12800] =	vst v63  }
0x137: {  	s11 =	sadd.s32 $0x5300, s1;
	s15 =	sadd.s32 $0x900, s6  }
0x138: {  	[tilespmem:s11], [sflag:s5] =	stream.indirect.gather [hbm4b:s3+s17], $0x8, s15, s17, $0xb8;
	[tilespmem:$0x12800] =	vst v63  }
0x139: {  	s11 =	sadd.s32 $0x5700, s1;
	s15 =	sadd.s32 $0x980, s6  }
0x13a: {  	[tilespmem:s11], [sflag:s5] =	stream.indirect.gather [hbm4b:s3+s17], $0x8, s15, s17, $0xb8;
	[tilespmem:$0x12800] =	vst v63  }
0x13b: {  	s11 =	sadd.s32 $0x5B00, s1;
	s15 =	sadd.s32 $0xA00, s6  }
0x13c: {  	[tilespmem:s11], [sflag:s5] =	stream.indirect.gather [hbm4b:s3+s17], $0x8, s15, s17, $0xb8;
	[tilespmem:$0x12800] =	vst v63  }
0x13d: {  	s11 =	sadd.s32 $0xFFFFFFFF, s4  }
0x13e: {  	s1 =	sadd.s32 $0x5F00, s1;
	s6 =	sadd.s32 $0xA80, s6;
	s15 =	sand.u32 $0x1, s11  }
0x13f: {  	[tilespmem:s1], [sflag:s5] =	stream.indirect.gather [hbm4b:s3+s17], $0x8, s6, s17, $0xb8;
	[tilespmem:$0x12800] =	vst v63  }
0x140: {  	s5 =	sadd.s32 $0x1, s15  }
0x141: {  	_ =	swait.ge [sflag:s5], $0x4000  }
0x142: {  	s1 =	sshll.u32 s11, $0x3;
	[sflag:s5] =	ssyncset.done $0x0  }
0x143: {  	v4 =	vmov s1;
	s1 =	simm.s32 $0x0;
	[sflag:s5] =	ssyncadd.s32 $0xFFFFC000;
	s5 =	simm.s32 $0x0  }
.LBB2_8:
0x144: {  	s6 =	sadd.s32 s5, s12  }
0x145: {  	v2 =	vmul.u32 $0x8, v1;
	v3 =	vmov s6  }
0x146: {  	s11 =	sadd.s32 $0x10, s6;
	v3 =	vshll.u32 v3, $0x3  }
0x147: {  	v9 =	vld [tilespmem:s14+$0xFFFFFF80];
	v6 =	vmov s11;
	v3 =	vor.u32 v2, v3  }
0x148: {  	v12 =	vld [tilespmem:s14+$0xFFFFFF90];
	s15 =	sadd.s32 $0x20, s6;
	v6 =	vshll.u32 v6, $0x3;
	v5 =	vor.u32 $0x1, v3  }
0x149: {  	v15 =	vld [tilespmem:s14+$0xFFFFFFA0];
	v8 =	vmov s15;
	v6 =	vor.u32 v2, v6  }
0x14a: {  	v60 =	vld [tilespmem:s14+$0xFFFFFFB0];
	s15 =	sadd.s32 $0x30, s6;
	v8 =	vshll.u32 v8, $0x3;
	v7 =	vor.u32 $0x1, v6  }
0x14b: {  	v22 =	vld [tilespmem:s14+$0xFFFFFFD0];
	v11 =	vmov s15;
	v8 =	vor.u32 v2, v8  }
0x14c: {  	s15 =	sadd.s32 $0x40, s6;
	v11 =	vshll.u32 v11, $0x3;
	v10 =	vor.u32 $0x1, v8;
	v3 =	vld.idx.msk [tilespmem:v3+s19+$0x0], $0xffff  }
0x14d: {  	v14 =	vmov s15;
	v11 =	vor.u32 v2, v11;
	v5 =	vld.idx.msk [tilespmem:v5+s19+$0x0], $0xffff  }
0x14e: {  	v14 =	vshll.u32 v14, $0x3;
	v13 =	vor.u32 $0x1, v11;
	v6 =	vld.idx.msk [tilespmem:v6+s19+$0x0], $0xffff  }
0x14f: {  	s15 =	sadd.s32 $0x50, s6;
	v14 =	vor.u32 v2, v14;
	v7 =	vld.idx.msk [tilespmem:v7+s19+$0x0], $0xffff  }
0x150: {  	v17 =	vmov s15;
	v8 =	vld.idx.msk [tilespmem:v8+s19+$0x0], $0xffff  }
0x151: {  	v17 =	vshll.u32 v17, $0x3;
	v16 =	vor.u32 $0x1, v14;
	v10 =	vld.idx.msk [tilespmem:v10+s19+$0x0], $0xffff;
	v3 =	vmul.f32 v9, v3  }
0x152: {  	s15 =	sadd.s32 $0x60, s6;
	v17 =	vor.u32 v2, v17;
	v11 =	vld.idx.msk [tilespmem:v11+s19+$0x0], $0xffff;
	v5 =	vmul.f32 v9, v5  }
0x153: {  	v18 =	vmov s15;
	v13 =	vld.idx.msk [tilespmem:v13+s19+$0x0], $0xffff;
	v6 =	vmul.f32 v12, v6;
	v3 =	vadd.f32 $0.0e+00, v3  }
0x154: {  	s15 =	sadd.s32 $0x70, s6;
	v18 =	vshll.u32 v18, $0x3;
	v14 =	vld.idx.msk [tilespmem:v14+s19+$0x0], $0xffff;
	v7 =	vmul.f32 v12, v7;
	v5 =	vadd.f32 $0.0e+00, v5  }
0x155: {  	v21 =	vmov s15;
	v19 =	vor.u32 $0x1, v17;
	v3 =	vadd.f32 v6, v3;
	v6 =	vld [tilespmem:s14+$0xFFFFFFC0]  }
0x156: {  	v62 =	vor.u32 v2, v18;
	v61 =	vld.idx.msk [tilespmem:v16+s19+$0x0], $0xffff;
	v5 =	vadd.f32 v7, v5;
	v7 =	vmul.f32 v15, v8  }
0x157: {  	v18 =	vor.u32 $0x1, v62;
	v63 =	vld.idx.msk [tilespmem:v17+s19+$0x0], $0xffff;
	v17 =	vshll.u32 v21, $0x3;
	v10 =	vmul.f32 v15, v10  }
0x158: {  	v17 =	vor.u32 v2, v17;
	v3 =	vadd.f32 v7, v3;
	v7 =	vmul.f32 v60, v11  }
0x159: {  	v25 =	vld [tilespmem:s14+$0xFFFFFFE0];
	v9 =	vmul.f32 v60, v13;
	v5 =	vadd.f32 v10, v5  }
0x15a: {  	v23 =	vld.idx.msk [tilespmem:v19+s19+$0x0], $0xffff;
	v26 =	vor.u32 $0x1, v17;
	v3 =	vadd.f32 v7, v3;
	v7 =	vmul.f32 v6, v14  }
0x15b: {  	v24 =	vld.idx.msk [tilespmem:v62+s19+$0x0], $0xffff;
	v5 =	vadd.f32 v9, v5  }
0x15c: {  	v27 =	vld.idx.msk [tilespmem:v18+s19+$0x0], $0xffff;
	v6 =	vmul.f32 v6, v61;
	v3 =	vadd.f32 v7, v3;
	v7 =	vmul.f32 v22, v63  }
0x15d: {  	v28 =	vld.idx.msk [tilespmem:v17+s19+$0x0], $0xffff  }
0x15e: {  	v5 =	vadd.f32 v6, v5;
	v6 =	vadd.f32 v7, v3;
	v7 =	vld [tilespmem:s14+$0xFFFFFFF0]  }
0x15f: {  	v29 =	vmov s1;
	v14 =	vld.idx.msk [tilespmem:v26+s19+$0x0], $0xffff;
	v3 =	vmul.u32 $0x80, v1  }
0x160: {  	s15 =	sadd.s32 $0x80, s6;
	v12 =	vshll.u32 v29, $0x7;
	v11 =	vmul.f32 v22, v23;
	v10 =	vmul.f32 v25, v24  }
0x161: {  	v31 =	vmov s15;
	v8 =	vmul.f32 v25, v27;
	v30 =	vor.u32 v3, v12  }
0x162: {  	v5 =	vadd.f32 v11, v5;
	v6 =	vadd.f32 v10, v6;
	v10 =	vadd.s32 v4, v30  }
0x163: {  	v11 =	vshll.u32 v31, $0x3;
	v32 =	vor.u32 $0x1, v10;
	v9 =	vmul.f32 v7, v28  }
0x164: {  	v33 =	vor.u32 v2, v11;
	v5 =	vadd.f32 v8, v5;
	v7 =	vmul.f32 v7, v14  }
0x165: {  	v34 =	vor.u32 $0x1, v33;
	v6 =	vadd.f32 v9, v6  }
0x166: {  	v5 =	vadd.f32 v7, v5  }
0x167: {  	[tilespmem:v10+s29+$0x0] =	vst.idx.msk $0xffff, v6  }
0x168: {  	[tilespmem:v32+s29+$0x0] =	vst.idx.msk $0xffff, v5  }
0x169: {  	v8 =	vld.idx.msk [tilespmem:v33+s19+$0x0], $0xffff  }
0x16a: {  	v9 =	vld.idx.msk [tilespmem:v34+s19+$0x0], $0xffff  }
0x16b: {  	s15 =	sadd.s32 $0x90, s6;
	v10 =	vld [tilespmem:s14+$0x0]  }
0x16c: {  	v35 =	vmov s15;
	v38 =	vld [tilespmem:s14+$0x10]  }
0x16d: {  	s15 =	sadd.s32 $0xA0, s6;
	v7 =	vshll.u32 v35, $0x3;
	v41 =	vld [tilespmem:s14+$0x20]  }
0x16e: {  	v6 =	vor.u32 v2, v7;
	v7 =	vmov s15;
	v44 =	vld [tilespmem:s14+$0x30]  }
0x16f: {  	s15 =	sadd.s32 $0xB0, s6;
	v5 =	vor.u32 $0x1, v6;
	v7 =	vshll.u32 v7, $0x3;
	v45 =	vld [tilespmem:s14+$0x40]  }
0x170: {  	v37 =	vmov s15;
	v7 =	vor.u32 v2, v7;
	v48 =	vld [tilespmem:s14+$0x50]  }
0x171: {  	s15 =	sadd.s32 $0xC0, s6;
	v12 =	vshll.u32 v37, $0x3;
	v54 =	vld [tilespmem:s14+$0x60];
	v36 =	vor.u32 $0x1, v7  }
0x172: {  	v40 =	vmov s15;
	s15 =	sadd.s32 $0xD0, s6;
	v57 =	vld [tilespmem:s14+$0x70];
	v12 =	vor.u32 v2, v12  }
0x173: {  	v15 =	vshll.u32 v40, $0x3;
	v43 =	vmov s15;
	v39 =	vor.u32 $0x1, v12;
	v6 =	vld.idx.msk [tilespmem:v6+s19+$0x0], $0xffff  }
0x174: {  	s15 =	sadd.s32 $0xE0, s6;
	s6 =	sadd.s32 $0xF0, s6;
	v15 =	vor.u32 v2, v15;
	v18 =	vshll.u32 v43, $0x3;
	v5 =	vld.idx.msk [tilespmem:v5+s19+$0x0], $0xffff  }
0x175: {  	v21 =	vmov s15;
	v23 =	vmov s6;
	v42 =	vor.u32 $0x1, v15;
	v7 =	vld.idx.msk [tilespmem:v7+s19+$0x0], $0xffff  }
0x176: {  	v18 =	vor.u32 v2, v18;
	v21 =	vshll.u32 v21, $0x3;
	v8 =	vmul.f32 v10, v8;
	v11 =	vld.idx.msk [tilespmem:v36+s19+$0x0], $0xffff  }
0x177: {  	v23 =	vshll.u32 v23, $0x3;
	v20 =	vor.u32 $0x1, v18;
	v9 =	vmul.f32 v10, v9;
	v12 =	vld.idx.msk [tilespmem:v12+s19+$0x0], $0xffff  }
0x178: {  	v21 =	vor.u32 v2, v21;
	v14 =	vld.idx.msk [tilespmem:v39+s19+$0x0], $0xffff;
	v8 =	vadd.f32 $0.0e+00, v8;
	v6 =	vmul.f32 v38, v6  }
0x179: {  	v22 =	vor.u32 $0x1, v21;
	v15 =	vld.idx.msk [tilespmem:v15+s19+$0x0], $0xffff;
	v9 =	vadd.f32 $0.0e+00, v9;
	v5 =	vmul.f32 v38, v5  }
0x17a: {  	v47 =	vor.u32 v2, v23;
	v17 =	vld.idx.msk [tilespmem:v42+s19+$0x0], $0xffff;
	v6 =	vadd.f32 v6, v8;
	v7 =	vmul.f32 v41, v7  }
0x17b: {  	v51 =	vor.u32 $0x1, v47;
	v18 =	vld.idx.msk [tilespmem:v18+s19+$0x0], $0xffff;
	v5 =	vadd.f32 v5, v9;
	v49 =	vmul.f32 v41, v11  }
0x17c: {  	v46 =	vld.idx.msk [tilespmem:v20+s19+$0x0], $0xffff;
	v6 =	vadd.f32 v7, v6;
	v7 =	vmul.f32 v44, v12  }
0x17d: {  	v50 =	vld.idx.msk [tilespmem:v21+s19+$0x0], $0xffff;
	v53 =	vmul.f32 v44, v14;
	v5 =	vadd.f32 v49, v5  }
0x17e: {  	v52 =	vld.idx.msk [tilespmem:v22+s19+$0x0], $0xffff;
	v6 =	vadd.f32 v7, v6;
	v7 =	vmul.f32 v45, v15  }
0x17f: {  	s15 =	sadd.s32 $0x10, s1;
	v55 =	vld.idx.msk [tilespmem:v47+s19+$0x0], $0xffff;
	v56 =	vmul.f32 v45, v17;
	v5 =	vadd.f32 v53, v5  }
0x180: {  	v16 =	vld.idx.msk [tilespmem:v51+s19+$0x0], $0xffff;
	v58 =	vmul.f32 v48, v18;
	v6 =	vadd.f32 v7, v6;
	v7 =	vmov s15  }
0x181: {  	v8 =	vmul.f32 v48, v46;
	v5 =	vadd.f32 v56, v5;
	v7 =	vshll.u32 v7, $0x7  }
0x182: {  	v59 =	vmul.f32 v54, v50;
	v6 =	vadd.f32 v58, v6;
	v7 =	vor.u32 v3, v7  }
0x183: {  	v60 =	vmul.f32 v54, v52;
	v5 =	vadd.f32 v8, v5;
	v7 =	vadd.s32 v4, v7  }
0x184: {  	p2 =	sne.s32 s5, $0x700;
	v61 =	vmul.f32 v57, v55;
	v6 =	vadd.f32 v59, v6;
	v62 =	vor.u32 $0x1, v7  }
.Ltmp2:
0x185: {  	v63 =	vmul.f32 v57, v16;
	v5 =	vadd.f32 v60, v5;
	(pc) =	sbr.rel @p2 .LBB2_8-.Ltmp2, $4  }
0x186: {  	v6 =	vadd.f32 v61, v6  }
0x187: {  	v5 =	vadd.f32 v63, v5  }
0x188: {  	[tilespmem:v7+s29+$0x0] =	vst.idx.msk $0xffff, v6  }
0x189: {  	s5 =	sadd.s32 $0x100, s5;
	s14 =	sadd.s32 $0x100, s14;
	s1 =	sadd.s32 $0x20, s1;
	[tilespmem:v62+s29+$0x0] =	vst.idx.msk $0xffff, v5  }
0x18a: {  	s4 =	sadd.s32 $0x1, s4  }
0x18b: {  	p2 =	sne.s32 s4, $0x10  }
.Ltmp3:
0x18c: {  	_ = 	snop;
	(pc) =	sbr.rel @p2 .LBB2_5-.Ltmp3, $2  }
0x18d: {  	_ =	sdelay $0x2  }
0x18e: {  	p0 =	por !p0, !p0;
	p1 =	por !p1, !p1  }
0x18f: {  	_ =	swait.ge [sflag:s30], $0x4000  }
0x190: {  	s1 =	simm.s32 $0x800;
	[sflag:s30] =	ssyncset.done $0x0  }
0x191: {  	s4 =	simm.s32 $0x10;
	s5 =	simm.s32 $0x1BF0;
	[sflag:s30] =	ssyncadd.s32 $0xFFFFC000  }
.LBB2_11:
0x192: {  	v4 =	vmov s1;
	v9 =	vld [tilespmem:s5+$0xFFFFFF10]  }
0x193: {  	s6 =	sadd.s32 $0x10, s1;
	v12 =	vld [tilespmem:s5+$0xFFFFFF20];
	v4 =	vshll.u32 v4, $0x3  }
0x194: {  	s12 =	sadd.s32 $0x20, s1;
	v15 =	vld [tilespmem:s5+$0xFFFFFF30];
	v6 =	vmov s6;
	v4 =	vor.u32 v2, v4  }
0x195: {  	v18 =	vld [tilespmem:s5+$0xFFFFFF40];
	v8 =	vmov s12;
	v6 =	vshll.u32 v6, $0x3;
	v5 =	vor.u32 $0x1, v4  }
0x196: {  	s14 =	sadd.s32 $0x30, s1;
	v47 =	vld [tilespmem:s5+$0xFFFFFF50];
	v8 =	vshll.u32 v8, $0x3;
	v6 =	vor.u32 v2, v6  }
0x197: {  	v54 =	vld [tilespmem:s5+$0xFFFFFF60];
	v11 =	vmov s14;
	v8 =	vor.u32 v2, v8  }
0x198: {  	s15 =	sadd.s32 $0x40, s1;
	v58 =	vld [tilespmem:s5+$0xFFFFFF70];
	v11 =	vshll.u32 v11, $0x3;
	v7 =	vor.u32 $0x1, v6  }
0x199: {  	v14 =	vmov s15;
	v11 =	vor.u32 v2, v11;
	v4 =	vld.idx.msk [tilespmem:v4+s19+$0x0], $0xffff  }
0x19a: {  	s11 =	sadd.s32 $0x50, s1;
	v14 =	vshll.u32 v14, $0x3;
	v10 =	vor.u32 $0x1, v8;
	v5 =	vld.idx.msk [tilespmem:v5+s19+$0x0], $0xffff  }
0x19b: {  	v17 =	vmov s11;
	v14 =	vor.u32 v2, v14;
	v6 =	vld.idx.msk [tilespmem:v6+s19+$0x0], $0xffff  }
0x19c: {  	v17 =	vshll.u32 v17, $0x3;
	v13 =	vor.u32 $0x1, v11;
	v8 =	vld.idx.msk [tilespmem:v8+s19+$0x0], $0xffff  }
0x19d: {  	s12 =	sadd.s32 $0x60, s1;
	v17 =	vor.u32 v2, v17;
	v7 =	vld.idx.msk [tilespmem:v7+s19+$0x0], $0xffff  }
0x19e: {  	v20 =	vmov s12;
	v16 =	vor.u32 $0x1, v14;
	v11 =	vld.idx.msk [tilespmem:v11+s19+$0x0], $0xffff  }
0x19f: {  	s14 =	sadd.s32 $0x70, s1;
	v46 =	vshll.u32 v20, $0x3;
	v19 =	vor.u32 $0x1, v17;
	v10 =	vld.idx.msk [tilespmem:v10+s19+$0x0], $0xffff;
	v4 =	vmul.f32 v9, v4  }
0x1a0: {  	v50 =	vmov s14;
	v45 =	vld.idx.msk [tilespmem:v14+s19+$0x0], $0xffff;
	v14 =	vor.u32 v2, v46;
	v5 =	vmul.f32 v9, v5  }
0x1a1: {  	v13 =	vld.idx.msk [tilespmem:v13+s19+$0x0], $0xffff;
	v52 =	vor.u32 $0x1, v14;
	v6 =	vmul.f32 v12, v6;
	v4 =	vadd.f32 $0.0e+00, v4  }
0x1a2: {  	v49 =	vld.idx.msk [tilespmem:v17+s19+$0x0], $0xffff;
	v48 =	vmul.f32 v12, v7;
	v12 =	vshll.u32 v50, $0x3;
	v5 =	vadd.f32 $0.0e+00, v5  }
0x1a3: {  	v16 =	vld.idx.msk [tilespmem:v16+s19+$0x0], $0xffff;
	v8 =	vmul.f32 v15, v8;
	v12 =	vor.u32 v2, v12;
	v4 =	vadd.f32 v6, v4  }
0x1a4: {  	v51 =	vld.idx.msk [tilespmem:v19+s19+$0x0], $0xffff;
	v53 =	vmul.f32 v15, v10;
	v59 =	vor.u32 $0x1, v12;
	v5 =	vadd.f32 v48, v5  }
0x1a5: {  	v55 =	vmul.f32 v18, v11;
	v56 =	vld.idx.msk [tilespmem:v14+s19+$0x0], $0xffff;
	v4 =	vadd.f32 v8, v4  }
0x1a6: {  	s11 =	sadd.s32 $0x80, s1;
	v57 =	vmul.f32 v18, v13;
	v62 =	vld.idx.msk [tilespmem:v52+s19+$0x0], $0xffff;
	v5 =	vadd.f32 v53, v5  }
0x1a7: {  	v24 =	vmov s11;
	v60 =	vmul.f32 v47, v45;
	v18 =	vld [tilespmem:s5+$0xFFFFFF80];
	v4 =	vadd.f32 v55, v4  }
0x1a8: {  	s15 =	sadd.s32 $0xFFFFFFF0, s4;
	v61 =	vmul.f32 v47, v16;
	v7 =	vmul.f32 v54, v49;
	v63 =	vld.idx.msk [tilespmem:v12+s19+$0x0], $0xffff;
	v5 =	vadd.f32 v57, v5  }
0x1a9: {  	v16 =	vmov s15;
	v19 =	vmul.f32 v54, v51;
	v21 =	vld.idx.msk [tilespmem:v59+s19+$0x0], $0xffff;
	v4 =	vadd.f32 v60, v4  }
0x1aa: {  	v20 =	vmul.f32 v58, v56;
	v12 =	vshll.u32 v16, $0x7;
	v5 =	vadd.f32 v61, v5  }
0x1ab: {  	v9 =	vmul.f32 v58, v62;
	v22 =	vor.u32 v3, v12;
	v4 =	vadd.f32 v7, v4  }
0x1ac: {  	v12 =	vshll.u32 v24, $0x3;
	v23 =	vor.u32 $0x78, v22;
	v5 =	vadd.f32 v19, v5  }
0x1ad: {  	v7 =	vor.u32 $0x79, v22;
	v8 =	vmul.f32 v18, v63;
	v4 =	vadd.f32 v20, v4  }
0x1ae: {  	v25 =	vor.u32 v2, v12;
	v6 =	vmul.f32 v18, v21;
	v5 =	vadd.f32 v9, v5  }
0x1af: {  	v26 =	vor.u32 $0x1, v25;
	v4 =	vadd.f32 v8, v4  }
0x1b0: {  	s15 =	sadd.s32 $0xB0, s1;
	v5 =	vadd.f32 v6, v5  }
0x1b1: {  	v32 =	vmov s15;
	[tilespmem:v23+s29+$0x0] =	vst.idx.msk $0xffff, v4  }
0x1b2: {  	v11 =	vshll.u32 v32, $0x3;
	[tilespmem:v7+s29+$0x0] =	vst.idx.msk $0xffff, v5  }
0x1b3: {  	s11 =	sadd.s32 $0xC0, s1;
	v11 =	vor.u32 v2, v11;
	v7 =	vld.idx.msk [tilespmem:v25+s19+$0x0], $0xffff  }
0x1b4: {  	v35 =	vmov s11;
	v34 =	vor.u32 $0x1, v11;
	v8 =	vld.idx.msk [tilespmem:v26+s19+$0x0], $0xffff  }
0x1b5: {  	s12 =	sadd.s32 $0x90, s1;
	v14 =	vshll.u32 v35, $0x3;
	v30 =	vld [tilespmem:s5+$0xFFFFFF90]  }
0x1b6: {  	v27 =	vmov s12;
	v14 =	vor.u32 v2, v14;
	v33 =	vld [tilespmem:s5+$0xFFFFFFA0]  }
0x1b7: {  	s14 =	sadd.s32 $0xA0, s1;
	v28 =	vshll.u32 v27, $0x3;
	v37 =	vor.u32 $0x1, v14;
	v36 =	vld [tilespmem:s5+$0xFFFFFFB0]  }
0x1b8: {  	v29 =	vmov s14;
	v4 =	vor.u32 v2, v28;
	v11 =	vld.idx.msk [tilespmem:v11+s19+$0x0], $0xffff  }
0x1b9: {  	v6 =	vshll.u32 v29, $0x3;
	v5 =	vor.u32 $0x1, v4;
	v13 =	vld.idx.msk [tilespmem:v34+s19+$0x0], $0xffff  }
0x1ba: {  	s12 =	sadd.s32 $0xD0, s1;
	v6 =	vor.u32 v2, v6;
	v39 =	vld [tilespmem:s5+$0xFFFFFFC0]  }
0x1bb: {  	v38 =	vmov s12;
	v31 =	vor.u32 $0x1, v6;
	v14 =	vld.idx.msk [tilespmem:v14+s19+$0x0], $0xffff  }
0x1bc: {  	v17 =	vshll.u32 v38, $0x3;
	v16 =	vld.idx.msk [tilespmem:v37+s19+$0x0], $0xffff  }
0x1bd: {  	s14 =	sadd.s32 $0xE0, s1;
	v17 =	vor.u32 v2, v17;
	v4 =	vld.idx.msk [tilespmem:v4+s19+$0x0], $0xffff  }
0x1be: {  	v41 =	vmov s14;
	v40 =	vor.u32 $0x1, v17;
	v5 =	vld.idx.msk [tilespmem:v5+s19+$0x0], $0xffff  }
0x1bf: {  	s15 =	sadd.s32 $0xF0, s1;
	v20 =	vshll.u32 v41, $0x3;
	v6 =	vld.idx.msk [tilespmem:v6+s19+$0x0], $0xffff  }
0x1c0: {  	v22 =	vmov s15;
	v20 =	vor.u32 v2, v20;
	v10 =	vld.idx.msk [tilespmem:v31+s19+$0x0], $0xffff;
	v7 =	vmul.f32 v30, v7  }
0x1c1: {  	v22 =	vshll.u32 v22, $0x3;
	v42 =	vld [tilespmem:s5+$0xFFFFFFD0];
	v8 =	vmul.f32 v30, v8  }
0x1c2: {  	v44 =	vor.u32 v2, v22;
	v17 =	vld.idx.msk [tilespmem:v17+s19+$0x0], $0xffff;
	v7 =	vadd.f32 $0.0e+00, v7;
	v4 =	vmul.f32 v33, v4  }
0x1c3: {  	v21 =	vor.u32 $0x1, v20;
	v43 =	vld.idx.msk [tilespmem:v40+s19+$0x0], $0xffff;
	v8 =	vadd.f32 $0.0e+00, v8;
	v5 =	vmul.f32 v33, v5  }
0x1c4: {  	v45 =	vld [tilespmem:s5+$0xFFFFFFE0];
	v6 =	vmul.f32 v36, v6;
	v4 =	vadd.f32 v4, v7  }
0x1c5: {  	v48 =	vor.u32 $0x1, v44;
	v47 =	vld.idx.msk [tilespmem:v20+s19+$0x0], $0xffff;
	v46 =	vmul.f32 v36, v10;
	v5 =	vadd.f32 v5, v8  }
0x1c6: {  	v52 =	vld [tilespmem:s5+$0xFFFFFFF0];
	v49 =	vmul.f32 v39, v11;
	v4 =	vadd.f32 v6, v4  }
0x1c7: {  	v54 =	vld.idx.msk [tilespmem:v44+s19+$0x0], $0xffff;
	v51 =	vmul.f32 v39, v13;
	v5 =	vadd.f32 v46, v5  }
0x1c8: {  	v50 =	vld.idx.msk [tilespmem:v21+s19+$0x0], $0xffff;
	v53 =	vmul.f32 v42, v14;
	v4 =	vadd.f32 v49, v4  }
0x1c9: {  	v56 =	vld [tilespmem:s5+$0x0];
	v55 =	vmul.f32 v42, v16;
	v5 =	vadd.f32 v51, v5  }
0x1ca: {  	v57 =	vmov s4;
	v15 =	vld.idx.msk [tilespmem:v48+s19+$0x0], $0xffff;
	v58 =	vmul.f32 v45, v17;
	v4 =	vadd.f32 v53, v4  }
0x1cb: {  	v7 =	vmul.f32 v45, v43;
	v6 =	vshll.u32 v57, $0x7;
	v5 =	vadd.f32 v55, v5  }
0x1cc: {  	v59 =	vmul.f32 v52, v47;
	v6 =	vor.u32 v3, v6;
	v4 =	vadd.f32 v58, v4  }
0x1cd: {  	v60 =	vmul.f32 v52, v50;
	v61 =	vor.u32 $0x78, v6;
	v5 =	vadd.f32 v7, v5  }
0x1ce: {  	p0 =	sne.s32 s1, $0xF00;
	v62 =	vmul.f32 v56, v54;
	v6 =	vor.u32 $0x79, v6;
	v4 =	vadd.f32 v59, v4  }
.Ltmp4:
0x1cf: {  	v63 =	vmul.f32 v56, v15;
	v5 =	vadd.f32 v60, v5;
	(pc) =	sbr.rel @p0 .LBB2_11-.Ltmp4, $4  }
0x1d0: {  	v4 =	vadd.f32 v62, v4  }
0x1d1: {  	v5 =	vadd.f32 v63, v5  }
0x1d2: {  	[tilespmem:v61+s29+$0x0] =	vst.idx.msk $0xffff, v4  }
0x1d3: {  	s1 =	sadd.s32 $0x100, s1;
	s4 =	sadd.s32 $0x20, s4;
	s5 =	sadd.s32 $0x100, s5;
	[tilespmem:v6+s29+$0x0] =	vst.idx.msk $0xffff, v5  }
0x1d4: {  	s31 =	sadd.s32 $0x1, s31  }
0x1d5: {  	s0 =	sshll.u32 s0, $0x4;
	p0 =	sne.s32 s31, $0x20  }
.Ltmp5:
0x1d6: {  	s0 =	sadd.s32 s7, s0;
	(pc) =	sbr.rel @p0 .LBB2_2-.Ltmp5, $4  }
0x1d7: {  	[hbm4b:s0+s2] =	stream.linear.scatter [tilespmem:s29], [sflag:$0x3], $0x8000, $0x38;
	[tilespmem:$0x12800] =	vst v63  }
0x1d8: {  	_ =	swait.ge [sflag:s13], $0x8000  }
0x1d9: {  	[sflag:s13] =	ssyncset.done $0x0  }
0x1da: {  	[sflag:s13] =	ssyncadd.s32 $0xFFFF8000  }
0x1db: {  	s1 =	rddreg [dreg:$0x6]  }
0x1dc: {  	s0 =	rddreg [dreg:$0x5];
	s1 =	sadd.s32 $0x1, s1  }
0x1dd: {  	p0 =	sne.s32 s1, s0  }
.Ltmp6:
0x1de: {  	_ = 	snop;
	(pc) =	sbr.rel @p0 .LBB2_1-.Ltmp6, $1  }
0x1df: {  	_ =	sdelay $0x3  }
0x1e0: {  	_ =	sfence.sel $0x180000  }
0x1e1: {  	[bflag:$0x0] =	sbarrier.arrive $0xFFFF  }
0x1e2: {  	_ =	strace $0x9000004A  }
0x1e3: {  	s0 =	stileid.u32;
	[bflag:$0x2] =	sbarrier.arrive $0xFFFF  }
0x1e4: {  	p0 =	sne.s32 s0, $0x0;
	s0 =	rddreg [dreg:$0x2]  }
0x1e5: {  	s0 =	sadd.s32 @!p0 $0x100000, s0  }
0x1e6: {  	[sflag:s0] =	ssyncadd.tile.s32 @!p0 $0x1;
	_ =	shalt  }
.Lfunc_end2:
_tile_overlayer_lowered:
.L_overlay_start_2:
0x1e7: {  	(tag) =	ssettag $0x2  }
0x1e8: {  	s0 =	rddreg [dreg:$0x0];
	s2 =	stileid.u32  }
0x1e9: {  	s1 =	rddreg [dreg:$0x1];
	p0 =	sne.s32 s2, $0x0  }
0x1ea: {  	s3 =	rddreg [dreg:$0x2];
	[bflag:$0x3] =	sbarrier.arrive $0xFFFF;
	s2 =	simm.s32 @!p0 $0x1C03  }
0x1eb: {  	[timem:s3], [sflag:s2] =	dma.local @!p0 [hbm:s0], s1  }
0x1ec: {  	s0 =	simm.s32 @!p0 $0x3  }
0x1ed: {  	_ =	swait.ge @!p0 [sflag:s0], s1  }
0x1ee: {  	s1 =	ssub.s32 @!p0 $0x0, s1;
	[sflag:s0] =	ssyncset.done @!p0 $0x0  }
0x1ef: {  	[sflag:s0] =	ssyncadd.s32 @!p0 s1  }
0x1f0: {  	[bflag:$0x3] =	sbarrier.arrive $0xFFFF  }
0x1f1: {  	_ =	shalt  }

// kernel: sparse-core-data-format-call.1.cloned.1.call-start
scs
called_computation.1_lowered:
.L_overlay_start_0:
0x0: {  	s1 =	sld [smem:$0x3FD9]  }
0x1: {  	s2 =	sld [smem:$0x3FFE];
	_ =	sdelay $0x1  }
0x2: {  	s3 =	srdreg.scid  }
0x3: {  	s0 =	sand.u32 $0x1, s3  }
0x4: {  	s17 =	sshll.u32 s0, $0xA;
	s1 =	sadd.s32 s2, s1  }
0x5: {  	s1 =	sadd.s32 s1, s17  }
0x6: {  	[smem:$0x3FB7] =	sst s1  }
0x7: {  	_ = 	snop  }
0x8: {  	(tm) =	ssettm $0x1  }
0x9: {  	s18 =	sld [smem:$0x3FFB];
	_ =	sdelay $0x3  }
0xa: {  	_ =	strace s18  }
0xb: {  	s1 =	sld [smem:$0x3FFC];
	_ =	sdelay $0x3  }
0xc: {  	_ =	strace s1  }
0xd: {  	s1 =	sld [smem:$0x3FFD];
	_ =	sdelay $0x3  }
0xe: {  	_ =	strace s1  }
0xf: {  	_ =	strace $0x8FFFFFFF  }
0x10: {  	s19 =	sld [smem:$0x3FDB];
	_ =	sdelay $0x1  }
0x11: {  	s20 =	simm.s32 $_scs_section_size  }
0x12: {  	s4 =	simm.s32 $_size__tile_overlayer_lowered;
	s5 =	simm.s32 $_tile_overlayer_lowered  }
0x13: {  	s23 =	simm.s32 $0x1BFF;
	s22 =	sshll.u32 s5, $0x1;
	s1 =	sadd.s32 s20, s19  }
0x14: {  	s6 =	simm.s32 $0x0;
	s21 =	sshll.u32 s4, $0x1;
	s4 =	sadd.s32 s22, s1  }
0x15: {  	[timem:s6], [sflag:s23] =	dma.local [hbm:s4], s21  }
0x16: {  	_ =	swait.ge [sflag:s23], s21  }
0x17: {  	s2 =	ssub.s32 $0x0, s21;
	[sflag:s23] =	ssyncset.done $0x0  }
0x18: {  	[sflag:s23] =	ssyncadd.s32 s2;
	_ =	sdelay $0x1  }
0x19: {  	s24 =	simm.s32 $0x1B8B  }
0x1a: {  	_ =	swait.ge [sflag:s24], $0x1  }
0x1b: {  	[sflag:s24] =	ssyncset.done $0x0  }
0x1c: {  	s26 =	simm.s32 $0x1B8E;
	s25 =	sld [smem:$0x3FFE];
	[sflag:s24] =	ssyncadd.s32 $0xFFFFFFFF  }
0x1d: {  	s27 =	simm.s32 $execute0_lowered;
	[smem:$0x3FD2] =	sst s26  }
0x1e: {  	s4 =	sshll.u32 s27, $0x1;
	_ =	strace $0x80000046;
	[dreg:$0x1] =	wrdreg $0xFFFFFFFF  }
0x1f: {  	s28 =	simm.s32 $_size_execute0_lowered;
	s1 =	sadd.s32 s1, s4;
	[dreg:$0x0] =	wrdreg $0x0  }
0x20: {  	s4 =	sshll.u32 s28, $0x1;
	[dreg:$0x2] =	wrdreg s1  }
0x21: {  	[dreg:$0x3] =	wrdreg s4  }
0x22: {  	[dreg:$0x4] =	wrdreg $0xC0  }
0x23: {  	_ =	task [dreg:s6], $0x5FFFF  }
0x24: {  	[dreg:$0x1] =	wrdreg $0xFFFFFFFF  }
0x25: {  	[dreg:$0x0] =	wrdreg $0x60  }
0x26: {  	[dreg:$0x2] =	wrdreg s25  }
0x27: {  	[dreg:$0x3] =	wrdreg $0x9  }
0x28: {  	_ =	task.clear_ibuf [dreg:s6], $0x4FFFF;
	_ =	strace $0x90000046  }
0x29: {  	s29 =	simm.s32 $0x9;
	_ =	strace $0x80000048  }
0x2a: {  	_ =	swait.ge [sflag:s29], $0x1  }
0x2b: {  	[sflag:s29] =	ssyncadd.s32 $0xFFFFFFFF  }
0x2c: {  	_ =	strace $0x90000048  }
0x2d: {  	_ =	sfence  }
0x2e: {  	s30 =	sld [smem:$0x0];
	_ =	sdelay $0x2  }
0x2f: {  	s31 =	sshll.u32 s3, $0xD;
	s3 =	sshrl.u32 s3, $0x2  }
0x30: {  	s2 =	sand.u32 $0x4000, s31;
	s1 =	sadd.s32 s3, s30  }
0x31: {  	s0 =	sor.u32 s2, s0;
	s1 =	sshll.u32 s1, $0x11  }
0x32: {  	s0 =	sor.u32 s1, s0  }
0x33: {  	s0 =	sadd.s32 $0x8F2B, s0  }
0x34: {  	[sflag:s0] =	ssyncadd.remote.s32 $0x1  }
0x35: {  	_ =	sfence.sel $0xFFFF  }
0x36: {  	[dreg:$0x0] =	wrdreg $0xFFFFFFFF;
	(pc) =	sbr.abs _section_cstart, $3  }
0x37: {  	[dreg:$0x1] =	wrdreg $0xFFFFFFFF  }
0x38: {  	_ =	task.clear_ibuf [dreg:s6], $0x2FFFF;
	_ =	strace $0x9FFFFFFF  }
0x39: {  	(tm) =	ssettm $0x7FFFFFFF  }
tec
execute0_lowered:
.L_overlay_start_1:
0x0: {  	(tag) =	ssettag $0x1  }
0x1: {  	s0 =	srdreg.scid  }
0x2: {  	s4 =	rddreg [dreg:$0x0];
	s1 =	stileid.u32;
	_ =	strace $0x80000047  }
0x3: {  	s5 =	simm.s32 $0x1;
	s7 =	simm.s32 $0x2;
	s0 =	sshll.u32 s0, $0x4  }
0x4: {  	s15 =	simm.s32 $0x0;
	s14 =	simm.s32 $0x0;
	s0 =	sand.u32 $0x10, s0  }
.Ltmp0:
0x5: {  	s9 =	simm.s32 $0x0;
	s0 =	sor.u32 s1, s0;
	(pc) =	sbr.rel .LBB1_1-.Ltmp0, $4  }
0x6: {  	s11 =	simm.s32 $0x0;
	s12 =	simm.s32 $0x0;
	s3 =	sshll.u32 s0, $0x8  }
0x7: {  	s13 =	simm.s32 $0x0;
	s2 =	sadd.s32 $0x3A00, s4;
	s0 =	ssub.s32 $0x4F9E00, s3  }
0x8: {  	s4 =	sadd.s32 $0x142200, s4;
	[sflag:s5] =	ssyncpa.u1 $0x0;
	s6 =	sshrl.u32 s0, $0xD  }
0x9: {  	[sflag:s7] =	ssyncpa.u1 $0x0;
	s10 =	smov.u32 s3;
	s7 =	sadd.s32 $0x2, s6  }
.LBB1_5:
0xa: {  	p0 =	slt.u32 s13, $0x2  }
0xb: {  	s1 =	smov.u32 s15;
	s8 =	smov.u32 s14;
	p1 =	sgt.s32 @!p0 s15, $0x4F9DA8  }
0xc: {  	s0 =	sshra.s32 @!p0 s15, $0x1F;
	p2 =	sgt.s32 @!p0 s14, $0x7E;
	p1 =	por !p1, p0  }
0xd: {  	s0 =	sand.u32 @!p0 s0, s15;
	p2 =	por !p2, p0;
	s15 =	sshra.s32 @!p0 s14, $0x1F  }
0xe: {  	s1 =	simm.s32 @p1 $0x4F9DA8;
	s8 =	simm.s32 @p2 $0x7E;
	s14 =	sand.u32 @!p0 s15, s14  }
0xf: {  	s0 =	ssub.s32 @!p0 s1, s0;
	s1 =	ssub.s32 @!p0 s8, s14  }
0x10: {  	s8 =	sadd.s32 @!p0 $0xFFB06258, s0;
	s14 =	sadd.s32 @!p0 $0xFFFFFF82, s1  }
0x11: {  	s0 =	ssub.s32 @!p0 $0x4F9EA8, s0;
	p1 =	sgt.s32 @!p0 s8, $0xFF;
	p2 =	sgt.s32 @!p0 s14, $0x1  }
0x12: {  	s1 =	ssub.s32 @!p0 $0x80, s1;
	p1 =	por !p1, p0;
	p2 =	por !p2, p0  }
0x13: {  	s0 =	simm.s32 @!p1 $0x0;
	s1 =	simm.s32 @!p2 $0x0  }
0x14: {  	s0 =	smul.u32 @!p0 s1, s0;
	s1 =	sadd.s32 $0x2000, s10  }
0x15: {  	s16 =	smov.u32 s12;
	s14 =	sadd.s32 $0x2, s12;
	p1 =	sgt.s32 s1, $0x4F9EA0  }
0x16: {  	s16 =	smov.u32 @p1 s14  }
0x17: {  	s1 =	smov.u32 @p1 s3;
	p1 =	sgt.s32 s16, $0x1  }
0x18: {  	s16 =	simm.s32 @p1 $0x0;
	p1 =	sne.s32 s13, s7  }
.Ltmp1:
0x19: {  	s15 =	smov.u32 s9;
	(pc) =	sbr.rel @!p1 .LBB1_6-.Ltmp1, $4  }
0x1a: {  	s9 =	smov.u32 s10;
	s8 =	simm.s32 @!p0 $0x2;
	s0 =	sand.u32 @!p0 $0x3FFFFFFF, s0  }
0x1b: {  	s14 =	smov.u32 s11;
	s11 =	smov.u32 s12;
	_ =	swait.ge @!p0 [sflag:s8], s0  }
0x1c: {  	s0 =	ssub.s32 @!p0 $0x0, s0;
	s10 =	smov.u32 s1;
	[sflag:s8] =	ssyncset.done @!p0 $0x0  }
0x1d: {  	s13 =	sadd.s32 $0x1, s13;
	[sflag:s8] =	ssyncadd.s32 @!p0 s0;
	s12 =	smov.u32 s16  }
.LBB1_1:
0x1e: {  	p0 =	sgt.u32 s13, s6  }
0x1f: {  	s0 =	sshrl.u32 @!p0 s12, $0x1  }
0x20: {  	s16 =	sshll.u32 @!p0 s10, $0x1;
	s17 =	sshll.u32 @!p0 s12, $0x7;
	s0 =	smul.u32 @!p0 $0x9F3E00, s0  }
0x21: {  	s18 =	sand.u32 @!p0 $0x7F, s10;
	s16 =	sand.u32 @!p0 $0xFFFFFF00, s16;
	s17 =	sand.u32 @!p0 $0x80, s17  }
0x22: {  	s0 =	sadd.s32 @!p0 s0, s16;
	s16 =	sor.u32 @!p0 s18, s17  }
0x23: {  	s16 =	sor.u32 @!p0 s0, s16  }
0x24: {  	s17 =	smulhi.u32 @!p0 $0x66E3269F, s16  }
0x25: {  	s0 =	smulhi.u32 @!p0 $0x66E3269F, s0  }
0x26: {  	s17 =	sshrl.u32 @!p0 s17, $0x15  }
0x27: {  	s0 =	sshrl.u32 @!p0 s0, $0x15;
	s17 =	smul.u32 @!p0 $0x4F9F00, s17  }
0x28: {  	s0 =	sand.u32 @!p0 $0x1, s0  }
0x29: {  	s18 =	sxor.u32 @!p0 $0xFFFFFFFF, s13;
	p1 =	seq.s32 @!p0 s0, $0x1;
	s16 =	ssub.s32 @!p0 s16, s17  }
0x2a: {  	s0 =	simm.s32 @!p0 $0x9F3E0;
	p1 =	por !p1, p0;
	s17 =	sshrl.u32 @!p0 s16, $0x3  }
0x2b: {  	s18 =	sshll.u32 @!p0 s18, $0x9;
	s0 =	simm.s32 @p1 $0x0;
	s17 =	sadd.s32 @!p0 s2, s17  }
0x2c: {  	s18 =	sand.u32 @!p0 $0x200, s18;
	s16 =	sand.u32 @!p0 $0x7, s16;
	s0 =	sadd.s32 @!p0 s0, s17  }
0x2d: {  	[tilespmem:s18], [sflag:$0x1] =	stream.linear.gather @!p0 [hbm4b:s0+s16], $0x200, $0x38;
	[tilespmem:$0x800] =	vst v63  }
0x2e: {  	p0 =	seq.s32 s13, $0x0  }
0x2f: {  	p1 =	sge.u32 @!p0 s13, s7  }
0x30: {  	p0 =	por p0, p1  }
.Ltmp2:
0x31: {  	_ = 	snop;
	(pc) =	sbr.rel @p0 .LBB1_5-.Ltmp2, $1  }
0x32: {  	_ =	sdelay $0x3  }
0x33: {  	_ =	swait.ge [sflag:s5], $0x200;
	s0 =	sshll.u32 s13, $0x9  }
0x34: {  	p0 =	por $0x1, $0x1;
	[sflag:s5] =	ssyncset.done $0x0;
	s1 =	sand.u32 $0x200, s0  }
0x35: {  	s0 =	simm.s32 $0x0;
	[sflag:s5] =	ssyncadd.s32 $0xFFFFFE00;
	s16 =	sor.u32 $0x400, s1  }
0x36: {  	s17 =	sor.u32 $0x420, s1;
	s18 =	sor.u32 $0x440, s1;
	s19 =	sor.u32 $0x460, s1  }
0x37: {  	s20 =	sor.u32 $0x480, s1;
	s21 =	sor.u32 $0x4A0, s1;
	s22 =	sor.u32 $0x4C0, s1  }
0x38: {  	s23 =	sor.u32 $0x4E0, s1;
	s24 =	sor.u32 $0x500, s1;
	s25 =	sor.u32 $0x520, s1;
	v0 =	vmov s1  }
0x39: {  	s26 =	sor.u32 $0x540, s1;
	s27 =	sor.u32 $0x560, s1;
	s28 =	sor.u32 $0x580, s1  }
0x3a: {  	s29 =	sor.u32 $0x5A0, s1;
	s30 =	sor.u32 $0x5C0, s1;
	s31 =	sor.u32 $0x5E0, s1  }
.LBB1_3:
0x3b: {  	s1 =	sshll.u32 s0, $0x7  }
0x3c: {  	s1 =	sand.u32 $0x3FFFFF80, s1  }
0x3d: {  	v1 =	vld.idx.msk [tilespmem:v0+s1+$0x0 ss:$0x1], $0xffff  }
0x3e: {  	v2 =	vld.idx.msk [tilespmem:v0+s1+$0x10 ss:$0x1], $0xffff  }
0x3f: {  	v3 =	vld.idx.msk [tilespmem:v0+s1+$0x20 ss:$0x1], $0xffff  }
0x40: {  	v4 =	vld.idx.msk [tilespmem:v0+s1+$0x30 ss:$0x1], $0xffff  }
0x41: {  	s8 =	sadd.s32 s0, s16;
	v5 =	vld.idx.msk [tilespmem:v0+s1+$0x40 ss:$0x1], $0xffff  }
0x42: {  	[tilespmem:s8+$0x0 ss:$0x2] =	vst.msk $0xffff, v1;
	s8 =	sadd.s32 s0, s17;
	v1 =	vld.idx.msk [tilespmem:v0+s1+$0x50 ss:$0x1], $0xffff  }
0x43: {  	[tilespmem:s8+$0x0 ss:$0x2] =	vst.msk $0xffff, v2;
	s8 =	sadd.s32 s0, s18;
	v2 =	vld.idx.msk [tilespmem:v0+s1+$0x60 ss:$0x1], $0xffff  }
0x44: {  	[tilespmem:s8+$0x0 ss:$0x2] =	vst.msk $0xffff, v3;
	s8 =	sadd.s32 s0, s19;
	v3 =	vld.idx.msk [tilespmem:v0+s1+$0x70 ss:$0x1], $0xffff  }
0x45: {  	v60 =	vld.idx.msk [tilespmem:v0+s1+$0x100 ss:$0x1], $0xffff;
	[tilespmem:s8+$0x0 ss:$0x2] =	vst.msk $0xffff, v4;
	s8 =	sadd.s32 s0, s20  }
0x46: {  	v61 =	vld.idx.msk [tilespmem:v0+s1+$0x110 ss:$0x1], $0xffff;
	[tilespmem:s8+$0x0 ss:$0x2] =	vst.msk $0xffff, v5;
	s8 =	sadd.s32 s0, s21  }
0x47: {  	[tilespmem:s8+$0x0 ss:$0x2] =	vst.msk $0xffff, v1;
	s8 =	sadd.s32 s0, s22;
	v1 =	vld.idx.msk [tilespmem:v0+s1+$0x120 ss:$0x1], $0xffff  }
0x48: {  	[tilespmem:s8+$0x0 ss:$0x2] =	vst.msk $0xffff, v2;
	s8 =	sadd.s32 s0, s23;
	v2 =	vld.idx.msk [tilespmem:v0+s1+$0x130 ss:$0x1], $0xffff  }
0x49: {  	[tilespmem:s8+$0x0 ss:$0x2] =	vst.msk $0xffff, v3;
	s8 =	sadd.s32 s0, s24;
	v3 =	vld.idx.msk [tilespmem:v0+s1+$0x140 ss:$0x1], $0xffff  }
0x4a: {  	v62 =	vld.idx.msk [tilespmem:v0+s1+$0x150 ss:$0x1], $0xffff;
	[tilespmem:s8+$0x0 ss:$0x2] =	vst.msk $0xffff, v60;
	s8 =	sadd.s32 s0, s25  }
0x4b: {  	v63 =	vld.idx.msk [tilespmem:v0+s1+$0x160 ss:$0x1], $0xffff;
	[tilespmem:s8+$0x0 ss:$0x2] =	vst.msk $0xffff, v61;
	s8 =	sadd.s32 s0, s26  }
0x4c: {  	p1 =	por p0, p0;
	[tilespmem:s8+$0x0 ss:$0x2] =	vst.msk $0xffff, v1;
	s8 =	sadd.s32 s0, s27;
	v1 =	vld.idx.msk [tilespmem:v0+s1+$0x170 ss:$0x1], $0xffff  }
.Ltmp3:
0x4d: {  	[tilespmem:s8+$0x0 ss:$0x2] =	vst.msk $0xffff, v2;
	s8 =	sadd.s32 s0, s28;
	(pc) =	sbr.rel @p1 .LBB1_3-.Ltmp3, $4  }
0x4e: {  	[tilespmem:s8+$0x0 ss:$0x2] =	vst.msk $0xffff, v3;
	s8 =	sadd.s32 s0, s29  }
0x4f: {  	[tilespmem:s8+$0x0 ss:$0x2] =	vst.msk $0xffff, v62;
	s8 =	sadd.s32 s0, s30  }
0x50: {  	[tilespmem:s8+$0x0 ss:$0x2] =	vst.msk $0xffff, v63;
	s8 =	sadd.s32 s0, s31  }
0x51: {  	p0 =	por $0x0, $0x0;
	s0 =	simm.s32 $0x1;
	[tilespmem:s8+$0x0 ss:$0x2] =	vst.msk $0xffff, v1  }
0x52: {  	s0 =	sshll.u32 s9, $0x7;
	s1 =	sshll.u32 s11, $0x3  }
0x53: {  	p0 =	sgt.s32 s9, $0x4F9DA8;
	s24 =	sshra.s32 s9, $0x1F;
	s18 =	sshra.s32 s11, $0x1F  }
0x54: {  	s27 =	sshrl.u32 s11, $0x3;
	s8 =	sand.u32 $0xFFFFFC00, s0;
	s1 =	sand.u32 $0xFFFFFC00, s1  }
0x55: {  	s29 =	sand.u32 $0x7, s11;
	s0 =	sand.u32 $0x380, s0;
	s1 =	sadd.s32 s1, s8  }
0x56: {  	s31 =	simm.s32 $0x80;
	s0 =	sor.u32 s0, s1;
	s1 =	smov.u32 s9  }
0x57: {  	s8 =	sand.u32 s24, s9;
	s0 =	sshrl.u32 s0, $0x7;
	s1 =	simm.s32 @!p0 $0x4F9DA8  }
0x58: {  	p0 =	sgt.s32 s11, $0x7E;
	s1 =	ssub.s32 s1, s8;
	s8 =	smov.u32 s11  }
0x59: {  	s18 =	sand.u32 s18, s11;
	s17 =	smulhi.u32 $0xCDC731, s0;
	s8 =	simm.s32 @!p0 $0x7E  }
0x5a: {  	s25 =	sadd.s32 $0xFFB06258, s1;
	s1 =	ssub.s32 $0x4F9EA8, s1;
	s8 =	ssub.s32 s8, s18  }
0x5b: {  	s17 =	sshrl.u32 s17, $0xE;
	p0 =	sgt.s32 s25, $0xFF;
	s26 =	sadd.s32 $0xFFFFFF82, s8  }
0x5c: {  	s17 =	smul.u32 $0x4F9EA8, s17;
	s8 =	ssub.s32 $0x80, s8;
	p1 =	sgt.s32 s26, $0x1  }
.Ltmp4:
0x5d: {  	s1 =	simm.s32 @p0 $0x0;
	s8 =	simm.s32 @p1 $0x0;
	(pc) =	sbr.rel .LBB1_5-.Ltmp4, $4  }
0x5e: {  	s28 =	sand.u32 $0xF, s27;
	s0 =	ssub.s32 s0, s17;
	s1 =	smul.u32 s8, s1  }
0x5f: {  	s17 =	sshll.u32 s29, $0x12;
	s0 =	sshll.u32 s0, $0x4;
	s8 =	sadd.s32 s4, s28  }
0x60: {  	s30 =	sor.u32 $0x2, s17;
	s0 =	sadd.s32 s0, s8;
	s1 =	sand.u32 $0x3FFFFFFF, s1  }
0x61: {  	[hbm4b:s0+s30] =	stream.strided.scatter [tilespmem:s16], [sflag:$0x2], s1, s31, s30, $0x38;
	[tilespmem:$0x800] =	vst v63  }
.LBB1_6:
0x62: {  	_ =	sfence.sel $0x180000  }
0x63: {  	s0 =	simm.s32 $0x1;
	[bflag:$0x0] =	sbarrier.arrive $0xFFFF  }
0x64: {  	s30 =	simm.s32 $0x2;
	[sflag:s0] =	ssyncpa.u1 $0x1  }
0x65: {  	[sflag:s30] =	ssyncpa.u1 $0x1  }
0x66: {  	_ =	strace $0x90000047  }
0x67: {  	s31 =	stileid.u32;
	[bflag:$0x2] =	sbarrier.arrive $0xFFFF  }
0x68: {  	p0 =	sne.s32 s31, $0x0;
	s0 =	rddreg [dreg:$0x1]  }
0x69: {  	s0 =	sadd.s32 @!p0 $0x100000, s0  }
0x6a: {  	[sflag:s0] =	ssyncadd.tile.s32 @!p0 $0x1;
	_ =	shalt  }
.Lfunc_end1:
_tile_overlayer_lowered:
.L_overlay_start_2:
0x6b: {  	(tag) =	ssettag $0x2  }
0x6c: {  	s0 =	rddreg [dreg:$0x0];
	s2 =	stileid.u32  }
0x6d: {  	s1 =	rddreg [dreg:$0x1];
	p0 =	sne.s32 s2, $0x0  }
0x6e: {  	s3 =	rddreg [dreg:$0x2];
	[bflag:$0x3] =	sbarrier.arrive $0xFFFF;
	s2 =	simm.s32 @!p0 $0x1C01  }
0x6f: {  	[timem:s3], [sflag:s2] =	dma.local @!p0 [hbm:s0], s1  }
0x70: {  	s0 =	simm.s32 @!p0 $0x1  }
0x71: {  	_ =	swait.ge @!p0 [sflag:s0], s1  }
0x72: {  	s1 =	ssub.s32 @!p0 $0x0, s1;
	[sflag:s0] =	ssyncset.done @!p0 $0x0  }
0x73: {  	[sflag:s0] =	ssyncadd.s32 @!p0 s1  }
0x74: {  	[bflag:$0x3] =	sbarrier.arrive $0xFFFF  }
0x75: {  	_ =	shalt  }

// kernel: sparse-core-data-format-call.cloned.1.call-start
scs
called_computation_lowered:
.L_overlay_start_0:
0x0: {  	s2 =	sld [smem:$0x3FD9]  }
0x1: {  	s3 =	sld [smem:$0x3FFE];
	_ =	sdelay $0x1  }
0x2: {  	s1 =	srdreg.scid  }
0x3: {  	s0 =	sand.u32 $0x1, s1  }
0x4: {  	s18 =	sshll.u32 s0, $0xA;
	s2 =	sadd.s32 s3, s2  }
0x5: {  	s2 =	sadd.s32 s2, s18  }
0x6: {  	[smem:$0x3FB7] =	sst s2  }
0x7: {  	_ = 	snop  }
0x8: {  	s2 =	sld [smem:$0x3FD0];
	(tm) =	ssettm $0x1  }
0x9: {  	s19 =	sld [smem:$0x3FFB];
	_ =	sdelay $0x3  }
0xa: {  	_ =	strace s19  }
0xb: {  	s3 =	sld [smem:$0x3FFC];
	_ =	sdelay $0x3  }
0xc: {  	_ =	strace s3  }
0xd: {  	s3 =	sld [smem:$0x3FFD];
	_ =	sdelay $0x3  }
0xe: {  	_ =	strace s3  }
0xf: {  	_ =	strace $0x8FFFFFFF  }
0x10: {  	s20 =	sld [smem:$0x3FDB];
	_ =	sdelay $0x1  }
0x11: {  	s4 =	simm.s32 $_scs_section_size  }
0x12: {  	s5 =	simm.s32 $_size__tile_overlayer_lowered;
	s6 =	simm.s32 $_tile_overlayer_lowered  }
0x13: {  	s23 =	simm.s32 $0x1BFF;
	s22 =	sshll.u32 s6, $0x1;
	s3 =	sadd.s32 s4, s20  }
0x14: {  	s7 =	simm.s32 $0x0;
	s21 =	sshll.u32 s5, $0x1;
	s5 =	sadd.s32 s22, s3  }
0x15: {  	[timem:s7], [sflag:s23] =	dma.local [hbm:s5], s21  }
0x16: {  	_ =	swait.ge [sflag:s23], s21  }
0x17: {  	s4 =	ssub.s32 $0x0, s21;
	[sflag:s23] =	ssyncset.done $0x0  }
0x18: {  	[sflag:s23] =	ssyncadd.s32 s4;
	_ =	sdelay $0x1  }
0x19: {  	s24 =	simm.s32 $0x1B8B  }
0x1a: {  	_ =	swait.ge [sflag:s24], $0x1  }
0x1b: {  	[sflag:s24] =	ssyncset.done $0x0  }
0x1c: {  	s26 =	simm.s32 $0x1B8E;
	s25 =	sld [smem:$0x3FFE];
	[sflag:s24] =	ssyncadd.s32 $0xFFFFFFFF  }
0x1d: {  	s27 =	simm.s32 $execute0_lowered;
	[smem:$0x3FD2] =	sst s26  }
0x1e: {  	s5 =	sshll.u32 s27, $0x1;
	_ =	strace $0x8000004C;
	[dreg:$0x1] =	wrdreg $0xFFFFFFFF  }
0x1f: {  	s28 =	simm.s32 $_size_execute0_lowered;
	s3 =	sadd.s32 s3, s5;
	[dreg:$0x0] =	wrdreg $0x0  }
0x20: {  	s5 =	sshll.u32 s28, $0x1;
	[dreg:$0x2] =	wrdreg s3  }
0x21: {  	[dreg:$0x3] =	wrdreg s5  }
0x22: {  	[dreg:$0x4] =	wrdreg $0xC0  }
0x23: {  	_ =	task [dreg:s7], $0x5FFFF  }
0x24: {  	[dreg:$0x1] =	wrdreg $0xFFFFFFFF  }
0x25: {  	[dreg:$0x0] =	wrdreg $0x60  }
0x26: {  	[dreg:$0x2] =	wrdreg s25  }
0x27: {  	[dreg:$0x3] =	wrdreg s2  }
0x28: {  	[dreg:$0x4] =	wrdreg $0x9  }
0x29: {  	_ =	task.clear_ibuf [dreg:s7], $0x5FFFF;
	_ =	strace $0x9000004C  }
0x2a: {  	s29 =	simm.s32 $0x9;
	_ =	strace $0x8000004E  }
0x2b: {  	_ =	swait.ge [sflag:s29], $0x1  }
0x2c: {  	[sflag:s29] =	ssyncadd.s32 $0xFFFFFFFF  }
0x2d: {  	_ =	strace $0x9000004E  }
0x2e: {  	_ =	sfence  }
0x2f: {  	s30 =	sld [smem:$0x0];
	_ =	sdelay $0x2  }
0x30: {  	s31 =	sshll.u32 s1, $0xD;
	s1 =	sshrl.u32 s1, $0x2  }
0x31: {  	s3 =	sand.u32 $0x4000, s31;
	s1 =	sadd.s32 s1, s30  }
0x32: {  	s0 =	sor.u32 s3, s0;
	s1 =	sshll.u32 s1, $0x11  }
0x33: {  	s0 =	sor.u32 s1, s0  }
0x34: {  	s0 =	sadd.s32 $0x8F2B, s0  }
0x35: {  	[sflag:s0] =	ssyncadd.remote.s32 $0x1  }
0x36: {  	_ =	sfence.sel $0xFFFF  }
0x37: {  	[dreg:$0x0] =	wrdreg $0xFFFFFFFF;
	(pc) =	sbr.abs _section_cstart, $3  }
0x38: {  	[dreg:$0x1] =	wrdreg $0xFFFFFFFF  }
0x39: {  	_ =	task.clear_ibuf [dreg:s7], $0x2FFFF;
	_ =	strace $0x9FFFFFFF  }
0x3a: {  	(tm) =	ssettm $0x7FFFFFFF  }
0x3b: {  	_ =	shalt  }
tec
execute0_lowered:
.L_overlay_start_1:
0x0: {  	(tag) =	ssettag $0x1  }
0x1: {  	s0 =	srdreg.scid;
	s5 =	rddreg [dreg:$0x0]  }
0x2: {  	s3 =	rddreg [dreg:$0x1];
	s1 =	sshll.u32 s0, $0x4  }
0x3: {  	s7 =	simm.s32 $0x1;
	s0 =	stileid.u32;
	s1 =	sand.u32 $0x10, s1  }
0x4: {  	s8 =	simm.s32 $0x2;
	s15 =	simm.s32 $0x0;
	s1 =	sor.u32 s0, s1  }
0x5: {  	s14 =	simm.s32 $0x0;
	s9 =	simm.s32 $0x0;
	s2 =	sshll.u32 s1, $0x7  }
0x6: {  	s10 =	simm.s32 $0x0;
	s11 =	simm.s32 $0x0;
	s6 =	ssub.s32 $0x40000, s2  }
0x7: {  	s13 =	simm.s32 $0x0;
	s5 =	sadd.s32 $0x8FDE00, s5;
	s4 =	sand.u32 $0xF80, s6  }
.Ltmp0:
0x8: {  	s1 =	rddreg [dreg:$0x2];
	p0 =	sne.s32 s4, $0x0;
	(pc) =	sbr.rel .LBB1_1-.Ltmp0, $4  }
0x9: {  	_ =	strace $0x8000004D;
	s6 =	sshrl.u32 s6, $0xC;
	s7 =	simm.s32 @!p0 $0x0  }
0xa: {  	s12 =	smov.u32 s2;
	s4 =	simm.s32 $0x1;
	s6 =	sadd.s32 s7, s6  }
0xb: {  	[sflag:s4] =	ssyncpa.u1 $0x0;
	p0 =	por $0x0, $0x0;
	s6 =	sshll.u32 s6, $0x4  }
0xc: {  	[sflag:s8] =	ssyncpa.u1 $0x0;
	s8 =	simm.s32 $0x80000;
	s7 =	sor.u32 $0x1, s6  }
.LBB1_4:
0xd: {  	p1 =	sgt.s32 s9, $0xF  }
0xe: {  	s18 =	smov.u32 s9;
	s19 =	sshra.s32 s9, $0x1F;
	s20 =	sand.u32 $0x78, s10  }
0xf: {  	s21 =	sshra.s32 s10, $0x1F;
	s22 =	sshll.u32 s10, $0x1;
	s25 =	sshll.u32 s9, $0x10  }
0x10: {  	s26 =	sshrl.u32 s10, $0x2;
	s18 =	simm.s32 @!p1 $0xF;
	s19 =	sand.u32 s19, s9  }
0x11: {  	p1 =	sgt.s32 s10, $0x3FF80;
	s18 =	ssub.s32 s18, s19;
	s19 =	smov.u32 s10  }
0x12: {  	s27 =	sand.u32 $0x7, s10;
	s21 =	sand.u32 s21, s10;
	s19 =	simm.s32 @!p1 $0x3FF80  }
0x13: {  	s22 =	sand.u32 $0x3FF00, s22;
	s18 =	sadd.s32 $0xFFFFFFF1, s18;
	s19 =	ssub.s32 s19, s21  }
0x14: {  	p1 =	sgt.s32 s18, $0x0;
	s18 =	sshll.u32 s18, $0x1;
	s21 =	sadd.s32 $0xFFFC0080, s19  }
0x15: {  	s18 =	ssub.s32 $0x2, s18;
	s19 =	ssub.s32 $0x40000, s19;
	p2 =	sgt.s32 s21, $0x7F  }
0x16: {  	s20 =	sor.u32 s20, s22;
	s18 =	simm.s32 @p1 $0x0;
	s19 =	simm.s32 @p2 $0x0  }
0x17: {  	s21 =	sand.u32 $0x8000, s26;
	s18 =	smul.u32 s19, s18;
	s19 =	sadd.s32 s3, s25  }
0x18: {  	s28 =	sshll.u32 s27, $0x12;
	s20 =	sshrl.u32 s20, $0x3;
	s19 =	sadd.s32 s21, s19  }
0x19: {  	[tilespmem:s17+$0x0 ss:$0x81] =	vst.msk $0xffff, v0;
	s31 =	sor.u32 $0x100, s28;
	s29 =	sand.u32 $0x3FFFFFFE, s18;
	s30 =	sadd.s32 s20, s19  }
0x1a: {  	[hbm4b:s30+s31] =	stream.strided.scatter [tilespmem:s16], [sflag:$0x2], s29, s8, s31, $0x20;
	[tilespmem:$0x4040] =	vst v63  }
.LBB1_5:
0x1b: {  	p1 =	slt.u32 s13, $0x2  }
0x1c: {  	p2 =	sgt.s32 @!p1 s15, $0xF  }
0x1d: {  	s16 =	smov.u32 s15;
	s17 =	sshra.s32 @!p1 s15, $0x1F;
	p2 =	por !p2, p1  }
0x1e: {  	s18 =	sshra.s32 @!p1 s14, $0x1F;
	s16 =	simm.s32 @p2 $0xF;
	p2 =	sgt.s32 @!p1 s14, $0x3FF80  }
0x1f: {  	s15 =	sand.u32 @!p1 s17, s15;
	s17 =	smov.u32 s14;
	p2 =	por !p2, p1  }
0x20: {  	s14 =	sand.u32 @!p1 s18, s14;
	s15 =	ssub.s32 @!p1 s16, s15;
	s17 =	simm.s32 @p2 $0x3FF80  }
0x21: {  	s15 =	sadd.s32 @!p1 $0xFFFFFFF1, s15;
	s14 =	ssub.s32 @!p1 s17, s14  }
0x22: {  	s18 =	smov.u32 s12;
	s16 =	sshll.u32 @!p1 s15, $0x1;
	s17 =	sadd.s32 @!p1 $0xFFFC0080, s14  }
0x23: {  	p2 =	sgt.s32 @!p1 s15, $0x0;
	s15 =	ssub.s32 @!p1 $0x2, s16;
	p3 =	sgt.s32 @!p1 s17, $0x7F  }
0x24: {  	p2 =	por !p2, p1;
	s14 =	ssub.s32 @!p1 $0x40000, s14;
	p3 =	por !p3, p1  }
0x25: {  	s16 =	sadd.s32 $0x1, s11;
	s15 =	simm.s32 @!p2 $0x0;
	s14 =	simm.s32 @!p3 $0x0  }
0x26: {  	p2 =	sgt.s32 s16, $0xF;
	s14 =	smul.u32 @!p1 s14, s15;
	s15 =	sadd.s32 $0x1000, s12  }
0x27: {  	s18 =	smov.u32 @p2 s15  }
0x28: {  	s16 =	simm.s32 @p2 $0x0;
	p2 =	sgt.s32 s18, $0x3FFFF  }
0x29: {  	s18 =	smov.u32 @p2 s2;
	p2 =	sne.s32 s13, s7  }
.Ltmp1:
0x2a: {  	p0 =	por !p0, !p0;
	s17 =	simm.s32 @!p1 $0x2;
	(pc) =	sbr.rel @!p2 .LBB1_6-.Ltmp1, $4  }
0x2b: {  	s15 =	smov.u32 s9;
	s9 =	smov.u32 s11;
	s14 =	sand.u32 @!p1 $0x3FFFFFFE, s14  }
0x2c: {  	s11 =	smov.u32 s16;
	_ =	swait.ge @!p1 [sflag:s17], s14;
	s19 =	ssub.s32 @!p1 $0x0, s14  }
0x2d: {  	s14 =	smov.u32 s10;
	s13 =	sadd.s32 $0x1, s13;
	[sflag:s17] =	ssyncset.done @!p1 $0x0  }
0x2e: {  	s10 =	smov.u32 s12;
	s12 =	smov.u32 s18;
	[sflag:s17] =	ssyncadd.s32 @!p1 s19  }
.LBB1_1:
0x2f: {  	p1 =	sge.u32 s13, s6  }
0x30: {  	s31 =	sadd.s32 $0xFFFFFFFF, s13;
	s16 =	sxor.u32 @!p1 $0xFFFFFFFF, s13  }
0x31: {  	s17 =	sshll.u32 @!p1 s12, $0x8;
	s18 =	sshll.u32 @!p1 s11, $0x4;
	s19 =	simm.s32 @!p1 $0x800  }
0x32: {  	s16 =	sshll.u32 @!p1 s16, $0xC;
	s18 =	sand.u32 @!p1 $0xF0, s18;
	s17 =	sadd.s32 @!p1 s5, s17  }
0x33: {  	s16 =	sand.u32 @!p1 $0x1000, s16;
	s17 =	sadd.s32 @!p1 s18, s17;
	s18 =	simm.s32 @!p1 $0x20  }
0x34: {  	[tilespmem:s16], [sflag:$0x1] =	stream.strided.gather @!p1 [hbm4b:s17+s18], $0x1000, s19, s18, $0x38;
	[tilespmem:$0x4040] =	vst v63  }
0x35: {  	p1 =	sge.u32 s31, s6  }
.Ltmp2:
0x36: {  	_ = 	snop;
	(pc) =	sbr.rel @p1 .LBB1_5-.Ltmp2, $1  }
0x37: {  	_ =	sdelay $0x3  }
0x38: {  	s16 =	simm.s32 $0x1  }
0x39: {  	_ =	swait.ge [sflag:s4], $0x1000;
	s16 =	simm.s32 @!p0 $0x0  }
0x3a: {  	[sflag:s4] =	ssyncset.done $0x0;
	s17 =	sshll.u32 s16, $0xC  }
0x3b: {  	[sflag:s4] =	ssyncadd.s32 $0xFFFFF000;
	s20 =	sor.u32 $0x10, s17  }
0x3c: {  	s16 =	smul.u32 $0x4080, s16;
	v1 =	vld [tilespmem:s20+$0x0]  }
0x3d: {  	s30 =	sand.u32 $0x1, s13;
	v0 =	vld [tilespmem:s20+$0xFFFFFFF0]  }
0x3e: {  	s17 =	smul.u32 $0x4080, s30;
	s16 =	sshrl.u32 s16, $0x2  }
0x3f: {  	s18 =	sor.u32 $0x2000, s16  }
0x40: {  	s31 =	sshrl.u32 s17, $0x2;
	s17 =	sadd.s32 $0x0, s18  }
0x41: {  	s19 =	simm.s32 $0x4;
	s20 =	sadd.s32 $0x20, s20;
	s16 =	sor.u32 $0x2000, s31;
	[tilespmem:s17+$0x810 ss:$0x81] =	vst.msk $0xffff, v1  }
.LBB1_3:
0x42: {  	v1 =	vld [tilespmem:s20+$0x0];
	p1 =	sne.s32 s19, $0x1FC;
	[tilespmem:s17+$0x0 ss:$0x81] =	vst.msk $0xffff, v0;
	s17 =	smov.u32 s19;
	s19 =	sadd.s32 $0x4, s19  }
.Ltmp3:
0x43: {  	v0 =	vld [tilespmem:s20+$0xFFFFFFF0];
	(pc) =	sbr.rel @p1 .LBB1_3-.Ltmp3, $4  }
0x44: {  	_ = 	snop  }
0x45: {  	s17 =	sshra.s32 s17, $0x2  }
0x46: {  	s17 =	sadd.s32 s17, s18  }
0x47: {  	s20 =	sadd.s32 $0x20, s20;
	[tilespmem:s17+$0x810 ss:$0x81] =	vst.msk $0xffff, v1  }
.Ltmp4:
0x48: {  	_ = 	snop;
	(pc) =	sbr.rel .LBB1_4-.Ltmp4, $1  }
0x49: {  	_ =	sdelay $0x3  }
.LBB1_6:
0x4a: {  	_ =	sfence.sel $0x180000  }
0x4b: {  	s2 =	simm.s32 $0x1;
	[bflag:$0x0] =	sbarrier.arrive $0xFFFF  }
0x4c: {  	s31 =	simm.s32 $0x2;
	[sflag:s2] =	ssyncpa.u1 $0x1  }
0x4d: {  	[sflag:s31] =	ssyncpa.u1 $0x1  }
0x4e: {  	p0 =	sne.s32 s0, $0x0;
	_ =	strace $0x9000004D  }
0x4f: {  	s0 =	sadd.s32 @!p0 $0x100000, s1;
	[bflag:$0x2] =	sbarrier.arrive $0xFFFF  }
0x50: {  	[sflag:s0] =	ssyncadd.tile.s32 @!p0 $0x1;
	_ =	shalt  }
.Lfunc_end1:
_tile_overlayer_lowered:
.L_overlay_start_2:
0x51: {  	(tag) =	ssettag $0x2  }
0x52: {  	s0 =	rddreg [dreg:$0x0];
	s2 =	stileid.u32  }
0x53: {  	s1 =	rddreg [dreg:$0x1];
	p0 =	sne.s32 s2, $0x0  }
0x54: {  	s3 =	rddreg [dreg:$0x2];
	[bflag:$0x3] =	sbarrier.arrive $0xFFFF;
	s2 =	simm.s32 @!p0 $0x1C01  }
0x55: {  	[timem:s3], [sflag:s2] =	dma.local @!p0 [hbm:s0], s1  }
0x56: {  	s0 =	simm.s32 @!p0 $0x1  }
0x57: {  	_ =	swait.ge @!p0 [sflag:s0], s1  }
0x58: {  	s1 =	ssub.s32 @!p0 $0x0, s1;
	[sflag:s0] =	ssyncset.done @!p0 $0x0  }
0x59: {  	[sflag:s0] =	ssyncadd.s32 @!p0 s1  }
0x5a: {  	[bflag:$0x3] =	sbarrier.arrive $0xFFFF  }
0x5b: {  	_ =	shalt  }

</sc_bundles>
